<compile_context>
chip_gen: v7x
topology: tpu7x:2x2x1
jax: 0.10.2.dev20260603
libtpu: 0.0.44.dev20260713+nightly
codegen_flags: <defaults>
</compile_context>

<pallas_src>
import functools

import jax
import jax.numpy as jnp
import numpy as np
from jax import lax
from jax.experimental import pallas as pl
from jax.experimental.pallas import tpu as pltpu
from jax.experimental.pallas import tpu_sc as plsc

N = 10000
D = 128
NC = 2
NS = 16
NW = NC * NS
N_PAD = 10240
ROWS_PER_SUB = N_PAD // NS
CH = 128
BLK = 8
RB = 1280
NCHT = 80


def _mesh():
    return plsc.VectorSubcoreMesh(core_axis_name="c", subcore_axis_name="s")


def _fill_ones(ones_v):
    for i in range(CH // 16):
        ones_v[pl.ds(16 * i, 16)] = jnp.ones((16,), jnp.float32)





def _deg_body(ei_hbm, zc_hbm, out_hbm, src_v, ones_v, cbuf, outc_sh, csem):
    c = lax.axis_index("c")
    s = lax.axis_index("s")
    wid = c * NS + s
    nch = NCHT
    pltpu.sync_copy(ei_hbm.at[0, pl.ds(wid * NCHT, NCHT)], src_v)
    _fill_ones(ones_v)
    t0 = s * ROWS_PER_SUB
    pltpu.sync_copy(zc_hbm, cbuf)
    pltpu.sync_copy(cbuf, outc_sh.at[pl.ds(t0, ROWS_PER_SUB)])
    plsc.subcore_barrier()

    def cnt_wait():
        pltpu.make_async_copy(ones_v, outc_sh.at[src_v.at[0]], csem).wait()

    @pl.loop(0, nch)
    def _(j):
        pltpu.async_copy(ones_v, outc_sh.at[src_v.at[j]], csem, add=True)

        @pl.when(j >= 4)
        def _():
            cnt_wait()

    for _ in range(4):
        cnt_wait()
    plsc.subcore_barrier()
    pltpu.sync_copy(outc_sh.at[pl.ds(t0, ROWS_PER_SUB)], cbuf)
    pltpu.sync_copy(cbuf, out_hbm.at[c, pl.ds(t0, ROWS_PER_SUB)])



def _agg_body(h_hbm, ei_hbm, zagg_hbm, zc_hbm, agg_out, inc_out,
              sb0, sb1, db0, db1, rows0, rows1, ones_v, cbuf, agg_sh, inc_sh,
              gsem0, gsem1, ssem0, ssem1, isem, csem):
    c = lax.axis_index("c")
    s = lax.axis_index("s")
    wid = c * NS + s
    base = wid * NCHT
    nblk = NCHT // BLK
    _fill_ones(ones_v)
    t0 = s * ROWS_PER_SUB
    pltpu.sync_copy(zagg_hbm, rows0)
    for k in range(ROWS_PER_SUB // CH):
        pltpu.sync_copy(rows0, agg_sh.at[pl.ds(t0 + k * CH, CH)])
    pltpu.sync_copy(zc_hbm, cbuf)
    pltpu.sync_copy(cbuf, inc_sh.at[pl.ds(t0, ROWS_PER_SUB)])
    pltpu.sync_copy(ei_hbm.at[0, pl.ds(base, BLK)], sb0)
    pltpu.sync_copy(ei_hbm.at[1, pl.ds(base, BLK)], db0)
    plsc.subcore_barrier()

    sb = (sb0, sb1)
    db = (db0, db1)
    rows = (rows0, rows1)
    gsem = (gsem0, gsem1)
    ssem = (ssem0, ssem1)

    def cnt_wait():
        pltpu.make_async_copy(ones_v, inc_sh.at[sb0.at[0]], csem).wait()

    def sct_wait(i):
        pltpu.make_async_copy(rows[i], agg_sh.at[sb0.at[0]], ssem[i]).wait()

    def iblk_wait(buf_i):
        pltpu.make_async_copy(ei_hbm.at[0, pl.ds(base, BLK)], sb[buf_i],
                              isem).wait()
        pltpu.make_async_copy(ei_hbm.at[1, pl.ds(base, BLK)], db[buf_i],
                              isem).wait()

    pltpu.async_copy(h_hbm.at[sb0.at[0]], rows0, gsem0)

    @pl.loop(0, nblk, step=2)
    def _(bi):
        for hh in range(2):
            kb = bi + hh
            for b in range(BLK):
                jj = kb * BLK + b
                pltpu.make_async_copy(
                    h_hbm.at[sb[hh].at[b]], rows[b % 2], gsem[b % 2]).wait()

                @pl.when(jj >= 1)
                def _():
                    sct_wait(1 - b % 2)
                    cnt_wait()

                if b == 0:
                    @pl.when(kb < nblk - 1)
                    def _():
                        nxt = base + (kb + 1) * BLK
                        pltpu.async_copy(
                            ei_hbm.at[0, pl.ds(nxt, BLK)], sb[1 - hh], isem)
                        pltpu.async_copy(
                            ei_hbm.at[1, pl.ds(nxt, BLK)], db[1 - hh], isem)
                if b == BLK - 2:
                    @pl.when(kb < nblk - 1)
                    def _():
                        iblk_wait(1 - hh)
                if b < BLK - 1:
                    pltpu.async_copy(h_hbm.at[sb[hh].at[b + 1]],
                                     rows[1 - b % 2], gsem[1 - b % 2])
                else:
                    @pl.when(kb < nblk - 1)
                    def _():
                        pltpu.async_copy(h_hbm.at[sb[1 - hh].at[0]],
                                         rows[1 - b % 2], gsem[1 - b % 2])
                pltpu.async_copy(ones_v, inc_sh.at[db[hh].at[b]], csem,
                                 add=True)
                pltpu.async_copy(rows[b % 2], agg_sh.at[db[hh].at[b]],
                                 ssem[b % 2], add=True)

    sct_wait(1)
    cnt_wait()
    plsc.subcore_barrier()
    nwb = ROWS_PER_SUB // CH
    pltpu.sync_copy(agg_sh.at[pl.ds(t0, CH)], rows0)
    for k in range(nwb):
        r = rows[k % 2]
        if k + 1 < nwb:
            pltpu.async_copy(agg_sh.at[pl.ds(t0 + (k + 1) * CH, CH)],
                             rows[1 - k % 2], gsem[1 - k % 2])
        pltpu.sync_copy(r, agg_out.at[c, pl.ds(t0 + k * CH, CH)])
        if k + 1 < nwb:
            pltpu.make_async_copy(agg_sh.at[pl.ds(t0 + (k + 1) * CH, CH)],
                                  rows[1 - k % 2], gsem[1 - k % 2]).wait()
    pltpu.sync_copy(inc_sh.at[pl.ds(t0, ROWS_PER_SUB)], cbuf)
    pltpu.sync_copy(cbuf, inc_out.at[c, pl.ds(t0, ROWS_PER_SUB)])



def _scale_body(x_ref, dp_ref, o_ref):
    d = jnp.reshape(dp_ref[0] + dp_ref[1], (RB, 1))
    o_ref[...] = x_ref[...] * lax.rsqrt(jnp.maximum(d, 1.0))



def _final_body(p_ref, w_ref, dp_ref, b_ref, o_ref):
    agg = p_ref[0] + p_ref[1]
    rst = jnp.dot(agg, w_ref[...], preferred_element_type=jnp.float32)
    d = jnp.reshape(dp_ref[0] + dp_ref[1], (RB, 1))
    o_ref[...] = rst * lax.rsqrt(jnp.maximum(d, 1.0)) + b_ref[...]


def kernel(feat, edge_index, weight, bias):
    e = edge_index.shape[1]
    e_cap = NW * NCHT * CH
    assert e <= e_cap
    pad = np.tile((N + np.arange(e_cap - e) % (N_PAD - N))
                  .astype(np.int32)[None, :], (2, 1))
    ei3 = jnp.concatenate([edge_index, pad], axis=1).reshape(
        2, e_cap // CH, CH)
    feat_pad = jnp.pad(feat, ((0, N_PAD - N), (0, 0)))
    zc = jnp.zeros((ROWS_PER_SUB,), jnp.float32)
    zagg = jnp.zeros((CH, D), jnp.float32)

    deg_fn = functools.partial(
        pl.kernel,
        out_type=jax.ShapeDtypeStruct((NC, N_PAD), jnp.float32),
        mesh=_mesh(),
        scratch_types=[
            pltpu.VMEM((NCHT, CH), jnp.int32),
            pltpu.VMEM((CH,), jnp.float32),
            pltpu.VMEM((ROWS_PER_SUB,), jnp.float32),
            pltpu.VMEM_SHARED((N_PAD,), jnp.float32),
            pltpu.SemaphoreType.DMA,
        ],
    )(_deg_body)
    odegp = deg_fn(ei3, zc)

    h = pl.pallas_call(
        _scale_body,
        grid=(N_PAD // RB,),
        in_specs=[
            pl.BlockSpec((RB, D), lambda b: (b, 0)),
            pl.BlockSpec((NC, RB), lambda b: (0, b)),
        ],
        out_specs=pl.BlockSpec((RB, D), lambda b: (b, 0)),
        out_shape=jax.ShapeDtypeStruct((N_PAD, D), jnp.float32),
    )(feat_pad, odegp)

    agg_fn = functools.partial(
        pl.kernel,
        out_type=(jax.ShapeDtypeStruct((NC, N_PAD, D), jnp.float32),
                  jax.ShapeDtypeStruct((NC, N_PAD), jnp.float32)),
        mesh=_mesh(),
        scratch_types=[
            pltpu.VMEM((BLK, CH), jnp.int32),
            pltpu.VMEM((BLK, CH), jnp.int32),
            pltpu.VMEM((BLK, CH), jnp.int32),
            pltpu.VMEM((BLK, CH), jnp.int32),
            pltpu.VMEM((CH, D), jnp.float32),
            pltpu.VMEM((CH, D), jnp.float32),
            pltpu.VMEM((CH,), jnp.float32),
            pltpu.VMEM((ROWS_PER_SUB,), jnp.float32),
            pltpu.VMEM_SHARED((N_PAD, D), jnp.float32),
            pltpu.VMEM_SHARED((N_PAD,), jnp.float32),
            pltpu.SemaphoreType.DMA,
            pltpu.SemaphoreType.DMA,
            pltpu.SemaphoreType.DMA,
            pltpu.SemaphoreType.DMA,
            pltpu.SemaphoreType.DMA,
            pltpu.SemaphoreType.DMA,
        ],
    )(_agg_body)
    aggp, idegp = agg_fn(h, ei3, zagg, zc)

    out = pl.pallas_call(
        _final_body,
        grid=(N_PAD // RB,),
        in_specs=[
            pl.BlockSpec((NC, RB, D), lambda b: (0, b, 0)),
            pl.BlockSpec((D, D), lambda b: (0, 0)),
            pl.BlockSpec((NC, RB), lambda b: (0, b)),
            pl.BlockSpec((1, D), lambda b: (0, 0)),
        ],
        out_specs=pl.BlockSpec((RB, D), lambda b: (b, 0)),
        out_shape=jax.ShapeDtypeStruct((N, D), jnp.float32),
    )(aggp, weight, idegp, bias[None, :])
    return out

# --- scband reference (transcript-rebuilt; emitter-appended) ---
"""Pipeline reference for scband-graph-conv-79250736545937 (READ-ONLY COPY).

The authoritative reference and input builder live on the scoring server;
editing this copy changes nothing except your own understanding.
"""

import jax, jax.numpy as jnp
import numpy as np

N = 10000
E = 320000
D_IN = 128
D_OUT = 128


def setup_inputs(seed: int = 0) -> dict:
    key = jax.random.key(seed)
    k1, k2, k3, k4 = jax.random.split(key, 4)
    feat = jax.random.normal(k1, (N, D_IN), dtype=jnp.float32)
    edge_index = jax.random.randint(k2, (2, E), 0, N, dtype=jnp.int32)
    # Glorot uniform init for weight, zeros for bias (matches reset_parameters)
    limit = float(np.sqrt(6.0 / (D_IN + D_OUT)))
    weight = jax.random.uniform(k3, (D_IN, D_OUT), dtype=jnp.float32, minval=-limit, maxval=limit)
    bias = jnp.zeros((D_OUT,), dtype=jnp.float32)
    return {"feat": feat, "edge_index": edge_index, "weight": weight, "bias": bias}


def reference(feat, edge_index, weight, bias):
    src = edge_index[0]
    dst = edge_index[1]
    n = feat.shape[0]
    # out-degree normalization of source features (symmetric norm, left half)
    out_deg = jnp.clip(jnp.bincount(src, length=n).astype(jnp.float32), 1.0)
    norm_src = jnp.power(out_deg, -0.5)[:, None]
    h = feat * norm_src
    # in_feats == out_feats -> aggregate first (copy_u + sum), then matmul
    agg = jax.ops.segment_sum(h[src], dst, num_segments=n)
    rst = jnp.matmul(agg, weight)
    # in-degree normalization of destination (symmetric norm, right half)
    in_deg = jnp.clip(jnp.bincount(dst, length=n).astype(jnp.float32), 1.0)
    norm_dst = jnp.power(in_deg, -0.5)[:, None]
    rst = rst * norm_dst
    rst = rst + bias
    return rst

if __name__ == "__main__":
    import jax
    _d = setup_inputs()
    print(jax.jit(kernel)(*tuple(_d.values())))

</pallas_src>

<mosaic_0001>
#map = affine_map<(d0, d1) -> (0, 0, 0)>
#map1 = affine_map<(d0, d1) -> (0)>
#map2 = affine_map<(d0, d1) -> (0, 0)>
module attributes {stable_mosaic.version = 14 : i64} {
  func.func @_deg_body(%arg0: i32, %arg1: i32, %arg2: memref<2x2560x128xi32, #tpu.memory_space<hbm>>, %arg3: memref<640xf32, #tpu.memory_space<hbm>>, %arg4: memref<2x10240xf32, #tpu.memory_space<hbm>>, %arg5: memref<80x128xi32, #tpu.memory_space<vmem>>, %arg6: memref<128xf32, #tpu.memory_space<vmem>>, %arg7: memref<640xf32, #tpu.memory_space<vmem>>, %arg8: memref<10240xf32, #tpu.memory_space<vmem_shared>>, %arg9: memref<!tpu.dma_semaphore, #tpu.memory_space<semaphore_mem>>) attributes {dimension_semantics = [#tpu.dimension_semantics<core_parallel>, #tpu.dimension_semantics<subcore_parallel>], iteration_bounds = array<i64: 2, 16>, scalar_prefetch = 0 : i64, scratch_operands = 5 : i64, tpu.core_type = #tpu.core_type<sc_vector_subcore>, window_params = [{transform_indices = #map}, {transform_indices = #map1}, {transform_indices = #map2}]} {
    %mul3A = arith.constant 16 : i32
    %mul3A_0 = arith.muli %arg0, %mul3A : i32
    %add3A = arith.addi %mul3A_0, %arg1 : i32
    %mul3A_1 = arith.constant 80 : i32
    %mul3A_2 = arith.muli %add3A, %mul3A_1 : i32
    %run_scoped3A = arith.constant 0 : i32
    "tpu.region"() ({
      %run_scoped3A_79 = tpu.sem_alloc : memref<!tpu.dma_semaphore, #tpu.memory_space<semaphore_mem>>
      %dma_start3A = arith.constant 0 : i32
      %dma_start3A_80 = tpu.memref_slice %arg2[%run_scoped3A, %mul3A_2, %dma_start3A] : memref<2x2560x128xi32, #tpu.memory_space<hbm>> -> memref<1x80x128xi32, #tpu.memory_space<hbm>>
      %dma_start3A_81 = tpu.memref_squeeze %dma_start3A_80 : memref<1x80x128xi32, #tpu.memory_space<hbm>> -> memref<80x128xi32, #tpu.memory_space<hbm>>
      %dma_start3A_82 = arith.constant 0 : i32
      %dma_start3A_83 = tpu.memref_slice %arg2[%run_scoped3A, %mul3A_2, %dma_start3A_82] : memref<2x2560x128xi32, #tpu.memory_space<hbm>> -> memref<1x80x128xi32, #tpu.memory_space<hbm>>
      %dma_start3A_84 = tpu.memref_squeeze %dma_start3A_83 : memref<1x80x128xi32, #tpu.memory_space<hbm>> -> memref<80x128xi32, #tpu.memory_space<hbm>>
      tpu.enqueue_dma source(%dma_start3A_84 : memref<80x128xi32, #tpu.memory_space<hbm>>) target(%arg5 : memref<80x128xi32, #tpu.memory_space<vmem>>) target_semaphore(%run_scoped3A_79 : memref<!tpu.dma_semaphore, #tpu.memory_space<semaphore_mem>>)
      %dma_wait3A_85 = arith.constant 0 : i32
      %dma_wait3A_86 = tpu.memref_slice %arg2[%run_scoped3A, %mul3A_2, %dma_wait3A_85] : memref<2x2560x128xi32, #tpu.memory_space<hbm>> -> memref<1x80x128xi32, #tpu.memory_space<hbm>>
      %dma_wait3A_87 = tpu.memref_squeeze %dma_wait3A_86 : memref<1x80x128xi32, #tpu.memory_space<hbm>> -> memref<80x128xi32, #tpu.memory_space<hbm>>
      %dma_wait3A_88 = arith.constant 0 : i32
      %dma_wait3A_89 = tpu.memref_slice %arg2[%run_scoped3A, %mul3A_2, %dma_wait3A_88] : memref<2x2560x128xi32, #tpu.memory_space<hbm>> -> memref<1x80x128xi32, #tpu.memory_space<hbm>>
      %dma_wait3A_90 = tpu.memref_squeeze %dma_wait3A_89 : memref<1x80x128xi32, #tpu.memory_space<hbm>> -> memref<80x128xi32, #tpu.memory_space<hbm>>
      tpu.wait_dma2 semaphore(%run_scoped3A_79 : memref<!tpu.dma_semaphore, #tpu.memory_space<semaphore_mem>>) src(%dma_wait3A_90 : memref<80x128xi32, #tpu.memory_space<hbm>>) dst(%arg5 : memref<80x128xi32, #tpu.memory_space<vmem>>)
      tpu.yield
    }) : () -> ()
    %broadcast_in_dim3A = arith.constant 1.000000e+00 : f32
    %broadcast_in_dim3A_3 = vector.broadcast %broadcast_in_dim3A : f32 to vector<16xf32>
    %swap3A = arith.constant 0 : index
    %swap3A_4 = tpu.vector_load %arg6[%swap3A] {strides = array<i32>} : memref<128xf32, #tpu.memory_space<vmem>>, vector<16xf32>,
    %swap3A_5 = vector.shape_cast %swap3A_4 : vector<16xf32> to vector<16xf32>
    %swap3A_6 = vector.shape_cast %broadcast_in_dim3A_3 : vector<16xf32> to vector<16xf32>
    tpu.vector_store %arg6[%swap3A], %swap3A_6 {strides = array<i32>} : memref<128xf32, #tpu.memory_space<vmem>>, vector<16xf32>,
    %broadcast_in_dim3A_7 = arith.constant 1.000000e+00 : f32
    %broadcast_in_dim3A_8 = vector.broadcast %broadcast_in_dim3A_7 : f32 to vector<16xf32>
    %swap3A_9 = arith.constant 16 : index
    %swap3A_10 = tpu.vector_load %arg6[%swap3A_9] {strides = array<i32>} : memref<128xf32, #tpu.memory_space<vmem>>, vector<16xf32>,
    %swap3A_11 = vector.shape_cast %swap3A_10 : vector<16xf32> to vector<16xf32>
    %swap3A_12 = vector.shape_cast %broadcast_in_dim3A_8 : vector<16xf32> to vector<16xf32>
    tpu.vector_store %arg6[%swap3A_9], %swap3A_12 {strides = array<i32>} : memref<128xf32, #tpu.memory_space<vmem>>, vector<16xf32>,
    %broadcast_in_dim3A_13 = arith.constant 1.000000e+00 : f32
    %broadcast_in_dim3A_14 = vector.broadcast %broadcast_in_dim3A_13 : f32 to vector<16xf32>
    %swap3A_15 = arith.constant 32 : index
    %swap3A_16 = tpu.vector_load %arg6[%swap3A_15] {strides = array<i32>} : memref<128xf32, #tpu.memory_space<vmem>>, vector<16xf32>,
    %swap3A_17 = vector.shape_cast %swap3A_16 : vector<16xf32> to vector<16xf32>
    %swap3A_18 = vector.shape_cast %broadcast_in_dim3A_14 : vector<16xf32> to vector<16xf32>
    tpu.vector_store %arg6[%swap3A_15], %swap3A_18 {strides = array<i32>} : memref<128xf32, #tpu.memory_space<vmem>>, vector<16xf32>,
    %broadcast_in_dim3A_19 = arith.constant 1.000000e+00 : f32
    %broadcast_in_dim3A_20 = vector.broadcast %broadcast_in_dim3A_19 : f32 to vector<16xf32>
    %swap3A_21 = arith.constant 48 : index
    %swap3A_22 = tpu.vector_load %arg6[%swap3A_21] {strides = array<i32>} : memref<128xf32, #tpu.memory_space<vmem>>, vector<16xf32>,
    %swap3A_23 = vector.shape_cast %swap3A_22 : vector<16xf32> to vector<16xf32>
    %swap3A_24 = vector.shape_cast %broadcast_in_dim3A_20 : vector<16xf32> to vector<16xf32>
    tpu.vector_store %arg6[%swap3A_21], %swap3A_24 {strides = array<i32>} : memref<128xf32, #tpu.memory_space<vmem>>, vector<16xf32>,
    %broadcast_in_dim3A_25 = arith.constant 1.000000e+00 : f32
    %broadcast_in_dim3A_26 = vector.broadcast %broadcast_in_dim3A_25 : f32 to vector<16xf32>
    %swap3A_27 = arith.constant 64 : index
    %swap3A_28 = tpu.vector_load %arg6[%swap3A_27] {strides = array<i32>} : memref<128xf32, #tpu.memory_space<vmem>>, vector<16xf32>,
    %swap3A_29 = vector.shape_cast %swap3A_28 : vector<16xf32> to vector<16xf32>
    %swap3A_30 = vector.shape_cast %broadcast_in_dim3A_26 : vector<16xf32> to vector<16xf32>
    tpu.vector_store %arg6[%swap3A_27], %swap3A_30 {strides = array<i32>} : memref<128xf32, #tpu.memory_space<vmem>>, vector<16xf32>,
    %broadcast_in_dim3A_31 = arith.constant 1.000000e+00 : f32
    %broadcast_in_dim3A_32 = vector.broadcast %broadcast_in_dim3A_31 : f32 to vector<16xf32>
    %swap3A_33 = arith.constant 80 : index
    %swap3A_34 = tpu.vector_load %arg6[%swap3A_33] {strides = array<i32>} : memref<128xf32, #tpu.memory_space<vmem>>, vector<16xf32>,
    %swap3A_35 = vector.shape_cast %swap3A_34 : vector<16xf32> to vector<16xf32>
    %swap3A_36 = vector.shape_cast %broadcast_in_dim3A_32 : vector<16xf32> to vector<16xf32>
    tpu.vector_store %arg6[%swap3A_33], %swap3A_36 {strides = array<i32>} : memref<128xf32, #tpu.memory_space<vmem>>, vector<16xf32>,
    %broadcast_in_dim3A_37 = arith.constant 1.000000e+00 : f32
    %broadcast_in_dim3A_38 = vector.broadcast %broadcast_in_dim3A_37 : f32 to vector<16xf32>
    %swap3A_39 = arith.constant 96 : index
    %swap3A_40 = tpu.vector_load %arg6[%swap3A_39] {strides = array<i32>} : memref<128xf32, #tpu.memory_space<vmem>>, vector<16xf32>,
    %swap3A_41 = vector.shape_cast %swap3A_40 : vector<16xf32> to vector<16xf32>
    %swap3A_42 = vector.shape_cast %broadcast_in_dim3A_38 : vector<16xf32> to vector<16xf32>
    tpu.vector_store %arg6[%swap3A_39], %swap3A_42 {strides = array<i32>} : memref<128xf32, #tpu.memory_space<vmem>>, vector<16xf32>,
    %broadcast_in_dim3A_43 = arith.constant 1.000000e+00 : f32
    %broadcast_in_dim3A_44 = vector.broadcast %broadcast_in_dim3A_43 : f32 to vector<16xf32>
    %swap3A_45 = arith.constant 112 : index
    %swap3A_46 = tpu.vector_load %arg6[%swap3A_45] {strides = array<i32>} : memref<128xf32, #tpu.memory_space<vmem>>, vector<16xf32>,
    %swap3A_47 = vector.shape_cast %swap3A_46 : vector<16xf32> to vector<16xf32>
    %swap3A_48 = vector.shape_cast %broadcast_in_dim3A_44 : vector<16xf32> to vector<16xf32>
    tpu.vector_store %arg6[%swap3A_45], %swap3A_48 {strides = array<i32>} : memref<128xf32, #tpu.memory_space<vmem>>, vector<16xf32>,
    %mul3A_49 = arith.constant 640 : i32
    %mul3A_50 = arith.muli %arg1, %mul3A_49 : i32
    "tpu.region"() ({
      %run_scoped3A_79 = tpu.sem_alloc : memref<!tpu.dma_semaphore, #tpu.memory_space<semaphore_mem>>
      tpu.enqueue_dma source(%arg3 : memref<640xf32, #tpu.memory_space<hbm>>) target(%arg7 : memref<640xf32, #tpu.memory_space<vmem>>) target_semaphore(%run_scoped3A_79 : memref<!tpu.dma_semaphore, #tpu.memory_space<semaphore_mem>>)
      tpu.wait_dma2 semaphore(%run_scoped3A_79 : memref<!tpu.dma_semaphore, #tpu.memory_space<semaphore_mem>>) src(%arg3 : memref<640xf32, #tpu.memory_space<hbm>>) dst(%arg7 : memref<640xf32, #tpu.memory_space<vmem>>)
      tpu.yield
    }) : () -> ()
    "tpu.region"() ({
      %run_scoped3A_79 = tpu.sem_alloc : memref<!tpu.dma_semaphore, #tpu.memory_space<semaphore_mem>>
      %dma_start3A = tpu.memref_slice %arg8[%mul3A_50] : memref<10240xf32, #tpu.memory_space<vmem_shared>> -> memref<640xf32, #tpu.memory_space<vmem_shared>>
      %dma_start3A_80 = tpu.memref_slice %arg8[%mul3A_50] : memref<10240xf32, #tpu.memory_space<vmem_shared>> -> memref<640xf32, #tpu.memory_space<vmem_shared>>
      tpu.enqueue_dma source(%arg7 : memref<640xf32, #tpu.memory_space<vmem>>) target(%dma_start3A_80 : memref<640xf32, #tpu.memory_space<vmem_shared>>) target_semaphore(%run_scoped3A_79 : memref<!tpu.dma_semaphore, #tpu.memory_space<semaphore_mem>>)
      %dma_wait3A_81 = tpu.memref_slice %arg8[%mul3A_50] : memref<10240xf32, #tpu.memory_space<vmem_shared>> -> memref<640xf32, #tpu.memory_space<vmem_shared>>
      %dma_wait3A_82 = tpu.memref_slice %arg8[%mul3A_50] : memref<10240xf32, #tpu.memory_space<vmem_shared>> -> memref<640xf32, #tpu.memory_space<vmem_shared>>
      tpu.wait_dma2 semaphore(%run_scoped3A_79 : memref<!tpu.dma_semaphore, #tpu.memory_space<semaphore_mem>>) src(%arg7 : memref<640xf32, #tpu.memory_space<vmem>>) dst(%dma_wait3A_82 : memref<640xf32, #tpu.memory_space<vmem_shared>>)
      tpu.yield
    }) : () -> ()
    %barrier3A = arith.constant 0 : index
    tpu.barrier barrier_id(%barrier3A)
    %scan3A = arith.constant 0 : i32
    %scan3A_51 = arith.constant 80 : i32
    %scan3A_52 = arith.addi %scan3A, %scan3A_51 : i32
    %scan3A_53 = arith.constant 1 : i32
    scf.for %scan3A_79 = %scan3A to %scan3A_52 step %scan3A_53  : i32 {
      %mul3A_80 = arith.constant 1 : i32
      %mul3A_81 = arith.muli %scan3A_79, %mul3A_80 : i32
      %add3A_82 = arith.constant 0 : i32
      %add3A_83 = arith.addi %add3A_82, %mul3A_81 : i32
      %dma_start3A = arith.constant 0 : i32
      %dma_start3A_84 = tpu.memref_slice %arg5[%add3A_83, %dma_start3A] : memref<80x128xi32, #tpu.memory_space<vmem>> -> memref<1x128xi32, #tpu.memory_space<vmem>>
      %dma_start3A_85 = tpu.memref_squeeze %dma_start3A_84 : memref<1x128xi32, #tpu.memory_space<vmem>> -> memref<128xi32, #tpu.memory_space<vmem>>
      %dma_start3A_86 = arith.constant 0 : i32
      %dma_start3A_87 = tpu.memref_slice %arg8[%dma_start3A_86] : memref<10240xf32, #tpu.memory_space<vmem_shared>> -> memref<10240xf32, #tpu.memory_space<vmem_shared>>
      tpu.enqueue_indirect_dma source(%arg6 : memref<128xf32, #tpu.memory_space<vmem>>) target(%dma_start3A_87 : memref<10240xf32, #tpu.memory_space<vmem_shared>>) offsets(%dma_start3A_85 : memref<128xi32, #tpu.memory_space<vmem>>) semaphore(%arg9 : memref<!tpu.dma_semaphore, #tpu.memory_space<semaphore_mem>>) {add = true}
      %ge3A = arith.constant 4 : i32
      %ge3A_88 = arith.cmpi sge, %add3A_83, %ge3A : i32
      %convert_element_type3A = arith.extui %ge3A_88 : i1 to i32
      %cond3A = arith.constant 0 : i32
      %cond3A_89 = arith.cmpi ne, %convert_element_type3A, %cond3A : i32
      scf.if %cond3A_89 {
        %dma_wait3A_90 = arith.constant 0 : i32
        %dma_wait3A_91 = arith.constant 0 : i32
        %dma_wait3A_92 = tpu.memref_slice %arg5[%dma_wait3A_90, %dma_wait3A_91] : memref<80x128xi32, #tpu.memory_space<vmem>> -> memref<1x128xi32, #tpu.memory_space<vmem>>
        %dma_wait3A_93 = tpu.memref_squeeze %dma_wait3A_92 : memref<1x128xi32, #tpu.memory_space<vmem>> -> memref<128xi32, #tpu.memory_space<vmem>>
        %dma_wait3A_94 = arith.constant 0 : i32
        %dma_wait3A_95 = tpu.memref_slice %arg8[%dma_wait3A_94] : memref<10240xf32, #tpu.memory_space<vmem_shared>> -> memref<10240xf32, #tpu.memory_space<vmem_shared>>
        tpu.wait_indirect_dma semaphore(%arg9 : memref<!tpu.dma_semaphore, #tpu.memory_space<semaphore_mem>>) src(%arg6 : memref<128xf32, #tpu.memory_space<vmem>>) dst(%dma_wait3A_95 : memref<10240xf32, #tpu.memory_space<vmem_shared>>)
      } else {
      }
    }
    %scan3A_54 = arith.constant 80 : i32
    %dma_wait3A = arith.constant 0 : i32
    %dma_wait3A_55 = arith.constant 0 : i32
    %dma_wait3A_56 = tpu.memref_slice %arg5[%dma_wait3A, %dma_wait3A_55] : memref<80x128xi32, #tpu.memory_space<vmem>> -> memref<1x128xi32, #tpu.memory_space<vmem>>
    %dma_wait3A_57 = tpu.memref_squeeze %dma_wait3A_56 : memref<1x128xi32, #tpu.memory_space<vmem>> -> memref<128xi32, #tpu.memory_space<vmem>>
    %dma_wait3A_58 = arith.constant 0 : i32
    %dma_wait3A_59 = tpu.memref_slice %arg8[%dma_wait3A_58] : memref<10240xf32, #tpu.memory_space<vmem_shared>> -> memref<10240xf32, #tpu.memory_space<vmem_shared>>
    tpu.wait_indirect_dma semaphore(%arg9 : memref<!tpu.dma_semaphore, #tpu.memory_space<semaphore_mem>>) src(%arg6 : memref<128xf32, #tpu.memory_space<vmem>>) dst(%dma_wait3A_59 : memref<10240xf32, #tpu.memory_space<vmem_shared>>)
    %dma_wait3A_60 = arith.constant 0 : i32
    %dma_wait3A_61 = arith.constant 0 : i32
    %dma_wait3A_62 = tpu.memref_slice %arg5[%dma_wait3A_60, %dma_wait3A_61] : memref<80x128xi32, #tpu.memory_space<vmem>> -> memref<1x128xi32, #tpu.memory_space<vmem>>
    %dma_wait3A_63 = tpu.memref_squeeze %dma_wait3A_62 : memref<1x128xi32, #tpu.memory_space<vmem>> -> memref<128xi32, #tpu.memory_space<vmem>>
    %dma_wait3A_64 = arith.constant 0 : i32
    %dma_wait3A_65 = tpu.memref_slice %arg8[%dma_wait3A_64] : memref<10240xf32, #tpu.memory_space<vmem_shared>> -> memref<10240xf32, #tpu.memory_space<vmem_shared>>
    tpu.wait_indirect_dma semaphore(%arg9 : memref<!tpu.dma_semaphore, #tpu.memory_space<semaphore_mem>>) src(%arg6 : memref<128xf32, #tpu.memory_space<vmem>>) dst(%dma_wait3A_65 : memref<10240xf32, #tpu.memory_space<vmem_shared>>)
    %dma_wait3A_66 = arith.constant 0 : i32
    %dma_wait3A_67 = arith.constant 0 : i32
    %dma_wait3A_68 = tpu.memref_slice %arg5[%dma_wait3A_66, %dma_wait3A_67] : memref<80x128xi32, #tpu.memory_space<vmem>> -> memref<1x128xi32, #tpu.memory_space<vmem>>
    %dma_wait3A_69 = tpu.memref_squeeze %dma_wait3A_68 : memref<1x128xi32, #tpu.memory_space<vmem>> -> memref<128xi32, #tpu.memory_space<vmem>>
    %dma_wait3A_70 = arith.constant 0 : i32
    %dma_wait3A_71 = tpu.memref_slice %arg8[%dma_wait3A_70] : memref<10240xf32, #tpu.memory_space<vmem_shared>> -> memref<10240xf32, #tpu.memory_space<vmem_shared>>
    tpu.wait_indirect_dma semaphore(%arg9 : memref<!tpu.dma_semaphore, #tpu.memory_space<semaphore_mem>>) src(%arg6 : memref<128xf32, #tpu.memory_space<vmem>>) dst(%dma_wait3A_71 : memref<10240xf32, #tpu.memory_space<vmem_shared>>)
    %dma_wait3A_72 = arith.constant 0 : i32
    %dma_wait3A_73 = arith.constant 0 : i32
    %dma_wait3A_74 = tpu.memref_slice %arg5[%dma_wait3A_72, %dma_wait3A_73] : memref<80x128xi32, #tpu.memory_space<vmem>> -> memref<1x128xi32, #tpu.memory_space<vmem>>
    %dma_wait3A_75 = tpu.memref_squeeze %dma_wait3A_74 : memref<1x128xi32, #tpu.memory_space<vmem>> -> memref<128xi32, #tpu.memory_space<vmem>>
    %dma_wait3A_76 = arith.constant 0 : i32
    %dma_wait3A_77 = tpu.memref_slice %arg8[%dma_wait3A_76] : memref<10240xf32, #tpu.memory_space<vmem_shared>> -> memref<10240xf32, #tpu.memory_space<vmem_shared>>
    tpu.wait_indirect_dma semaphore(%arg9 : memref<!tpu.dma_semaphore, #tpu.memory_space<semaphore_mem>>) src(%arg6 : memref<128xf32, #tpu.memory_space<vmem>>) dst(%dma_wait3A_77 : memref<10240xf32, #tpu.memory_space<vmem_shared>>)
    %barrier3A_78 = arith.constant 0 : index
    tpu.barrier barrier_id(%barrier3A_78)
    "tpu.region"() ({
      %run_scoped3A_79 = tpu.sem_alloc : memref<!tpu.dma_semaphore, #tpu.memory_space<semaphore_mem>>
      %dma_start3A = tpu.memref_slice %arg8[%mul3A_50] : memref<10240xf32, #tpu.memory_space<vmem_shared>> -> memref<640xf32, #tpu.memory_space<vmem_shared>>
      %dma_start3A_80 = tpu.memref_slice %arg8[%mul3A_50] : memref<10240xf32, #tpu.memory_space<vmem_shared>> -> memref<640xf32, #tpu.memory_space<vmem_shared>>
      tpu.enqueue_dma source(%dma_start3A_80 : memref<640xf32, #tpu.memory_space<vmem_shared>>) target(%arg7 : memref<640xf32, #tpu.memory_space<vmem>>) target_semaphore(%run_scoped3A_79 : memref<!tpu.dma_semaphore, #tpu.memory_space<semaphore_mem>>)
      %dma_wait3A_81 = tpu.memref_slice %arg8[%mul3A_50] : memref<10240xf32, #tpu.memory_space<vmem_shared>> -> memref<640xf32, #tpu.memory_space<vmem_shared>>
      %dma_wait3A_82 = tpu.memref_slice %arg8[%mul3A_50] : memref<10240xf32, #tpu.memory_space<vmem_shared>> -> memref<640xf32, #tpu.memory_space<vmem_shared>>
      tpu.wait_dma2 semaphore(%run_scoped3A_79 : memref<!tpu.dma_semaphore, #tpu.memory_space<semaphore_mem>>) src(%dma_wait3A_82 : memref<640xf32, #tpu.memory_space<vmem_shared>>) dst(%arg7 : memref<640xf32, #tpu.memory_space<vmem>>)
      tpu.yield
    }) : () -> ()
    "tpu.region"() ({
      %run_scoped3A_79 = tpu.sem_alloc : memref<!tpu.dma_semaphore, #tpu.memory_space<semaphore_mem>>
      %dma_start3A = tpu.memref_slice %arg4[%arg0, %mul3A_50] : memref<2x10240xf32, #tpu.memory_space<hbm>> -> memref<1x640xf32, #tpu.memory_space<hbm>>
      %dma_start3A_80 = tpu.memref_squeeze %dma_start3A : memref<1x640xf32, #tpu.memory_space<hbm>> -> memref<640xf32, #tpu.memory_space<hbm>>
      %dma_start3A_81 = tpu.memref_slice %arg4[%arg0, %mul3A_50] : memref<2x10240xf32, #tpu.memory_space<hbm>> -> memref<1x640xf32, #tpu.memory_space<hbm>>
      %dma_start3A_82 = tpu.memref_squeeze %dma_start3A_81 : memref<1x640xf32, #tpu.memory_space<hbm>> -> memref<640xf32, #tpu.memory_space<hbm>>
      tpu.enqueue_dma source(%arg7 : memref<640xf32, #tpu.memory_space<vmem>>) target(%dma_start3A_82 : memref<640xf32, #tpu.memory_space<hbm>>) target_semaphore(%run_scoped3A_79 : memref<!tpu.dma_semaphore, #tpu.memory_space<semaphore_mem>>)
      %dma_wait3A_83 = tpu.memref_slice %arg4[%arg0, %mul3A_50] : memref<2x10240xf32, #tpu.memory_space<hbm>> -> memref<1x640xf32, #tpu.memory_space<hbm>>
      %dma_wait3A_84 = tpu.memref_squeeze %dma_wait3A_83 : memref<1x640xf32, #tpu.memory_space<hbm>> -> memref<640xf32, #tpu.memory_space<hbm>>
      %dma_wait3A_85 = tpu.memref_slice %arg4[%arg0, %mul3A_50] : memref<2x10240xf32, #tpu.memory_space<hbm>> -> memref<1x640xf32, #tpu.memory_space<hbm>>
      %dma_wait3A_86 = tpu.memref_squeeze %dma_wait3A_85 : memref<1x640xf32, #tpu.memory_space<hbm>> -> memref<640xf32, #tpu.memory_space<hbm>>
      tpu.wait_dma2 semaphore(%run_scoped3A_79 : memref<!tpu.dma_semaphore, #tpu.memory_space<semaphore_mem>>) src(%arg7 : memref<640xf32, #tpu.memory_space<vmem>>) dst(%dma_wait3A_86 : memref<640xf32, #tpu.memory_space<hbm>>)
      tpu.yield
    }) : () -> ()
    return
  }
}

#map = affine_map<(d0, d1) -> (0, 0)>
#map1 = affine_map<(d0, d1) -> (0, 0, 0)>
#map2 = affine_map<(d0, d1) -> (0)>
module attributes {stable_mosaic.version = 14 : i64} {
  func.func @_agg_body(%arg0: i32, %arg1: i32, %arg2: memref<10240x128xf32, #tpu.memory_space<hbm>>, %arg3: memref<2x2560x128xi32, #tpu.memory_space<hbm>>, %arg4: memref<128x128xf32, #tpu.memory_space<hbm>>, %arg5: memref<640xf32, #tpu.memory_space<hbm>>, %arg6: memref<2x10240x128xf32, #tpu.memory_space<hbm>>, %arg7: memref<2x10240xf32, #tpu.memory_space<hbm>>, %arg8: memref<8x128xi32, #tpu.memory_space<vmem>>, %arg9: memref<8x128xi32, #tpu.memory_space<vmem>>, %arg10: memref<8x128xi32, #tpu.memory_space<vmem>>, %arg11: memref<8x128xi32, #tpu.memory_space<vmem>>, %arg12: memref<128x128xf32, #tpu.memory_space<vmem>>, %arg13: memref<128x128xf32, #tpu.memory_space<vmem>>, %arg14: memref<128xf32, #tpu.memory_space<vmem>>, %arg15: memref<640xf32, #tpu.memory_space<vmem>>, %arg16: memref<10240x128xf32, #tpu.memory_space<vmem_shared>>, %arg17: memref<10240xf32, #tpu.memory_space<vmem_shared>>, %arg18: memref<!tpu.dma_semaphore, #tpu.memory_space<semaphore_mem>>, %arg19: memref<!tpu.dma_semaphore, #tpu.memory_space<semaphore_mem>>, %arg20: memref<!tpu.dma_semaphore, #tpu.memory_space<semaphore_mem>>, %arg21: memref<!tpu.dma_semaphore, #tpu.memory_space<semaphore_mem>>, %arg22: memref<!tpu.dma_semaphore, #tpu.memory_space<semaphore_mem>>, %arg23: memref<!tpu.dma_semaphore, #tpu.memory_space<semaphore_mem>>) attributes {dimension_semantics = [#tpu.dimension_semantics<core_parallel>, #tpu.dimension_semantics<subcore_parallel>], iteration_bounds = array<i64: 2, 16>, scalar_prefetch = 0 : i64, scratch_operands = 16 : i64, tpu.core_type = #tpu.core_type<sc_vector_subcore>, window_params = [{transform_indices = #map}, {transform_indices = #map1}, {transform_indices = #map}, {transform_indices = #map2}, {transform_indices = #map1}, {transform_indices = #map}]} {
    %mul3A = arith.constant 16 : i32
    %mul3A_0 = arith.muli %arg0, %mul3A : i32
    %add3A = arith.addi %mul3A_0, %arg1 : i32
    %mul3A_1 = arith.constant 80 : i32
    %mul3A_2 = arith.muli %add3A, %mul3A_1 : i32
    %broadcast_in_dim3A = arith.constant 1.000000e+00 : f32
    %broadcast_in_dim3A_3 = vector.broadcast %broadcast_in_dim3A : f32 to vector<16xf32>
    %swap3A = arith.constant 0 : index
    %swap3A_4 = tpu.vector_load %arg14[%swap3A] {strides = array<i32>} : memref<128xf32, #tpu.memory_space<vmem>>, vector<16xf32>,
    %swap3A_5 = vector.shape_cast %swap3A_4 : vector<16xf32> to vector<16xf32>
    %swap3A_6 = vector.shape_cast %broadcast_in_dim3A_3 : vector<16xf32> to vector<16xf32>
    tpu.vector_store %arg14[%swap3A], %swap3A_6 {strides = array<i32>} : memref<128xf32, #tpu.memory_space<vmem>>, vector<16xf32>,
    %broadcast_in_dim3A_7 = arith.constant 1.000000e+00 : f32
    %broadcast_in_dim3A_8 = vector.broadcast %broadcast_in_dim3A_7 : f32 to vector<16xf32>
    %swap3A_9 = arith.constant 16 : index
    %swap3A_10 = tpu.vector_load %arg14[%swap3A_9] {strides = array<i32>} : memref<128xf32, #tpu.memory_space<vmem>>, vector<16xf32>,
    %swap3A_11 = vector.shape_cast %swap3A_10 : vector<16xf32> to vector<16xf32>
    %swap3A_12 = vector.shape_cast %broadcast_in_dim3A_8 : vector<16xf32> to vector<16xf32>
    tpu.vector_store %arg14[%swap3A_9], %swap3A_12 {strides = array<i32>} : memref<128xf32, #tpu.memory_space<vmem>>, vector<16xf32>,
    %broadcast_in_dim3A_13 = arith.constant 1.000000e+00 : f32
    %broadcast_in_dim3A_14 = vector.broadcast %broadcast_in_dim3A_13 : f32 to vector<16xf32>
    %swap3A_15 = arith.constant 32 : index
    %swap3A_16 = tpu.vector_load %arg14[%swap3A_15] {strides = array<i32>} : memref<128xf32, #tpu.memory_space<vmem>>, vector<16xf32>,
    %swap3A_17 = vector.shape_cast %swap3A_16 : vector<16xf32> to vector<16xf32>
    %swap3A_18 = vector.shape_cast %broadcast_in_dim3A_14 : vector<16xf32> to vector<16xf32>
    tpu.vector_store %arg14[%swap3A_15], %swap3A_18 {strides = array<i32>} : memref<128xf32, #tpu.memory_space<vmem>>, vector<16xf32>,
    %broadcast_in_dim3A_19 = arith.constant 1.000000e+00 : f32
    %broadcast_in_dim3A_20 = vector.broadcast %broadcast_in_dim3A_19 : f32 to vector<16xf32>
    %swap3A_21 = arith.constant 48 : index
    %swap3A_22 = tpu.vector_load %arg14[%swap3A_21] {strides = array<i32>} : memref<128xf32, #tpu.memory_space<vmem>>, vector<16xf32>,
    %swap3A_23 = vector.shape_cast %swap3A_22 : vector<16xf32> to vector<16xf32>
    %swap3A_24 = vector.shape_cast %broadcast_in_dim3A_20 : vector<16xf32> to vector<16xf32>
    tpu.vector_store %arg14[%swap3A_21], %swap3A_24 {strides = array<i32>} : memref<128xf32, #tpu.memory_space<vmem>>, vector<16xf32>,
    %broadcast_in_dim3A_25 = arith.constant 1.000000e+00 : f32
    %broadcast_in_dim3A_26 = vector.broadcast %broadcast_in_dim3A_25 : f32 to vector<16xf32>
    %swap3A_27 = arith.constant 64 : index
    %swap3A_28 = tpu.vector_load %arg14[%swap3A_27] {strides = array<i32>} : memref<128xf32, #tpu.memory_space<vmem>>, vector<16xf32>,
    %swap3A_29 = vector.shape_cast %swap3A_28 : vector<16xf32> to vector<16xf32>
    %swap3A_30 = vector.shape_cast %broadcast_in_dim3A_26 : vector<16xf32> to vector<16xf32>
    tpu.vector_store %arg14[%swap3A_27], %swap3A_30 {strides = array<i32>} : memref<128xf32, #tpu.memory_space<vmem>>, vector<16xf32>,
    %broadcast_in_dim3A_31 = arith.constant 1.000000e+00 : f32
    %broadcast_in_dim3A_32 = vector.broadcast %broadcast_in_dim3A_31 : f32 to vector<16xf32>
    %swap3A_33 = arith.constant 80 : index
    %swap3A_34 = tpu.vector_load %arg14[%swap3A_33] {strides = array<i32>} : memref<128xf32, #tpu.memory_space<vmem>>, vector<16xf32>,
    %swap3A_35 = vector.shape_cast %swap3A_34 : vector<16xf32> to vector<16xf32>
    %swap3A_36 = vector.shape_cast %broadcast_in_dim3A_32 : vector<16xf32> to vector<16xf32>
    tpu.vector_store %arg14[%swap3A_33], %swap3A_36 {strides = array<i32>} : memref<128xf32, #tpu.memory_space<vmem>>, vector<16xf32>,
    %broadcast_in_dim3A_37 = arith.constant 1.000000e+00 : f32
    %broadcast_in_dim3A_38 = vector.broadcast %broadcast_in_dim3A_37 : f32 to vector<16xf32>
    %swap3A_39 = arith.constant 96 : index
    %swap3A_40 = tpu.vector_load %arg14[%swap3A_39] {strides = array<i32>} : memref<128xf32, #tpu.memory_space<vmem>>, vector<16xf32>,
    %swap3A_41 = vector.shape_cast %swap3A_40 : vector<16xf32> to vector<16xf32>
    %swap3A_42 = vector.shape_cast %broadcast_in_dim3A_38 : vector<16xf32> to vector<16xf32>
    tpu.vector_store %arg14[%swap3A_39], %swap3A_42 {strides = array<i32>} : memref<128xf32, #tpu.memory_space<vmem>>, vector<16xf32>,
    %broadcast_in_dim3A_43 = arith.constant 1.000000e+00 : f32
    %broadcast_in_dim3A_44 = vector.broadcast %broadcast_in_dim3A_43 : f32 to vector<16xf32>
    %swap3A_45 = arith.constant 112 : index
    %swap3A_46 = tpu.vector_load %arg14[%swap3A_45] {strides = array<i32>} : memref<128xf32, #tpu.memory_space<vmem>>, vector<16xf32>,
    %swap3A_47 = vector.shape_cast %swap3A_46 : vector<16xf32> to vector<16xf32>
    %swap3A_48 = vector.shape_cast %broadcast_in_dim3A_44 : vector<16xf32> to vector<16xf32>
    tpu.vector_store %arg14[%swap3A_45], %swap3A_48 {strides = array<i32>} : memref<128xf32, #tpu.memory_space<vmem>>, vector<16xf32>,
    %mul3A_49 = arith.constant 640 : i32
    %mul3A_50 = arith.muli %arg1, %mul3A_49 : i32
    "tpu.region"() ({
      %run_scoped3A_143 = tpu.sem_alloc : memref<!tpu.dma_semaphore, #tpu.memory_space<semaphore_mem>>
      tpu.enqueue_dma source(%arg4 : memref<128x128xf32, #tpu.memory_space<hbm>>) target(%arg12 : memref<128x128xf32, #tpu.memory_space<vmem>>) target_semaphore(%run_scoped3A_143 : memref<!tpu.dma_semaphore, #tpu.memory_space<semaphore_mem>>)
      tpu.wait_dma2 semaphore(%run_scoped3A_143 : memref<!tpu.dma_semaphore, #tpu.memory_space<semaphore_mem>>) src(%arg4 : memref<128x128xf32, #tpu.memory_space<hbm>>) dst(%arg12 : memref<128x128xf32, #tpu.memory_space<vmem>>)
      tpu.yield
    }) : () -> ()
    %add3A_51 = arith.constant 0 : i32
    %add3A_52 = arith.addi %mul3A_50, %add3A_51 : i32
    "tpu.region"() ({
      %run_scoped3A_143 = tpu.sem_alloc : memref<!tpu.dma_semaphore, #tpu.memory_space<semaphore_mem>>
      %dma_start3A_144 = arith.constant 0 : i32
      %dma_start3A_145 = tpu.memref_slice %arg16[%add3A_52, %dma_start3A_144] : memref<10240x128xf32, #tpu.memory_space<vmem_shared>> -> memref<128x128xf32, #tpu.memory_space<vmem_shared>>
      %dma_start3A_146 = arith.constant 0 : i32
      %dma_start3A_147 = tpu.memref_slice %arg16[%add3A_52, %dma_start3A_146] : memref<10240x128xf32, #tpu.memory_space<vmem_shared>> -> memref<128x128xf32, #tpu.memory_space<vmem_shared>>
      tpu.enqueue_dma source(%arg12 : memref<128x128xf32, #tpu.memory_space<vmem>>) target(%dma_start3A_147 : memref<128x128xf32, #tpu.memory_space<vmem_shared>>) target_semaphore(%run_scoped3A_143 : memref<!tpu.dma_semaphore, #tpu.memory_space<semaphore_mem>>)
      %dma_wait3A_148 = arith.constant 0 : i32
      %dma_wait3A_149 = tpu.memref_slice %arg16[%add3A_52, %dma_wait3A_148] : memref<10240x128xf32, #tpu.memory_space<vmem_shared>> -> memref<128x128xf32, #tpu.memory_space<vmem_shared>>
      %dma_wait3A_150 = arith.constant 0 : i32
      %dma_wait3A_151 = tpu.memref_slice %arg16[%add3A_52, %dma_wait3A_150] : memref<10240x128xf32, #tpu.memory_space<vmem_shared>> -> memref<128x128xf32, #tpu.memory_space<vmem_shared>>
      tpu.wait_dma2 semaphore(%run_scoped3A_143 : memref<!tpu.dma_semaphore, #tpu.memory_space<semaphore_mem>>) src(%arg12 : memref<128x128xf32, #tpu.memory_space<vmem>>) dst(%dma_wait3A_151 : memref<128x128xf32, #tpu.memory_space<vmem_shared>>)
      tpu.yield
    }) : () -> ()
    %add3A_53 = arith.constant 128 : i32
    %add3A_54 = arith.addi %mul3A_50, %add3A_53 : i32
    "tpu.region"() ({
      %run_scoped3A_143 = tpu.sem_alloc : memref<!tpu.dma_semaphore, #tpu.memory_space<semaphore_mem>>
      %dma_start3A_144 = arith.constant 0 : i32
      %dma_start3A_145 = tpu.memref_slice %arg16[%add3A_54, %dma_start3A_144] : memref<10240x128xf32, #tpu.memory_space<vmem_shared>> -> memref<128x128xf32, #tpu.memory_space<vmem_shared>>
      %dma_start3A_146 = arith.constant 0 : i32
      %dma_start3A_147 = tpu.memref_slice %arg16[%add3A_54, %dma_start3A_146] : memref<10240x128xf32, #tpu.memory_space<vmem_shared>> -> memref<128x128xf32, #tpu.memory_space<vmem_shared>>
      tpu.enqueue_dma source(%arg12 : memref<128x128xf32, #tpu.memory_space<vmem>>) target(%dma_start3A_147 : memref<128x128xf32, #tpu.memory_space<vmem_shared>>) target_semaphore(%run_scoped3A_143 : memref<!tpu.dma_semaphore, #tpu.memory_space<semaphore_mem>>)
      %dma_wait3A_148 = arith.constant 0 : i32
      %dma_wait3A_149 = tpu.memref_slice %arg16[%add3A_54, %dma_wait3A_148] : memref<10240x128xf32, #tpu.memory_space<vmem_shared>> -> memref<128x128xf32, #tpu.memory_space<vmem_shared>>
      %dma_wait3A_150 = arith.constant 0 : i32
      %dma_wait3A_151 = tpu.memref_slice %arg16[%add3A_54, %dma_wait3A_150] : memref<10240x128xf32, #tpu.memory_space<vmem_shared>> -> memref<128x128xf32, #tpu.memory_space<vmem_shared>>
      tpu.wait_dma2 semaphore(%run_scoped3A_143 : memref<!tpu.dma_semaphore, #tpu.memory_space<semaphore_mem>>) src(%arg12 : memref<128x128xf32, #tpu.memory_space<vmem>>) dst(%dma_wait3A_151 : memref<128x128xf32, #tpu.memory_space<vmem_shared>>)
      tpu.yield
    }) : () -> ()
    %add3A_55 = arith.constant 256 : i32
    %add3A_56 = arith.addi %mul3A_50, %add3A_55 : i32
    "tpu.region"() ({
      %run_scoped3A_143 = tpu.sem_alloc : memref<!tpu.dma_semaphore, #tpu.memory_space<semaphore_mem>>
      %dma_start3A_144 = arith.constant 0 : i32
      %dma_start3A_145 = tpu.memref_slice %arg16[%add3A_56, %dma_start3A_144] : memref<10240x128xf32, #tpu.memory_space<vmem_shared>> -> memref<128x128xf32, #tpu.memory_space<vmem_shared>>
      %dma_start3A_146 = arith.constant 0 : i32
      %dma_start3A_147 = tpu.memref_slice %arg16[%add3A_56, %dma_start3A_146] : memref<10240x128xf32, #tpu.memory_space<vmem_shared>> -> memref<128x128xf32, #tpu.memory_space<vmem_shared>>
      tpu.enqueue_dma source(%arg12 : memref<128x128xf32, #tpu.memory_space<vmem>>) target(%dma_start3A_147 : memref<128x128xf32, #tpu.memory_space<vmem_shared>>) target_semaphore(%run_scoped3A_143 : memref<!tpu.dma_semaphore, #tpu.memory_space<semaphore_mem>>)
      %dma_wait3A_148 = arith.constant 0 : i32
      %dma_wait3A_149 = tpu.memref_slice %arg16[%add3A_56, %dma_wait3A_148] : memref<10240x128xf32, #tpu.memory_space<vmem_shared>> -> memref<128x128xf32, #tpu.memory_space<vmem_shared>>
      %dma_wait3A_150 = arith.constant 0 : i32
      %dma_wait3A_151 = tpu.memref_slice %arg16[%add3A_56, %dma_wait3A_150] : memref<10240x128xf32, #tpu.memory_space<vmem_shared>> -> memref<128x128xf32, #tpu.memory_space<vmem_shared>>
      tpu.wait_dma2 semaphore(%run_scoped3A_143 : memref<!tpu.dma_semaphore, #tpu.memory_space<semaphore_mem>>) src(%arg12 : memref<128x128xf32, #tpu.memory_space<vmem>>) dst(%dma_wait3A_151 : memref<128x128xf32, #tpu.memory_space<vmem_shared>>)
      tpu.yield
    }) : () -> ()
    %add3A_57 = arith.constant 384 : i32
    %add3A_58 = arith.addi %mul3A_50, %add3A_57 : i32
    "tpu.region"() ({
      %run_scoped3A_143 = tpu.sem_alloc : memref<!tpu.dma_semaphore, #tpu.memory_space<semaphore_mem>>
      %dma_start3A_144 = arith.constant 0 : i32
      %dma_start3A_145 = tpu.memref_slice %arg16[%add3A_58, %dma_start3A_144] : memref<10240x128xf32, #tpu.memory_space<vmem_shared>> -> memref<128x128xf32, #tpu.memory_space<vmem_shared>>
      %dma_start3A_146 = arith.constant 0 : i32
      %dma_start3A_147 = tpu.memref_slice %arg16[%add3A_58, %dma_start3A_146] : memref<10240x128xf32, #tpu.memory_space<vmem_shared>> -> memref<128x128xf32, #tpu.memory_space<vmem_shared>>
      tpu.enqueue_dma source(%arg12 : memref<128x128xf32, #tpu.memory_space<vmem>>) target(%dma_start3A_147 : memref<128x128xf32, #tpu.memory_space<vmem_shared>>) target_semaphore(%run_scoped3A_143 : memref<!tpu.dma_semaphore, #tpu.memory_space<semaphore_mem>>)
      %dma_wait3A_148 = arith.constant 0 : i32
      %dma_wait3A_149 = tpu.memref_slice %arg16[%add3A_58, %dma_wait3A_148] : memref<10240x128xf32, #tpu.memory_space<vmem_shared>> -> memref<128x128xf32, #tpu.memory_space<vmem_shared>>
      %dma_wait3A_150 = arith.constant 0 : i32
      %dma_wait3A_151 = tpu.memref_slice %arg16[%add3A_58, %dma_wait3A_150] : memref<10240x128xf32, #tpu.memory_space<vmem_shared>> -> memref<128x128xf32, #tpu.memory_space<vmem_shared>>
      tpu.wait_dma2 semaphore(%run_scoped3A_143 : memref<!tpu.dma_semaphore, #tpu.memory_space<semaphore_mem>>) src(%arg12 : memref<128x128xf32, #tpu.memory_space<vmem>>) dst(%dma_wait3A_151 : memref<128x128xf32, #tpu.memory_space<vmem_shared>>)
      tpu.yield
    }) : () -> ()
    %add3A_59 = arith.constant 512 : i32
    %add3A_60 = arith.addi %mul3A_50, %add3A_59 : i32
    "tpu.region"() ({
      %run_scoped3A_143 = tpu.sem_alloc : memref<!tpu.dma_semaphore, #tpu.memory_space<semaphore_mem>>
      %dma_start3A_144 = arith.constant 0 : i32
      %dma_start3A_145 = tpu.memref_slice %arg16[%add3A_60, %dma_start3A_144] : memref<10240x128xf32, #tpu.memory_space<vmem_shared>> -> memref<128x128xf32, #tpu.memory_space<vmem_shared>>
      %dma_start3A_146 = arith.constant 0 : i32
      %dma_start3A_147 = tpu.memref_slice %arg16[%add3A_60, %dma_start3A_146] : memref<10240x128xf32, #tpu.memory_space<vmem_shared>> -> memref<128x128xf32, #tpu.memory_space<vmem_shared>>
      tpu.enqueue_dma source(%arg12 : memref<128x128xf32, #tpu.memory_space<vmem>>) target(%dma_start3A_147 : memref<128x128xf32, #tpu.memory_space<vmem_shared>>) target_semaphore(%run_scoped3A_143 : memref<!tpu.dma_semaphore, #tpu.memory_space<semaphore_mem>>)
      %dma_wait3A_148 = arith.constant 0 : i32
      %dma_wait3A_149 = tpu.memref_slice %arg16[%add3A_60, %dma_wait3A_148] : memref<10240x128xf32, #tpu.memory_space<vmem_shared>> -> memref<128x128xf32, #tpu.memory_space<vmem_shared>>
      %dma_wait3A_150 = arith.constant 0 : i32
      %dma_wait3A_151 = tpu.memref_slice %arg16[%add3A_60, %dma_wait3A_150] : memref<10240x128xf32, #tpu.memory_space<vmem_shared>> -> memref<128x128xf32, #tpu.memory_space<vmem_shared>>
      tpu.wait_dma2 semaphore(%run_scoped3A_143 : memref<!tpu.dma_semaphore, #tpu.memory_space<semaphore_mem>>) src(%arg12 : memref<128x128xf32, #tpu.memory_space<vmem>>) dst(%dma_wait3A_151 : memref<128x128xf32, #tpu.memory_space<vmem_shared>>)
      tpu.yield
    }) : () -> ()
    "tpu.region"() ({
      %run_scoped3A_143 = tpu.sem_alloc : memref<!tpu.dma_semaphore, #tpu.memory_space<semaphore_mem>>
      tpu.enqueue_dma source(%arg5 : memref<640xf32, #tpu.memory_space<hbm>>) target(%arg15 : memref<640xf32, #tpu.memory_space<vmem>>) target_semaphore(%run_scoped3A_143 : memref<!tpu.dma_semaphore, #tpu.memory_space<semaphore_mem>>)
      tpu.wait_dma2 semaphore(%run_scoped3A_143 : memref<!tpu.dma_semaphore, #tpu.memory_space<semaphore_mem>>) src(%arg5 : memref<640xf32, #tpu.memory_space<hbm>>) dst(%arg15 : memref<640xf32, #tpu.memory_space<vmem>>)
      tpu.yield
    }) : () -> ()
    "tpu.region"() ({
      %run_scoped3A_143 = tpu.sem_alloc : memref<!tpu.dma_semaphore, #tpu.memory_space<semaphore_mem>>
      %dma_start3A_144 = tpu.memref_slice %arg17[%mul3A_50] : memref<10240xf32, #tpu.memory_space<vmem_shared>> -> memref<640xf32, #tpu.memory_space<vmem_shared>>
      %dma_start3A_145 = tpu.memref_slice %arg17[%mul3A_50] : memref<10240xf32, #tpu.memory_space<vmem_shared>> -> memref<640xf32, #tpu.memory_space<vmem_shared>>
      tpu.enqueue_dma source(%arg15 : memref<640xf32, #tpu.memory_space<vmem>>) target(%dma_start3A_145 : memref<640xf32, #tpu.memory_space<vmem_shared>>) target_semaphore(%run_scoped3A_143 : memref<!tpu.dma_semaphore, #tpu.memory_space<semaphore_mem>>)
      %dma_wait3A_146 = tpu.memref_slice %arg17[%mul3A_50] : memref<10240xf32, #tpu.memory_space<vmem_shared>> -> memref<640xf32, #tpu.memory_space<vmem_shared>>
      %dma_wait3A_147 = tpu.memref_slice %arg17[%mul3A_50] : memref<10240xf32, #tpu.memory_space<vmem_shared>> -> memref<640xf32, #tpu.memory_space<vmem_shared>>
      tpu.wait_dma2 semaphore(%run_scoped3A_143 : memref<!tpu.dma_semaphore, #tpu.memory_space<semaphore_mem>>) src(%arg15 : memref<640xf32, #tpu.memory_space<vmem>>) dst(%dma_wait3A_147 : memref<640xf32, #tpu.memory_space<vmem_shared>>)
      tpu.yield
    }) : () -> ()
    %run_scoped3A = arith.constant 0 : i32
    "tpu.region"() ({
      %run_scoped3A_143 = tpu.sem_alloc : memref<!tpu.dma_semaphore, #tpu.memory_space<semaphore_mem>>
      %dma_start3A_144 = arith.constant 0 : i32
      %dma_start3A_145 = tpu.memref_slice %arg3[%run_scoped3A, %mul3A_2, %dma_start3A_144] : memref<2x2560x128xi32, #tpu.memory_space<hbm>> -> memref<1x8x128xi32, #tpu.memory_space<hbm>>
      %dma_start3A_146 = tpu.memref_squeeze %dma_start3A_145 : memref<1x8x128xi32, #tpu.memory_space<hbm>> -> memref<8x128xi32, #tpu.memory_space<hbm>>
      %dma_start3A_147 = arith.constant 0 : i32
      %dma_start3A_148 = tpu.memref_slice %arg3[%run_scoped3A, %mul3A_2, %dma_start3A_147] : memref<2x2560x128xi32, #tpu.memory_space<hbm>> -> memref<1x8x128xi32, #tpu.memory_space<hbm>>
      %dma_start3A_149 = tpu.memref_squeeze %dma_start3A_148 : memref<1x8x128xi32, #tpu.memory_space<hbm>> -> memref<8x128xi32, #tpu.memory_space<hbm>>
      tpu.enqueue_dma source(%dma_start3A_149 : memref<8x128xi32, #tpu.memory_space<hbm>>) target(%arg8 : memref<8x128xi32, #tpu.memory_space<vmem>>) target_semaphore(%run_scoped3A_143 : memref<!tpu.dma_semaphore, #tpu.memory_space<semaphore_mem>>)
      %dma_wait3A_150 = arith.constant 0 : i32
      %dma_wait3A_151 = tpu.memref_slice %arg3[%run_scoped3A, %mul3A_2, %dma_wait3A_150] : memref<2x2560x128xi32, #tpu.memory_space<hbm>> -> memref<1x8x128xi32, #tpu.memory_space<hbm>>
      %dma_wait3A_152 = tpu.memref_squeeze %dma_wait3A_151 : memref<1x8x128xi32, #tpu.memory_space<hbm>> -> memref<8x128xi32, #tpu.memory_space<hbm>>
      %dma_wait3A_153 = arith.constant 0 : i32
      %dma_wait3A_154 = tpu.memref_slice %arg3[%run_scoped3A, %mul3A_2, %dma_wait3A_153] : memref<2x2560x128xi32, #tpu.memory_space<hbm>> -> memref<1x8x128xi32, #tpu.memory_space<hbm>>
      %dma_wait3A_155 = tpu.memref_squeeze %dma_wait3A_154 : memref<1x8x128xi32, #tpu.memory_space<hbm>> -> memref<8x128xi32, #tpu.memory_space<hbm>>
      tpu.wait_dma2 semaphore(%run_scoped3A_143 : memref<!tpu.dma_semaphore, #tpu.memory_space<semaphore_mem>>) src(%dma_wait3A_155 : memref<8x128xi32, #tpu.memory_space<hbm>>) dst(%arg8 : memref<8x128xi32, #tpu.memory_space<vmem>>)
      tpu.yield
    }) : () -> ()
    %run_scoped3A_61 = arith.constant 1 : i32
    "tpu.region"() ({
      %run_scoped3A_143 = tpu.sem_alloc : memref<!tpu.dma_semaphore, #tpu.memory_space<semaphore_mem>>
      %dma_start3A_144 = arith.constant 0 : i32
      %dma_start3A_145 = tpu.memref_slice %arg3[%run_scoped3A_61, %mul3A_2, %dma_start3A_144] : memref<2x2560x128xi32, #tpu.memory_space<hbm>> -> memref<1x8x128xi32, #tpu.memory_space<hbm>>
      %dma_start3A_146 = tpu.memref_squeeze %dma_start3A_145 : memref<1x8x128xi32, #tpu.memory_space<hbm>> -> memref<8x128xi32, #tpu.memory_space<hbm>>
      %dma_start3A_147 = arith.constant 0 : i32
      %dma_start3A_148 = tpu.memref_slice %arg3[%run_scoped3A_61, %mul3A_2, %dma_start3A_147] : memref<2x2560x128xi32, #tpu.memory_space<hbm>> -> memref<1x8x128xi32, #tpu.memory_space<hbm>>
      %dma_start3A_149 = tpu.memref_squeeze %dma_start3A_148 : memref<1x8x128xi32, #tpu.memory_space<hbm>> -> memref<8x128xi32, #tpu.memory_space<hbm>>
      tpu.enqueue_dma source(%dma_start3A_149 : memref<8x128xi32, #tpu.memory_space<hbm>>) target(%arg10 : memref<8x128xi32, #tpu.memory_space<vmem>>) target_semaphore(%run_scoped3A_143 : memref<!tpu.dma_semaphore, #tpu.memory_space<semaphore_mem>>)
      %dma_wait3A_150 = arith.constant 0 : i32
      %dma_wait3A_151 = tpu.memref_slice %arg3[%run_scoped3A_61, %mul3A_2, %dma_wait3A_150] : memref<2x2560x128xi32, #tpu.memory_space<hbm>> -> memref<1x8x128xi32, #tpu.memory_space<hbm>>
      %dma_wait3A_152 = tpu.memref_squeeze %dma_wait3A_151 : memref<1x8x128xi32, #tpu.memory_space<hbm>> -> memref<8x128xi32, #tpu.memory_space<hbm>>
      %dma_wait3A_153 = arith.constant 0 : i32
      %dma_wait3A_154 = tpu.memref_slice %arg3[%run_scoped3A_61, %mul3A_2, %dma_wait3A_153] : memref<2x2560x128xi32, #tpu.memory_space<hbm>> -> memref<1x8x128xi32, #tpu.memory_space<hbm>>
      %dma_wait3A_155 = tpu.memref_squeeze %dma_wait3A_154 : memref<1x8x128xi32, #tpu.memory_space<hbm>> -> memref<8x128xi32, #tpu.memory_space<hbm>>
      tpu.wait_dma2 semaphore(%run_scoped3A_143 : memref<!tpu.dma_semaphore, #tpu.memory_space<semaphore_mem>>) src(%dma_wait3A_155 : memref<8x128xi32, #tpu.memory_space<hbm>>) dst(%arg10 : memref<8x128xi32, #tpu.memory_space<vmem>>)
      tpu.yield
    }) : () -> ()
    %barrier3A = arith.constant 0 : index
    tpu.barrier barrier_id(%barrier3A)
    %dma_start3A = arith.constant 0 : i32
    %dma_start3A_62 = arith.constant 0 : i32
    %dma_start3A_63 = tpu.memref_slice %arg8[%dma_start3A, %dma_start3A_62] : memref<8x128xi32, #tpu.memory_space<vmem>> -> memref<1x128xi32, #tpu.memory_space<vmem>>
    %dma_start3A_64 = tpu.memref_squeeze %dma_start3A_63 : memref<1x128xi32, #tpu.memory_space<vmem>> -> memref<128xi32, #tpu.memory_space<vmem>>
    %dma_start3A_65 = arith.constant 0 : i32
    %dma_start3A_66 = arith.constant 0 : i32
    %dma_start3A_67 = tpu.memref_slice %arg2[%dma_start3A_65, %dma_start3A_66] : memref<10240x128xf32, #tpu.memory_space<hbm>> -> memref<10240x128xf32, #tpu.memory_space<hbm>>
    tpu.enqueue_indirect_dma source(%dma_start3A_67 : memref<10240x128xf32, #tpu.memory_space<hbm>>) target(%arg12 : memref<128x128xf32, #tpu.memory_space<vmem>>) offsets(%dma_start3A_64 : memref<128xi32, #tpu.memory_space<vmem>>) semaphore(%arg18 : memref<!tpu.dma_semaphore, #tpu.memory_space<semaphore_mem>>)
    %scan3A = arith.constant 0 : i32
    %scan3A_68 = arith.constant 5 : i32
    %scan3A_69 = arith.addi %scan3A, %scan3A_68 : i32
    %scan3A_70 = arith.constant 1 : i32
    scf.for %scan3A_143 = %scan3A to %scan3A_69 step %scan3A_70  : i32 {
      %mul3A_144 = arith.constant 2 : i32
      %mul3A_145 = arith.muli %scan3A_143, %mul3A_144 : i32
      %add3A_146 = arith.constant 0 : i32
      %add3A_147 = arith.addi %add3A_146, %mul3A_145 : i32
      %add3A_148 = arith.constant 0 : i32
      %add3A_149 = arith.addi %add3A_147, %add3A_148 : i32
      %mul3A_150 = arith.constant 8 : i32
      %mul3A_151 = arith.muli %add3A_149, %mul3A_150 : i32
      %add3A_152 = arith.constant 0 : i32
      %add3A_153 = arith.addi %mul3A_151, %add3A_152 : i32
      %dma_wait3A_154 = arith.constant 0 : i32
      %dma_wait3A_155 = arith.constant 0 : i32
      %dma_wait3A_156 = tpu.memref_slice %arg8[%dma_wait3A_154, %dma_wait3A_155] : memref<8x128xi32, #tpu.memory_space<vmem>> -> memref<1x128xi32, #tpu.memory_space<vmem>>
      %dma_wait3A_157 = tpu.memref_squeeze %dma_wait3A_156 : memref<1x128xi32, #tpu.memory_space<vmem>> -> memref<128xi32, #tpu.memory_space<vmem>>
      %dma_wait3A_158 = arith.constant 0 : i32
      %dma_wait3A_159 = arith.constant 0 : i32
      %dma_wait3A_160 = tpu.memref_slice %arg2[%dma_wait3A_158, %dma_wait3A_159] : memref<10240x128xf32, #tpu.memory_space<hbm>> -> memref<10240x128xf32, #tpu.memory_space<hbm>>
      tpu.wait_indirect_dma semaphore(%arg18 : memref<!tpu.dma_semaphore, #tpu.memory_space<semaphore_mem>>) src(%dma_wait3A_160 : memref<10240x128xf32, #tpu.memory_space<hbm>>) dst(%arg12 : memref<128x128xf32, #tpu.memory_space<vmem>>)
      %ge3A = arith.constant 1 : i32
      %ge3A_161 = arith.cmpi sge, %add3A_153, %ge3A : i32
      %convert_element_type3A = arith.extui %ge3A_161 : i1 to i32
      %cond3A = arith.constant 0 : i32
      %cond3A_162 = arith.cmpi ne, %convert_element_type3A, %cond3A : i32
      scf.if %cond3A_162 {
        %dma_wait3A_740 = arith.constant 0 : i32
        %dma_wait3A_741 = arith.constant 0 : i32
        %dma_wait3A_742 = tpu.memref_slice %arg8[%dma_wait3A_740, %dma_wait3A_741] : memref<8x128xi32, #tpu.memory_space<vmem>> -> memref<1x128xi32, #tpu.memory_space<vmem>>
        %dma_wait3A_743 = tpu.memref_squeeze %dma_wait3A_742 : memref<1x128xi32, #tpu.memory_space<vmem>> -> memref<128xi32, #tpu.memory_space<vmem>>
        %dma_wait3A_744 = arith.constant 0 : i32
        %dma_wait3A_745 = arith.constant 0 : i32
        %dma_wait3A_746 = tpu.memref_slice %arg16[%dma_wait3A_744, %dma_wait3A_745] : memref<10240x128xf32, #tpu.memory_space<vmem_shared>> -> memref<10240x128xf32, #tpu.memory_space<vmem_shared>>
        tpu.wait_indirect_dma semaphore(%arg21 : memref<!tpu.dma_semaphore, #tpu.memory_space<semaphore_mem>>) src(%arg13 : memref<128x128xf32, #tpu.memory_space<vmem>>) dst(%dma_wait3A_746 : memref<10240x128xf32, #tpu.memory_space<vmem_shared>>)
        %dma_wait3A_747 = arith.constant 0 : i32
        %dma_wait3A_748 = arith.constant 0 : i32
        %dma_wait3A_749 = tpu.memref_slice %arg8[%dma_wait3A_747, %dma_wait3A_748] : memref<8x128xi32, #tpu.memory_space<vmem>> -> memref<1x128xi32, #tpu.memory_space<vmem>>
        %dma_wait3A_750 = tpu.memref_squeeze %dma_wait3A_749 : memref<1x128xi32, #tpu.memory_space<vmem>> -> memref<128xi32, #tpu.memory_space<vmem>>
        %dma_wait3A_751 = arith.constant 0 : i32
        %dma_wait3A_752 = tpu.memref_slice %arg17[%dma_wait3A_751] : memref<10240xf32, #tpu.memory_space<vmem_shared>> -> memref<10240xf32, #tpu.memory_space<vmem_shared>>
        tpu.wait_indirect_dma semaphore(%arg23 : memref<!tpu.dma_semaphore, #tpu.memory_space<semaphore_mem>>) src(%arg14 : memref<128xf32, #tpu.memory_space<vmem>>) dst(%dma_wait3A_752 : memref<10240xf32, #tpu.memory_space<vmem_shared>>)
      } else {
      }
      %lt3A = arith.constant 9 : i32
      %lt3A_163 = arith.cmpi slt, %add3A_149, %lt3A : i32
      %convert_element_type3A_164 = arith.extui %lt3A_163 : i1 to i32
      %cond3A_165 = arith.constant 0 : i32
      %cond3A_166 = arith.cmpi ne, %convert_element_type3A_164, %cond3A_165 : i32
      scf.if %cond3A_166 {
        %add3A_740 = arith.constant 1 : i32
        %add3A_741 = arith.addi %add3A_149, %add3A_740 : i32
        %mul3A_742 = arith.constant 8 : i32
        %mul3A_743 = arith.muli %add3A_741, %mul3A_742 : i32
        %add3A_744 = arith.addi %mul3A_2, %mul3A_743 : i32
        %dma_start3A_745 = arith.constant 0 : i32
        %dma_start3A_746 = arith.constant 0 : i32
        %dma_start3A_747 = tpu.memref_slice %arg3[%dma_start3A_745, %add3A_744, %dma_start3A_746] : memref<2x2560x128xi32, #tpu.memory_space<hbm>> -> memref<1x8x128xi32, #tpu.memory_space<hbm>>
        %dma_start3A_748 = tpu.memref_squeeze %dma_start3A_747 : memref<1x8x128xi32, #tpu.memory_space<hbm>> -> memref<8x128xi32, #tpu.memory_space<hbm>>
        %dma_start3A_749 = arith.constant 0 : i32
        %dma_start3A_750 = tpu.memref_slice %arg3[%dma_start3A_745, %add3A_744, %dma_start3A_749] : memref<2x2560x128xi32, #tpu.memory_space<hbm>> -> memref<1x8x128xi32, #tpu.memory_space<hbm>>
        %dma_start3A_751 = tpu.memref_squeeze %dma_start3A_750 : memref<1x8x128xi32, #tpu.memory_space<hbm>> -> memref<8x128xi32, #tpu.memory_space<hbm>>
        tpu.enqueue_dma source(%dma_start3A_751 : memref<8x128xi32, #tpu.memory_space<hbm>>) target(%arg9 : memref<8x128xi32, #tpu.memory_space<vmem>>) target_semaphore(%arg22 : memref<!tpu.dma_semaphore, #tpu.memory_space<semaphore_mem>>)
        %dma_start3A_752 = arith.constant 1 : i32
        %dma_start3A_753 = arith.constant 0 : i32
        %dma_start3A_754 = tpu.memref_slice %arg3[%dma_start3A_752, %add3A_744, %dma_start3A_753] : memref<2x2560x128xi32, #tpu.memory_space<hbm>> -> memref<1x8x128xi32, #tpu.memory_space<hbm>>
        %dma_start3A_755 = tpu.memref_squeeze %dma_start3A_754 : memref<1x8x128xi32, #tpu.memory_space<hbm>> -> memref<8x128xi32, #tpu.memory_space<hbm>>
        %dma_start3A_756 = arith.constant 0 : i32
        %dma_start3A_757 = tpu.memref_slice %arg3[%dma_start3A_752, %add3A_744, %dma_start3A_756] : memref<2x2560x128xi32, #tpu.memory_space<hbm>> -> memref<1x8x128xi32, #tpu.memory_space<hbm>>
        %dma_start3A_758 = tpu.memref_squeeze %dma_start3A_757 : memref<1x8x128xi32, #tpu.memory_space<hbm>> -> memref<8x128xi32, #tpu.memory_space<hbm>>
        tpu.enqueue_dma source(%dma_start3A_758 : memref<8x128xi32, #tpu.memory_space<hbm>>) target(%arg11 : memref<8x128xi32, #tpu.memory_space<vmem>>) target_semaphore(%arg22 : memref<!tpu.dma_semaphore, #tpu.memory_space<semaphore_mem>>)
      } else {
      }
      %dma_start3A_167 = arith.constant 1 : i32
      %dma_start3A_168 = arith.constant 0 : i32
      %dma_start3A_169 = tpu.memref_slice %arg8[%dma_start3A_167, %dma_start3A_168] : memref<8x128xi32, #tpu.memory_space<vmem>> -> memref<1x128xi32, #tpu.memory_space<vmem>>
      %dma_start3A_170 = tpu.memref_squeeze %dma_start3A_169 : memref<1x128xi32, #tpu.memory_space<vmem>> -> memref<128xi32, #tpu.memory_space<vmem>>
      %dma_start3A_171 = arith.constant 0 : i32
      %dma_start3A_172 = arith.constant 0 : i32
      %dma_start3A_173 = tpu.memref_slice %arg2[%dma_start3A_171, %dma_start3A_172] : memref<10240x128xf32, #tpu.memory_space<hbm>> -> memref<10240x128xf32, #tpu.memory_space<hbm>>
      tpu.enqueue_indirect_dma source(%dma_start3A_173 : memref<10240x128xf32, #tpu.memory_space<hbm>>) target(%arg13 : memref<128x128xf32, #tpu.memory_space<vmem>>) offsets(%dma_start3A_170 : memref<128xi32, #tpu.memory_space<vmem>>) semaphore(%arg19 : memref<!tpu.dma_semaphore, #tpu.memory_space<semaphore_mem>>)
      %dma_start3A_174 = arith.constant 0 : i32
      %dma_start3A_175 = arith.constant 0 : i32
      %dma_start3A_176 = tpu.memref_slice %arg10[%dma_start3A_174, %dma_start3A_175] : memref<8x128xi32, #tpu.memory_space<vmem>> -> memref<1x128xi32, #tpu.memory_space<vmem>>
      %dma_start3A_177 = tpu.memref_squeeze %dma_start3A_176 : memref<1x128xi32, #tpu.memory_space<vmem>> -> memref<128xi32, #tpu.memory_space<vmem>>
      %dma_start3A_178 = arith.constant 0 : i32
      %dma_start3A_179 = tpu.memref_slice %arg17[%dma_start3A_178] : memref<10240xf32, #tpu.memory_space<vmem_shared>> -> memref<10240xf32, #tpu.memory_space<vmem_shared>>
      tpu.enqueue_indirect_dma source(%arg14 : memref<128xf32, #tpu.memory_space<vmem>>) target(%dma_start3A_179 : memref<10240xf32, #tpu.memory_space<vmem_shared>>) offsets(%dma_start3A_177 : memref<128xi32, #tpu.memory_space<vmem>>) semaphore(%arg23 : memref<!tpu.dma_semaphore, #tpu.memory_space<semaphore_mem>>) {add = true}
      %dma_start3A_180 = arith.constant 0 : i32
      %dma_start3A_181 = arith.constant 0 : i32
      %dma_start3A_182 = tpu.memref_slice %arg10[%dma_start3A_180, %dma_start3A_181] : memref<8x128xi32, #tpu.memory_space<vmem>> -> memref<1x128xi32, #tpu.memory_space<vmem>>
      %dma_start3A_183 = tpu.memref_squeeze %dma_start3A_182 : memref<1x128xi32, #tpu.memory_space<vmem>> -> memref<128xi32, #tpu.memory_space<vmem>>
      %dma_start3A_184 = arith.constant 0 : i32
      %dma_start3A_185 = arith.constant 0 : i32
      %dma_start3A_186 = tpu.memref_slice %arg16[%dma_start3A_184, %dma_start3A_185] : memref<10240x128xf32, #tpu.memory_space<vmem_shared>> -> memref<10240x128xf32, #tpu.memory_space<vmem_shared>>
      tpu.enqueue_indirect_dma source(%arg12 : memref<128x128xf32, #tpu.memory_space<vmem>>) target(%dma_start3A_186 : memref<10240x128xf32, #tpu.memory_space<vmem_shared>>) offsets(%dma_start3A_183 : memref<128xi32, #tpu.memory_space<vmem>>) semaphore(%arg20 : memref<!tpu.dma_semaphore, #tpu.memory_space<semaphore_mem>>) {add = true}
      %mul3A_187 = arith.constant 8 : i32
      %mul3A_188 = arith.muli %add3A_149, %mul3A_187 : i32
      %add3A_189 = arith.constant 1 : i32
      %add3A_190 = arith.addi %mul3A_188, %add3A_189 : i32
      %dma_wait3A_191 = arith.constant 1 : i32
      %dma_wait3A_192 = arith.constant 0 : i32
      %dma_wait3A_193 = tpu.memref_slice %arg8[%dma_wait3A_191, %dma_wait3A_192] : memref<8x128xi32, #tpu.memory_space<vmem>> -> memref<1x128xi32, #tpu.memory_space<vmem>>
      %dma_wait3A_194 = tpu.memref_squeeze %dma_wait3A_193 : memref<1x128xi32, #tpu.memory_space<vmem>> -> memref<128xi32, #tpu.memory_space<vmem>>
      %dma_wait3A_195 = arith.constant 0 : i32
      %dma_wait3A_196 = arith.constant 0 : i32
      %dma_wait3A_197 = tpu.memref_slice %arg2[%dma_wait3A_195, %dma_wait3A_196] : memref<10240x128xf32, #tpu.memory_space<hbm>> -> memref<10240x128xf32, #tpu.memory_space<hbm>>
      tpu.wait_indirect_dma semaphore(%arg19 : memref<!tpu.dma_semaphore, #tpu.memory_space<semaphore_mem>>) src(%dma_wait3A_197 : memref<10240x128xf32, #tpu.memory_space<hbm>>) dst(%arg13 : memref<128x128xf32, #tpu.memory_space<vmem>>)
      %ge3A_198 = arith.constant 1 : i32
      %ge3A_199 = arith.cmpi sge, %add3A_190, %ge3A_198 : i32
      %convert_element_type3A_200 = arith.extui %ge3A_199 : i1 to i32
      %cond3A_201 = arith.constant 0 : i32
      %cond3A_202 = arith.cmpi ne, %convert_element_type3A_200, %cond3A_201 : i32
      scf.if %cond3A_202 {
        %dma_wait3A_740 = arith.constant 0 : i32
        %dma_wait3A_741 = arith.constant 0 : i32
        %dma_wait3A_742 = tpu.memref_slice %arg8[%dma_wait3A_740, %dma_wait3A_741] : memref<8x128xi32, #tpu.memory_space<vmem>> -> memref<1x128xi32, #tpu.memory_space<vmem>>
        %dma_wait3A_743 = tpu.memref_squeeze %dma_wait3A_742 : memref<1x128xi32, #tpu.memory_space<vmem>> -> memref<128xi32, #tpu.memory_space<vmem>>
        %dma_wait3A_744 = arith.constant 0 : i32
        %dma_wait3A_745 = arith.constant 0 : i32
        %dma_wait3A_746 = tpu.memref_slice %arg16[%dma_wait3A_744, %dma_wait3A_745] : memref<10240x128xf32, #tpu.memory_space<vmem_shared>> -> memref<10240x128xf32, #tpu.memory_space<vmem_shared>>
        tpu.wait_indirect_dma semaphore(%arg20 : memref<!tpu.dma_semaphore, #tpu.memory_space<semaphore_mem>>) src(%arg12 : memref<128x128xf32, #tpu.memory_space<vmem>>) dst(%dma_wait3A_746 : memref<10240x128xf32, #tpu.memory_space<vmem_shared>>)
        %dma_wait3A_747 = arith.constant 0 : i32
        %dma_wait3A_748 = arith.constant 0 : i32
        %dma_wait3A_749 = tpu.memref_slice %arg8[%dma_wait3A_747, %dma_wait3A_748] : memref<8x128xi32, #tpu.memory_space<vmem>> -> memref<1x128xi32, #tpu.memory_space<vmem>>
        %dma_wait3A_750 = tpu.memref_squeeze %dma_wait3A_749 : memref<1x128xi32, #tpu.memory_space<vmem>> -> memref<128xi32, #tpu.memory_space<vmem>>
        %dma_wait3A_751 = arith.constant 0 : i32
        %dma_wait3A_752 = tpu.memref_slice %arg17[%dma_wait3A_751] : memref<10240xf32, #tpu.memory_space<vmem_shared>> -> memref<10240xf32, #tpu.memory_space<vmem_shared>>
        tpu.wait_indirect_dma semaphore(%arg23 : memref<!tpu.dma_semaphore, #tpu.memory_space<semaphore_mem>>) src(%arg14 : memref<128xf32, #tpu.memory_space<vmem>>) dst(%dma_wait3A_752 : memref<10240xf32, #tpu.memory_space<vmem_shared>>)
      } else {
      }
      %dma_start3A_203 = arith.constant 2 : i32
      %dma_start3A_204 = arith.constant 0 : i32
      %dma_start3A_205 = tpu.memref_slice %arg8[%dma_start3A_203, %dma_start3A_204] : memref<8x128xi32, #tpu.memory_space<vmem>> -> memref<1x128xi32, #tpu.memory_space<vmem>>
      %dma_start3A_206 = tpu.memref_squeeze %dma_start3A_205 : memref<1x128xi32, #tpu.memory_space<vmem>> -> memref<128xi32, #tpu.memory_space<vmem>>
      %dma_start3A_207 = arith.constant 0 : i32
      %dma_start3A_208 = arith.constant 0 : i32
      %dma_start3A_209 = tpu.memref_slice %arg2[%dma_start3A_207, %dma_start3A_208] : memref<10240x128xf32, #tpu.memory_space<hbm>> -> memref<10240x128xf32, #tpu.memory_space<hbm>>
      tpu.enqueue_indirect_dma source(%dma_start3A_209 : memref<10240x128xf32, #tpu.memory_space<hbm>>) target(%arg12 : memref<128x128xf32, #tpu.memory_space<vmem>>) offsets(%dma_start3A_206 : memref<128xi32, #tpu.memory_space<vmem>>) semaphore(%arg18 : memref<!tpu.dma_semaphore, #tpu.memory_space<semaphore_mem>>)
      %dma_start3A_210 = arith.constant 1 : i32
      %dma_start3A_211 = arith.constant 0 : i32
      %dma_start3A_212 = tpu.memref_slice %arg10[%dma_start3A_210, %dma_start3A_211] : memref<8x128xi32, #tpu.memory_space<vmem>> -> memref<1x128xi32, #tpu.memory_space<vmem>>
      %dma_start3A_213 = tpu.memref_squeeze %dma_start3A_212 : memref<1x128xi32, #tpu.memory_space<vmem>> -> memref<128xi32, #tpu.memory_space<vmem>>
      %dma_start3A_214 = arith.constant 0 : i32
      %dma_start3A_215 = tpu.memref_slice %arg17[%dma_start3A_214] : memref<10240xf32, #tpu.memory_space<vmem_shared>> -> memref<10240xf32, #tpu.memory_space<vmem_shared>>
      tpu.enqueue_indirect_dma source(%arg14 : memref<128xf32, #tpu.memory_space<vmem>>) target(%dma_start3A_215 : memref<10240xf32, #tpu.memory_space<vmem_shared>>) offsets(%dma_start3A_213 : memref<128xi32, #tpu.memory_space<vmem>>) semaphore(%arg23 : memref<!tpu.dma_semaphore, #tpu.memory_space<semaphore_mem>>) {add = true}
      %dma_start3A_216 = arith.constant 1 : i32
      %dma_start3A_217 = arith.constant 0 : i32
      %dma_start3A_218 = tpu.memref_slice %arg10[%dma_start3A_216, %dma_start3A_217] : memref<8x128xi32, #tpu.memory_space<vmem>> -> memref<1x128xi32, #tpu.memory_space<vmem>>
      %dma_start3A_219 = tpu.memref_squeeze %dma_start3A_218 : memref<1x128xi32, #tpu.memory_space<vmem>> -> memref<128xi32, #tpu.memory_space<vmem>>
      %dma_start3A_220 = arith.constant 0 : i32
      %dma_start3A_221 = arith.constant 0 : i32
      %dma_start3A_222 = tpu.memref_slice %arg16[%dma_start3A_220, %dma_start3A_221] : memref<10240x128xf32, #tpu.memory_space<vmem_shared>> -> memref<10240x128xf32, #tpu.memory_space<vmem_shared>>
      tpu.enqueue_indirect_dma source(%arg13 : memref<128x128xf32, #tpu.memory_space<vmem>>) target(%dma_start3A_222 : memref<10240x128xf32, #tpu.memory_space<vmem_shared>>) offsets(%dma_start3A_219 : memref<128xi32, #tpu.memory_space<vmem>>) semaphore(%arg21 : memref<!tpu.dma_semaphore, #tpu.memory_space<semaphore_mem>>) {add = true}
      %mul3A_223 = arith.constant 8 : i32
      %mul3A_224 = arith.muli %add3A_149, %mul3A_223 : i32
      %add3A_225 = arith.constant 2 : i32
      %add3A_226 = arith.addi %mul3A_224, %add3A_225 : i32
      %dma_wait3A_227 = arith.constant 2 : i32
      %dma_wait3A_228 = arith.constant 0 : i32
      %dma_wait3A_229 = tpu.memref_slice %arg8[%dma_wait3A_227, %dma_wait3A_228] : memref<8x128xi32, #tpu.memory_space<vmem>> -> memref<1x128xi32, #tpu.memory_space<vmem>>
      %dma_wait3A_230 = tpu.memref_squeeze %dma_wait3A_229 : memref<1x128xi32, #tpu.memory_space<vmem>> -> memref<128xi32, #tpu.memory_space<vmem>>
      %dma_wait3A_231 = arith.constant 0 : i32
      %dma_wait3A_232 = arith.constant 0 : i32
      %dma_wait3A_233 = tpu.memref_slice %arg2[%dma_wait3A_231, %dma_wait3A_232] : memref<10240x128xf32, #tpu.memory_space<hbm>> -> memref<10240x128xf32, #tpu.memory_space<hbm>>
      tpu.wait_indirect_dma semaphore(%arg18 : memref<!tpu.dma_semaphore, #tpu.memory_space<semaphore_mem>>) src(%dma_wait3A_233 : memref<10240x128xf32, #tpu.memory_space<hbm>>) dst(%arg12 : memref<128x128xf32, #tpu.memory_space<vmem>>)
      %ge3A_234 = arith.constant 1 : i32
      %ge3A_235 = arith.cmpi sge, %add3A_226, %ge3A_234 : i32
      %convert_element_type3A_236 = arith.extui %ge3A_235 : i1 to i32
      %cond3A_237 = arith.constant 0 : i32
      %cond3A_238 = arith.cmpi ne, %convert_element_type3A_236, %cond3A_237 : i32
      scf.if %cond3A_238 {
        %dma_wait3A_740 = arith.constant 0 : i32
        %dma_wait3A_741 = arith.constant 0 : i32
        %dma_wait3A_742 = tpu.memref_slice %arg8[%dma_wait3A_740, %dma_wait3A_741] : memref<8x128xi32, #tpu.memory_space<vmem>> -> memref<1x128xi32, #tpu.memory_space<vmem>>
        %dma_wait3A_743 = tpu.memref_squeeze %dma_wait3A_742 : memref<1x128xi32, #tpu.memory_space<vmem>> -> memref<128xi32, #tpu.memory_space<vmem>>
        %dma_wait3A_744 = arith.constant 0 : i32
        %dma_wait3A_745 = arith.constant 0 : i32
        %dma_wait3A_746 = tpu.memref_slice %arg16[%dma_wait3A_744, %dma_wait3A_745] : memref<10240x128xf32, #tpu.memory_space<vmem_shared>> -> memref<10240x128xf32, #tpu.memory_space<vmem_shared>>
        tpu.wait_indirect_dma semaphore(%arg21 : memref<!tpu.dma_semaphore, #tpu.memory_space<semaphore_mem>>) src(%arg13 : memref<128x128xf32, #tpu.memory_space<vmem>>) dst(%dma_wait3A_746 : memref<10240x128xf32, #tpu.memory_space<vmem_shared>>)
        %dma_wait3A_747 = arith.constant 0 : i32
        %dma_wait3A_748 = arith.constant 0 : i32
        %dma_wait3A_749 = tpu.memref_slice %arg8[%dma_wait3A_747, %dma_wait3A_748] : memref<8x128xi32, #tpu.memory_space<vmem>> -> memref<1x128xi32, #tpu.memory_space<vmem>>
        %dma_wait3A_750 = tpu.memref_squeeze %dma_wait3A_749 : memref<1x128xi32, #tpu.memory_space<vmem>> -> memref<128xi32, #tpu.memory_space<vmem>>
        %dma_wait3A_751 = arith.constant 0 : i32
        %dma_wait3A_752 = tpu.memref_slice %arg17[%dma_wait3A_751] : memref<10240xf32, #tpu.memory_space<vmem_shared>> -> memref<10240xf32, #tpu.memory_space<vmem_shared>>
        tpu.wait_indirect_dma semaphore(%arg23 : memref<!tpu.dma_semaphore, #tpu.memory_space<semaphore_mem>>) src(%arg14 : memref<128xf32, #tpu.memory_space<vmem>>) dst(%dma_wait3A_752 : memref<10240xf32, #tpu.memory_space<vmem_shared>>)
      } else {
      }
      %dma_start3A_239 = arith.constant 3 : i32
      %dma_start3A_240 = arith.constant 0 : i32
      %dma_start3A_241 = tpu.memref_slice %arg8[%dma_start3A_239, %dma_start3A_240] : memref<8x128xi32, #tpu.memory_space<vmem>> -> memref<1x128xi32, #tpu.memory_space<vmem>>
      %dma_start3A_242 = tpu.memref_squeeze %dma_start3A_241 : memref<1x128xi32, #tpu.memory_space<vmem>> -> memref<128xi32, #tpu.memory_space<vmem>>
      %dma_start3A_243 = arith.constant 0 : i32
      %dma_start3A_244 = arith.constant 0 : i32
      %dma_start3A_245 = tpu.memref_slice %arg2[%dma_start3A_243, %dma_start3A_244] : memref<10240x128xf32, #tpu.memory_space<hbm>> -> memref<10240x128xf32, #tpu.memory_space<hbm>>
      tpu.enqueue_indirect_dma source(%dma_start3A_245 : memref<10240x128xf32, #tpu.memory_space<hbm>>) target(%arg13 : memref<128x128xf32, #tpu.memory_space<vmem>>) offsets(%dma_start3A_242 : memref<128xi32, #tpu.memory_space<vmem>>) semaphore(%arg19 : memref<!tpu.dma_semaphore, #tpu.memory_space<semaphore_mem>>)
      %dma_start3A_246 = arith.constant 2 : i32
      %dma_start3A_247 = arith.constant 0 : i32
      %dma_start3A_248 = tpu.memref_slice %arg10[%dma_start3A_246, %dma_start3A_247] : memref<8x128xi32, #tpu.memory_space<vmem>> -> memref<1x128xi32, #tpu.memory_space<vmem>>
      %dma_start3A_249 = tpu.memref_squeeze %dma_start3A_248 : memref<1x128xi32, #tpu.memory_space<vmem>> -> memref<128xi32, #tpu.memory_space<vmem>>
      %dma_start3A_250 = arith.constant 0 : i32
      %dma_start3A_251 = tpu.memref_slice %arg17[%dma_start3A_250] : memref<10240xf32, #tpu.memory_space<vmem_shared>> -> memref<10240xf32, #tpu.memory_space<vmem_shared>>
      tpu.enqueue_indirect_dma source(%arg14 : memref<128xf32, #tpu.memory_space<vmem>>) target(%dma_start3A_251 : memref<10240xf32, #tpu.memory_space<vmem_shared>>) offsets(%dma_start3A_249 : memref<128xi32, #tpu.memory_space<vmem>>) semaphore(%arg23 : memref<!tpu.dma_semaphore, #tpu.memory_space<semaphore_mem>>) {add = true}
      %dma_start3A_252 = arith.constant 2 : i32
      %dma_start3A_253 = arith.constant 0 : i32
      %dma_start3A_254 = tpu.memref_slice %arg10[%dma_start3A_252, %dma_start3A_253] : memref<8x128xi32, #tpu.memory_space<vmem>> -> memref<1x128xi32, #tpu.memory_space<vmem>>
      %dma_start3A_255 = tpu.memref_squeeze %dma_start3A_254 : memref<1x128xi32, #tpu.memory_space<vmem>> -> memref<128xi32, #tpu.memory_space<vmem>>
      %dma_start3A_256 = arith.constant 0 : i32
      %dma_start3A_257 = arith.constant 0 : i32
      %dma_start3A_258 = tpu.memref_slice %arg16[%dma_start3A_256, %dma_start3A_257] : memref<10240x128xf32, #tpu.memory_space<vmem_shared>> -> memref<10240x128xf32, #tpu.memory_space<vmem_shared>>
      tpu.enqueue_indirect_dma source(%arg12 : memref<128x128xf32, #tpu.memory_space<vmem>>) target(%dma_start3A_258 : memref<10240x128xf32, #tpu.memory_space<vmem_shared>>) offsets(%dma_start3A_255 : memref<128xi32, #tpu.memory_space<vmem>>) semaphore(%arg20 : memref<!tpu.dma_semaphore, #tpu.memory_space<semaphore_mem>>) {add = true}
      %mul3A_259 = arith.constant 8 : i32
      %mul3A_260 = arith.muli %add3A_149, %mul3A_259 : i32
      %add3A_261 = arith.constant 3 : i32
      %add3A_262 = arith.addi %mul3A_260, %add3A_261 : i32
      %dma_wait3A_263 = arith.constant 3 : i32
      %dma_wait3A_264 = arith.constant 0 : i32
      %dma_wait3A_265 = tpu.memref_slice %arg8[%dma_wait3A_263, %dma_wait3A_264] : memref<8x128xi32, #tpu.memory_space<vmem>> -> memref<1x128xi32, #tpu.memory_space<vmem>>
      %dma_wait3A_266 = tpu.memref_squeeze %dma_wait3A_265 : memref<1x128xi32, #tpu.memory_space<vmem>> -> memref<128xi32, #tpu.memory_space<vmem>>
      %dma_wait3A_267 = arith.constant 0 : i32
      %dma_wait3A_268 = arith.constant 0 : i32
      %dma_wait3A_269 = tpu.memref_slice %arg2[%dma_wait3A_267, %dma_wait3A_268] : memref<10240x128xf32, #tpu.memory_space<hbm>> -> memref<10240x128xf32, #tpu.memory_space<hbm>>
      tpu.wait_indirect_dma semaphore(%arg19 : memref<!tpu.dma_semaphore, #tpu.memory_space<semaphore_mem>>) src(%dma_wait3A_269 : memref<10240x128xf32, #tpu.memory_space<hbm>>) dst(%arg13 : memref<128x128xf32, #tpu.memory_space<vmem>>)
      %ge3A_270 = arith.constant 1 : i32
      %ge3A_271 = arith.cmpi sge, %add3A_262, %ge3A_270 : i32
      %convert_element_type3A_272 = arith.extui %ge3A_271 : i1 to i32
      %cond3A_273 = arith.constant 0 : i32
      %cond3A_274 = arith.cmpi ne, %convert_element_type3A_272, %cond3A_273 : i32
      scf.if %cond3A_274 {
        %dma_wait3A_740 = arith.constant 0 : i32
        %dma_wait3A_741 = arith.constant 0 : i32
        %dma_wait3A_742 = tpu.memref_slice %arg8[%dma_wait3A_740, %dma_wait3A_741] : memref<8x128xi32, #tpu.memory_space<vmem>> -> memref<1x128xi32, #tpu.memory_space<vmem>>
        %dma_wait3A_743 = tpu.memref_squeeze %dma_wait3A_742 : memref<1x128xi32, #tpu.memory_space<vmem>> -> memref<128xi32, #tpu.memory_space<vmem>>
        %dma_wait3A_744 = arith.constant 0 : i32
        %dma_wait3A_745 = arith.constant 0 : i32
        %dma_wait3A_746 = tpu.memref_slice %arg16[%dma_wait3A_744, %dma_wait3A_745] : memref<10240x128xf32, #tpu.memory_space<vmem_shared>> -> memref<10240x128xf32, #tpu.memory_space<vmem_shared>>
        tpu.wait_indirect_dma semaphore(%arg20 : memref<!tpu.dma_semaphore, #tpu.memory_space<semaphore_mem>>) src(%arg12 : memref<128x128xf32, #tpu.memory_space<vmem>>) dst(%dma_wait3A_746 : memref<10240x128xf32, #tpu.memory_space<vmem_shared>>)
        %dma_wait3A_747 = arith.constant 0 : i32
        %dma_wait3A_748 = arith.constant 0 : i32
        %dma_wait3A_749 = tpu.memref_slice %arg8[%dma_wait3A_747, %dma_wait3A_748] : memref<8x128xi32, #tpu.memory_space<vmem>> -> memref<1x128xi32, #tpu.memory_space<vmem>>
        %dma_wait3A_750 = tpu.memref_squeeze %dma_wait3A_749 : memref<1x128xi32, #tpu.memory_space<vmem>> -> memref<128xi32, #tpu.memory_space<vmem>>
        %dma_wait3A_751 = arith.constant 0 : i32
        %dma_wait3A_752 = tpu.memref_slice %arg17[%dma_wait3A_751] : memref<10240xf32, #tpu.memory_space<vmem_shared>> -> memref<10240xf32, #tpu.memory_space<vmem_shared>>
        tpu.wait_indirect_dma semaphore(%arg23 : memref<!tpu.dma_semaphore, #tpu.memory_space<semaphore_mem>>) src(%arg14 : memref<128xf32, #tpu.memory_space<vmem>>) dst(%dma_wait3A_752 : memref<10240xf32, #tpu.memory_space<vmem_shared>>)
      } else {
      }
      %dma_start3A_275 = arith.constant 4 : i32
      %dma_start3A_276 = arith.constant 0 : i32
      %dma_start3A_277 = tpu.memref_slice %arg8[%dma_start3A_275, %dma_start3A_276] : memref<8x128xi32, #tpu.memory_space<vmem>> -> memref<1x128xi32, #tpu.memory_space<vmem>>
      %dma_start3A_278 = tpu.memref_squeeze %dma_start3A_277 : memref<1x128xi32, #tpu.memory_space<vmem>> -> memref<128xi32, #tpu.memory_space<vmem>>
      %dma_start3A_279 = arith.constant 0 : i32
      %dma_start3A_280 = arith.constant 0 : i32
      %dma_start3A_281 = tpu.memref_slice %arg2[%dma_start3A_279, %dma_start3A_280] : memref<10240x128xf32, #tpu.memory_space<hbm>> -> memref<10240x128xf32, #tpu.memory_space<hbm>>
      tpu.enqueue_indirect_dma source(%dma_start3A_281 : memref<10240x128xf32, #tpu.memory_space<hbm>>) target(%arg12 : memref<128x128xf32, #tpu.memory_space<vmem>>) offsets(%dma_start3A_278 : memref<128xi32, #tpu.memory_space<vmem>>) semaphore(%arg18 : memref<!tpu.dma_semaphore, #tpu.memory_space<semaphore_mem>>)
      %dma_start3A_282 = arith.constant 3 : i32
      %dma_start3A_283 = arith.constant 0 : i32
      %dma_start3A_284 = tpu.memref_slice %arg10[%dma_start3A_282, %dma_start3A_283] : memref<8x128xi32, #tpu.memory_space<vmem>> -> memref<1x128xi32, #tpu.memory_space<vmem>>
      %dma_start3A_285 = tpu.memref_squeeze %dma_start3A_284 : memref<1x128xi32, #tpu.memory_space<vmem>> -> memref<128xi32, #tpu.memory_space<vmem>>
      %dma_start3A_286 = arith.constant 0 : i32
      %dma_start3A_287 = tpu.memref_slice %arg17[%dma_start3A_286] : memref<10240xf32, #tpu.memory_space<vmem_shared>> -> memref<10240xf32, #tpu.memory_space<vmem_shared>>
      tpu.enqueue_indirect_dma source(%arg14 : memref<128xf32, #tpu.memory_space<vmem>>) target(%dma_start3A_287 : memref<10240xf32, #tpu.memory_space<vmem_shared>>) offsets(%dma_start3A_285 : memref<128xi32, #tpu.memory_space<vmem>>) semaphore(%arg23 : memref<!tpu.dma_semaphore, #tpu.memory_space<semaphore_mem>>) {add = true}
      %dma_start3A_288 = arith.constant 3 : i32
      %dma_start3A_289 = arith.constant 0 : i32
      %dma_start3A_290 = tpu.memref_slice %arg10[%dma_start3A_288, %dma_start3A_289] : memref<8x128xi32, #tpu.memory_space<vmem>> -> memref<1x128xi32, #tpu.memory_space<vmem>>
      %dma_start3A_291 = tpu.memref_squeeze %dma_start3A_290 : memref<1x128xi32, #tpu.memory_space<vmem>> -> memref<128xi32, #tpu.memory_space<vmem>>
      %dma_start3A_292 = arith.constant 0 : i32
      %dma_start3A_293 = arith.constant 0 : i32
      %dma_start3A_294 = tpu.memref_slice %arg16[%dma_start3A_292, %dma_start3A_293] : memref<10240x128xf32, #tpu.memory_space<vmem_shared>> -> memref<10240x128xf32, #tpu.memory_space<vmem_shared>>
      tpu.enqueue_indirect_dma source(%arg13 : memref<128x128xf32, #tpu.memory_space<vmem>>) target(%dma_start3A_294 : memref<10240x128xf32, #tpu.memory_space<vmem_shared>>) offsets(%dma_start3A_291 : memref<128xi32, #tpu.memory_space<vmem>>) semaphore(%arg21 : memref<!tpu.dma_semaphore, #tpu.memory_space<semaphore_mem>>) {add = true}
      %mul3A_295 = arith.constant 8 : i32
      %mul3A_296 = arith.muli %add3A_149, %mul3A_295 : i32
      %add3A_297 = arith.constant 4 : i32
      %add3A_298 = arith.addi %mul3A_296, %add3A_297 : i32
      %dma_wait3A_299 = arith.constant 4 : i32
      %dma_wait3A_300 = arith.constant 0 : i32
      %dma_wait3A_301 = tpu.memref_slice %arg8[%dma_wait3A_299, %dma_wait3A_300] : memref<8x128xi32, #tpu.memory_space<vmem>> -> memref<1x128xi32, #tpu.memory_space<vmem>>
      %dma_wait3A_302 = tpu.memref_squeeze %dma_wait3A_301 : memref<1x128xi32, #tpu.memory_space<vmem>> -> memref<128xi32, #tpu.memory_space<vmem>>
      %dma_wait3A_303 = arith.constant 0 : i32
      %dma_wait3A_304 = arith.constant 0 : i32
      %dma_wait3A_305 = tpu.memref_slice %arg2[%dma_wait3A_303, %dma_wait3A_304] : memref<10240x128xf32, #tpu.memory_space<hbm>> -> memref<10240x128xf32, #tpu.memory_space<hbm>>
      tpu.wait_indirect_dma semaphore(%arg18 : memref<!tpu.dma_semaphore, #tpu.memory_space<semaphore_mem>>) src(%dma_wait3A_305 : memref<10240x128xf32, #tpu.memory_space<hbm>>) dst(%arg12 : memref<128x128xf32, #tpu.memory_space<vmem>>)
      %ge3A_306 = arith.constant 1 : i32
      %ge3A_307 = arith.cmpi sge, %add3A_298, %ge3A_306 : i32
      %convert_element_type3A_308 = arith.extui %ge3A_307 : i1 to i32
      %cond3A_309 = arith.constant 0 : i32
      %cond3A_310 = arith.cmpi ne, %convert_element_type3A_308, %cond3A_309 : i32
      scf.if %cond3A_310 {
        %dma_wait3A_740 = arith.constant 0 : i32
        %dma_wait3A_741 = arith.constant 0 : i32
        %dma_wait3A_742 = tpu.memref_slice %arg8[%dma_wait3A_740, %dma_wait3A_741] : memref<8x128xi32, #tpu.memory_space<vmem>> -> memref<1x128xi32, #tpu.memory_space<vmem>>
        %dma_wait3A_743 = tpu.memref_squeeze %dma_wait3A_742 : memref<1x128xi32, #tpu.memory_space<vmem>> -> memref<128xi32, #tpu.memory_space<vmem>>
        %dma_wait3A_744 = arith.constant 0 : i32
        %dma_wait3A_745 = arith.constant 0 : i32
        %dma_wait3A_746 = tpu.memref_slice %arg16[%dma_wait3A_744, %dma_wait3A_745] : memref<10240x128xf32, #tpu.memory_space<vmem_shared>> -> memref<10240x128xf32, #tpu.memory_space<vmem_shared>>
        tpu.wait_indirect_dma semaphore(%arg21 : memref<!tpu.dma_semaphore, #tpu.memory_space<semaphore_mem>>) src(%arg13 : memref<128x128xf32, #tpu.memory_space<vmem>>) dst(%dma_wait3A_746 : memref<10240x128xf32, #tpu.memory_space<vmem_shared>>)
        %dma_wait3A_747 = arith.constant 0 : i32
        %dma_wait3A_748 = arith.constant 0 : i32
        %dma_wait3A_749 = tpu.memref_slice %arg8[%dma_wait3A_747, %dma_wait3A_748] : memref<8x128xi32, #tpu.memory_space<vmem>> -> memref<1x128xi32, #tpu.memory_space<vmem>>
        %dma_wait3A_750 = tpu.memref_squeeze %dma_wait3A_749 : memref<1x128xi32, #tpu.memory_space<vmem>> -> memref<128xi32, #tpu.memory_space<vmem>>
        %dma_wait3A_751 = arith.constant 0 : i32
        %dma_wait3A_752 = tpu.memref_slice %arg17[%dma_wait3A_751] : memref<10240xf32, #tpu.memory_space<vmem_shared>> -> memref<10240xf32, #tpu.memory_space<vmem_shared>>
        tpu.wait_indirect_dma semaphore(%arg23 : memref<!tpu.dma_semaphore, #tpu.memory_space<semaphore_mem>>) src(%arg14 : memref<128xf32, #tpu.memory_space<vmem>>) dst(%dma_wait3A_752 : memref<10240xf32, #tpu.memory_space<vmem_shared>>)
      } else {
      }
      %dma_start3A_311 = arith.constant 5 : i32
      %dma_start3A_312 = arith.constant 0 : i32
      %dma_start3A_313 = tpu.memref_slice %arg8[%dma_start3A_311, %dma_start3A_312] : memref<8x128xi32, #tpu.memory_space<vmem>> -> memref<1x128xi32, #tpu.memory_space<vmem>>
      %dma_start3A_314 = tpu.memref_squeeze %dma_start3A_313 : memref<1x128xi32, #tpu.memory_space<vmem>> -> memref<128xi32, #tpu.memory_space<vmem>>
      %dma_start3A_315 = arith.constant 0 : i32
      %dma_start3A_316 = arith.constant 0 : i32
      %dma_start3A_317 = tpu.memref_slice %arg2[%dma_start3A_315, %dma_start3A_316] : memref<10240x128xf32, #tpu.memory_space<hbm>> -> memref<10240x128xf32, #tpu.memory_space<hbm>>
      tpu.enqueue_indirect_dma source(%dma_start3A_317 : memref<10240x128xf32, #tpu.memory_space<hbm>>) target(%arg13 : memref<128x128xf32, #tpu.memory_space<vmem>>) offsets(%dma_start3A_314 : memref<128xi32, #tpu.memory_space<vmem>>) semaphore(%arg19 : memref<!tpu.dma_semaphore, #tpu.memory_space<semaphore_mem>>)
      %dma_start3A_318 = arith.constant 4 : i32
      %dma_start3A_319 = arith.constant 0 : i32
      %dma_start3A_320 = tpu.memref_slice %arg10[%dma_start3A_318, %dma_start3A_319] : memref<8x128xi32, #tpu.memory_space<vmem>> -> memref<1x128xi32, #tpu.memory_space<vmem>>
      %dma_start3A_321 = tpu.memref_squeeze %dma_start3A_320 : memref<1x128xi32, #tpu.memory_space<vmem>> -> memref<128xi32, #tpu.memory_space<vmem>>
      %dma_start3A_322 = arith.constant 0 : i32
      %dma_start3A_323 = tpu.memref_slice %arg17[%dma_start3A_322] : memref<10240xf32, #tpu.memory_space<vmem_shared>> -> memref<10240xf32, #tpu.memory_space<vmem_shared>>
      tpu.enqueue_indirect_dma source(%arg14 : memref<128xf32, #tpu.memory_space<vmem>>) target(%dma_start3A_323 : memref<10240xf32, #tpu.memory_space<vmem_shared>>) offsets(%dma_start3A_321 : memref<128xi32, #tpu.memory_space<vmem>>) semaphore(%arg23 : memref<!tpu.dma_semaphore, #tpu.memory_space<semaphore_mem>>) {add = true}
      %dma_start3A_324 = arith.constant 4 : i32
      %dma_start3A_325 = arith.constant 0 : i32
      %dma_start3A_326 = tpu.memref_slice %arg10[%dma_start3A_324, %dma_start3A_325] : memref<8x128xi32, #tpu.memory_space<vmem>> -> memref<1x128xi32, #tpu.memory_space<vmem>>
      %dma_start3A_327 = tpu.memref_squeeze %dma_start3A_326 : memref<1x128xi32, #tpu.memory_space<vmem>> -> memref<128xi32, #tpu.memory_space<vmem>>
      %dma_start3A_328 = arith.constant 0 : i32
      %dma_start3A_329 = arith.constant 0 : i32
      %dma_start3A_330 = tpu.memref_slice %arg16[%dma_start3A_328, %dma_start3A_329] : memref<10240x128xf32, #tpu.memory_space<vmem_shared>> -> memref<10240x128xf32, #tpu.memory_space<vmem_shared>>
      tpu.enqueue_indirect_dma source(%arg12 : memref<128x128xf32, #tpu.memory_space<vmem>>) target(%dma_start3A_330 : memref<10240x128xf32, #tpu.memory_space<vmem_shared>>) offsets(%dma_start3A_327 : memref<128xi32, #tpu.memory_space<vmem>>) semaphore(%arg20 : memref<!tpu.dma_semaphore, #tpu.memory_space<semaphore_mem>>) {add = true}
      %mul3A_331 = arith.constant 8 : i32
      %mul3A_332 = arith.muli %add3A_149, %mul3A_331 : i32
      %add3A_333 = arith.constant 5 : i32
      %add3A_334 = arith.addi %mul3A_332, %add3A_333 : i32
      %dma_wait3A_335 = arith.constant 5 : i32
      %dma_wait3A_336 = arith.constant 0 : i32
      %dma_wait3A_337 = tpu.memref_slice %arg8[%dma_wait3A_335, %dma_wait3A_336] : memref<8x128xi32, #tpu.memory_space<vmem>> -> memref<1x128xi32, #tpu.memory_space<vmem>>
      %dma_wait3A_338 = tpu.memref_squeeze %dma_wait3A_337 : memref<1x128xi32, #tpu.memory_space<vmem>> -> memref<128xi32, #tpu.memory_space<vmem>>
      %dma_wait3A_339 = arith.constant 0 : i32
      %dma_wait3A_340 = arith.constant 0 : i32
      %dma_wait3A_341 = tpu.memref_slice %arg2[%dma_wait3A_339, %dma_wait3A_340] : memref<10240x128xf32, #tpu.memory_space<hbm>> -> memref<10240x128xf32, #tpu.memory_space<hbm>>
      tpu.wait_indirect_dma semaphore(%arg19 : memref<!tpu.dma_semaphore, #tpu.memory_space<semaphore_mem>>) src(%dma_wait3A_341 : memref<10240x128xf32, #tpu.memory_space<hbm>>) dst(%arg13 : memref<128x128xf32, #tpu.memory_space<vmem>>)
      %ge3A_342 = arith.constant 1 : i32
      %ge3A_343 = arith.cmpi sge, %add3A_334, %ge3A_342 : i32
      %convert_element_type3A_344 = arith.extui %ge3A_343 : i1 to i32
      %cond3A_345 = arith.constant 0 : i32
      %cond3A_346 = arith.cmpi ne, %convert_element_type3A_344, %cond3A_345 : i32
      scf.if %cond3A_346 {
        %dma_wait3A_740 = arith.constant 0 : i32
        %dma_wait3A_741 = arith.constant 0 : i32
        %dma_wait3A_742 = tpu.memref_slice %arg8[%dma_wait3A_740, %dma_wait3A_741] : memref<8x128xi32, #tpu.memory_space<vmem>> -> memref<1x128xi32, #tpu.memory_space<vmem>>
        %dma_wait3A_743 = tpu.memref_squeeze %dma_wait3A_742 : memref<1x128xi32, #tpu.memory_space<vmem>> -> memref<128xi32, #tpu.memory_space<vmem>>
        %dma_wait3A_744 = arith.constant 0 : i32
        %dma_wait3A_745 = arith.constant 0 : i32
        %dma_wait3A_746 = tpu.memref_slice %arg16[%dma_wait3A_744, %dma_wait3A_745] : memref<10240x128xf32, #tpu.memory_space<vmem_shared>> -> memref<10240x128xf32, #tpu.memory_space<vmem_shared>>
        tpu.wait_indirect_dma semaphore(%arg20 : memref<!tpu.dma_semaphore, #tpu.memory_space<semaphore_mem>>) src(%arg12 : memref<128x128xf32, #tpu.memory_space<vmem>>) dst(%dma_wait3A_746 : memref<10240x128xf32, #tpu.memory_space<vmem_shared>>)
        %dma_wait3A_747 = arith.constant 0 : i32
        %dma_wait3A_748 = arith.constant 0 : i32
        %dma_wait3A_749 = tpu.memref_slice %arg8[%dma_wait3A_747, %dma_wait3A_748] : memref<8x128xi32, #tpu.memory_space<vmem>> -> memref<1x128xi32, #tpu.memory_space<vmem>>
        %dma_wait3A_750 = tpu.memref_squeeze %dma_wait3A_749 : memref<1x128xi32, #tpu.memory_space<vmem>> -> memref<128xi32, #tpu.memory_space<vmem>>
        %dma_wait3A_751 = arith.constant 0 : i32
        %dma_wait3A_752 = tpu.memref_slice %arg17[%dma_wait3A_751] : memref<10240xf32, #tpu.memory_space<vmem_shared>> -> memref<10240xf32, #tpu.memory_space<vmem_shared>>
        tpu.wait_indirect_dma semaphore(%arg23 : memref<!tpu.dma_semaphore, #tpu.memory_space<semaphore_mem>>) src(%arg14 : memref<128xf32, #tpu.memory_space<vmem>>) dst(%dma_wait3A_752 : memref<10240xf32, #tpu.memory_space<vmem_shared>>)
      } else {
      }
      %dma_start3A_347 = arith.constant 6 : i32
      %dma_start3A_348 = arith.constant 0 : i32
      %dma_start3A_349 = tpu.memref_slice %arg8[%dma_start3A_347, %dma_start3A_348] : memref<8x128xi32, #tpu.memory_space<vmem>> -> memref<1x128xi32, #tpu.memory_space<vmem>>
      %dma_start3A_350 = tpu.memref_squeeze %dma_start3A_349 : memref<1x128xi32, #tpu.memory_space<vmem>> -> memref<128xi32, #tpu.memory_space<vmem>>
      %dma_start3A_351 = arith.constant 0 : i32
      %dma_start3A_352 = arith.constant 0 : i32
      %dma_start3A_353 = tpu.memref_slice %arg2[%dma_start3A_351, %dma_start3A_352] : memref<10240x128xf32, #tpu.memory_space<hbm>> -> memref<10240x128xf32, #tpu.memory_space<hbm>>
      tpu.enqueue_indirect_dma source(%dma_start3A_353 : memref<10240x128xf32, #tpu.memory_space<hbm>>) target(%arg12 : memref<128x128xf32, #tpu.memory_space<vmem>>) offsets(%dma_start3A_350 : memref<128xi32, #tpu.memory_space<vmem>>) semaphore(%arg18 : memref<!tpu.dma_semaphore, #tpu.memory_space<semaphore_mem>>)
      %dma_start3A_354 = arith.constant 5 : i32
      %dma_start3A_355 = arith.constant 0 : i32
      %dma_start3A_356 = tpu.memref_slice %arg10[%dma_start3A_354, %dma_start3A_355] : memref<8x128xi32, #tpu.memory_space<vmem>> -> memref<1x128xi32, #tpu.memory_space<vmem>>
      %dma_start3A_357 = tpu.memref_squeeze %dma_start3A_356 : memref<1x128xi32, #tpu.memory_space<vmem>> -> memref<128xi32, #tpu.memory_space<vmem>>
      %dma_start3A_358 = arith.constant 0 : i32
      %dma_start3A_359 = tpu.memref_slice %arg17[%dma_start3A_358] : memref<10240xf32, #tpu.memory_space<vmem_shared>> -> memref<10240xf32, #tpu.memory_space<vmem_shared>>
      tpu.enqueue_indirect_dma source(%arg14 : memref<128xf32, #tpu.memory_space<vmem>>) target(%dma_start3A_359 : memref<10240xf32, #tpu.memory_space<vmem_shared>>) offsets(%dma_start3A_357 : memref<128xi32, #tpu.memory_space<vmem>>) semaphore(%arg23 : memref<!tpu.dma_semaphore, #tpu.memory_space<semaphore_mem>>) {add = true}
      %dma_start3A_360 = arith.constant 5 : i32
      %dma_start3A_361 = arith.constant 0 : i32
      %dma_start3A_362 = tpu.memref_slice %arg10[%dma_start3A_360, %dma_start3A_361] : memref<8x128xi32, #tpu.memory_space<vmem>> -> memref<1x128xi32, #tpu.memory_space<vmem>>
      %dma_start3A_363 = tpu.memref_squeeze %dma_start3A_362 : memref<1x128xi32, #tpu.memory_space<vmem>> -> memref<128xi32, #tpu.memory_space<vmem>>
      %dma_start3A_364 = arith.constant 0 : i32
      %dma_start3A_365 = arith.constant 0 : i32
      %dma_start3A_366 = tpu.memref_slice %arg16[%dma_start3A_364, %dma_start3A_365] : memref<10240x128xf32, #tpu.memory_space<vmem_shared>> -> memref<10240x128xf32, #tpu.memory_space<vmem_shared>>
      tpu.enqueue_indirect_dma source(%arg13 : memref<128x128xf32, #tpu.memory_space<vmem>>) target(%dma_start3A_366 : memref<10240x128xf32, #tpu.memory_space<vmem_shared>>) offsets(%dma_start3A_363 : memref<128xi32, #tpu.memory_space<vmem>>) semaphore(%arg21 : memref<!tpu.dma_semaphore, #tpu.memory_space<semaphore_mem>>) {add = true}
      %mul3A_367 = arith.constant 8 : i32
      %mul3A_368 = arith.muli %add3A_149, %mul3A_367 : i32
      %add3A_369 = arith.constant 6 : i32
      %add3A_370 = arith.addi %mul3A_368, %add3A_369 : i32
      %dma_wait3A_371 = arith.constant 6 : i32
      %dma_wait3A_372 = arith.constant 0 : i32
      %dma_wait3A_373 = tpu.memref_slice %arg8[%dma_wait3A_371, %dma_wait3A_372] : memref<8x128xi32, #tpu.memory_space<vmem>> -> memref<1x128xi32, #tpu.memory_space<vmem>>
      %dma_wait3A_374 = tpu.memref_squeeze %dma_wait3A_373 : memref<1x128xi32, #tpu.memory_space<vmem>> -> memref<128xi32, #tpu.memory_space<vmem>>
      %dma_wait3A_375 = arith.constant 0 : i32
      %dma_wait3A_376 = arith.constant 0 : i32
      %dma_wait3A_377 = tpu.memref_slice %arg2[%dma_wait3A_375, %dma_wait3A_376] : memref<10240x128xf32, #tpu.memory_space<hbm>> -> memref<10240x128xf32, #tpu.memory_space<hbm>>
      tpu.wait_indirect_dma semaphore(%arg18 : memref<!tpu.dma_semaphore, #tpu.memory_space<semaphore_mem>>) src(%dma_wait3A_377 : memref<10240x128xf32, #tpu.memory_space<hbm>>) dst(%arg12 : memref<128x128xf32, #tpu.memory_space<vmem>>)
      %ge3A_378 = arith.constant 1 : i32
      %ge3A_379 = arith.cmpi sge, %add3A_370, %ge3A_378 : i32
      %convert_element_type3A_380 = arith.extui %ge3A_379 : i1 to i32
      %cond3A_381 = arith.constant 0 : i32
      %cond3A_382 = arith.cmpi ne, %convert_element_type3A_380, %cond3A_381 : i32
      scf.if %cond3A_382 {
        %dma_wait3A_740 = arith.constant 0 : i32
        %dma_wait3A_741 = arith.constant 0 : i32
        %dma_wait3A_742 = tpu.memref_slice %arg8[%dma_wait3A_740, %dma_wait3A_741] : memref<8x128xi32, #tpu.memory_space<vmem>> -> memref<1x128xi32, #tpu.memory_space<vmem>>
        %dma_wait3A_743 = tpu.memref_squeeze %dma_wait3A_742 : memref<1x128xi32, #tpu.memory_space<vmem>> -> memref<128xi32, #tpu.memory_space<vmem>>
        %dma_wait3A_744 = arith.constant 0 : i32
        %dma_wait3A_745 = arith.constant 0 : i32
        %dma_wait3A_746 = tpu.memref_slice %arg16[%dma_wait3A_744, %dma_wait3A_745] : memref<10240x128xf32, #tpu.memory_space<vmem_shared>> -> memref<10240x128xf32, #tpu.memory_space<vmem_shared>>
        tpu.wait_indirect_dma semaphore(%arg21 : memref<!tpu.dma_semaphore, #tpu.memory_space<semaphore_mem>>) src(%arg13 : memref<128x128xf32, #tpu.memory_space<vmem>>) dst(%dma_wait3A_746 : memref<10240x128xf32, #tpu.memory_space<vmem_shared>>)
        %dma_wait3A_747 = arith.constant 0 : i32
        %dma_wait3A_748 = arith.constant 0 : i32
        %dma_wait3A_749 = tpu.memref_slice %arg8[%dma_wait3A_747, %dma_wait3A_748] : memref<8x128xi32, #tpu.memory_space<vmem>> -> memref<1x128xi32, #tpu.memory_space<vmem>>
        %dma_wait3A_750 = tpu.memref_squeeze %dma_wait3A_749 : memref<1x128xi32, #tpu.memory_space<vmem>> -> memref<128xi32, #tpu.memory_space<vmem>>
        %dma_wait3A_751 = arith.constant 0 : i32
        %dma_wait3A_752 = tpu.memref_slice %arg17[%dma_wait3A_751] : memref<10240xf32, #tpu.memory_space<vmem_shared>> -> memref<10240xf32, #tpu.memory_space<vmem_shared>>
        tpu.wait_indirect_dma semaphore(%arg23 : memref<!tpu.dma_semaphore, #tpu.memory_space<semaphore_mem>>) src(%arg14 : memref<128xf32, #tpu.memory_space<vmem>>) dst(%dma_wait3A_752 : memref<10240xf32, #tpu.memory_space<vmem_shared>>)
      } else {
      }
      %lt3A_383 = arith.constant 9 : i32
      %lt3A_384 = arith.cmpi slt, %add3A_149, %lt3A_383 : i32
      %convert_element_type3A_385 = arith.extui %lt3A_384 : i1 to i32
      %cond3A_386 = arith.constant 0 : i32
      %cond3A_387 = arith.cmpi ne, %convert_element_type3A_385, %cond3A_386 : i32
      scf.if %cond3A_387 {
        %dma_wait3A_740 = arith.constant 0 : i32
        %dma_wait3A_741 = arith.constant 0 : i32
        %dma_wait3A_742 = tpu.memref_slice %arg3[%dma_wait3A_740, %mul3A_2, %dma_wait3A_741] : memref<2x2560x128xi32, #tpu.memory_space<hbm>> -> memref<1x8x128xi32, #tpu.memory_space<hbm>>
        %dma_wait3A_743 = tpu.memref_squeeze %dma_wait3A_742 : memref<1x8x128xi32, #tpu.memory_space<hbm>> -> memref<8x128xi32, #tpu.memory_space<hbm>>
        %dma_wait3A_744 = arith.constant 0 : i32
        %dma_wait3A_745 = tpu.memref_slice %arg3[%dma_wait3A_740, %mul3A_2, %dma_wait3A_744] : memref<2x2560x128xi32, #tpu.memory_space<hbm>> -> memref<1x8x128xi32, #tpu.memory_space<hbm>>
        %dma_wait3A_746 = tpu.memref_squeeze %dma_wait3A_745 : memref<1x8x128xi32, #tpu.memory_space<hbm>> -> memref<8x128xi32, #tpu.memory_space<hbm>>
        tpu.wait_dma2 semaphore(%arg22 : memref<!tpu.dma_semaphore, #tpu.memory_space<semaphore_mem>>) src(%dma_wait3A_746 : memref<8x128xi32, #tpu.memory_space<hbm>>) dst(%arg9 : memref<8x128xi32, #tpu.memory_space<vmem>>)
        %dma_wait3A_747 = arith.constant 1 : i32
        %dma_wait3A_748 = arith.constant 0 : i32
        %dma_wait3A_749 = tpu.memref_slice %arg3[%dma_wait3A_747, %mul3A_2, %dma_wait3A_748] : memref<2x2560x128xi32, #tpu.memory_space<hbm>> -> memref<1x8x128xi32, #tpu.memory_space<hbm>>
        %dma_wait3A_750 = tpu.memref_squeeze %dma_wait3A_749 : memref<1x8x128xi32, #tpu.memory_space<hbm>> -> memref<8x128xi32, #tpu.memory_space<hbm>>
        %dma_wait3A_751 = arith.constant 0 : i32
        %dma_wait3A_752 = tpu.memref_slice %arg3[%dma_wait3A_747, %mul3A_2, %dma_wait3A_751] : memref<2x2560x128xi32, #tpu.memory_space<hbm>> -> memref<1x8x128xi32, #tpu.memory_space<hbm>>
        %dma_wait3A_753 = tpu.memref_squeeze %dma_wait3A_752 : memref<1x8x128xi32, #tpu.memory_space<hbm>> -> memref<8x128xi32, #tpu.memory_space<hbm>>
        tpu.wait_dma2 semaphore(%arg22 : memref<!tpu.dma_semaphore, #tpu.memory_space<semaphore_mem>>) src(%dma_wait3A_753 : memref<8x128xi32, #tpu.memory_space<hbm>>) dst(%arg11 : memref<8x128xi32, #tpu.memory_space<vmem>>)
      } else {
      }
      %dma_start3A_388 = arith.constant 7 : i32
      %dma_start3A_389 = arith.constant 0 : i32
      %dma_start3A_390 = tpu.memref_slice %arg8[%dma_start3A_388, %dma_start3A_389] : memref<8x128xi32, #tpu.memory_space<vmem>> -> memref<1x128xi32, #tpu.memory_space<vmem>>
      %dma_start3A_391 = tpu.memref_squeeze %dma_start3A_390 : memref<1x128xi32, #tpu.memory_space<vmem>> -> memref<128xi32, #tpu.memory_space<vmem>>
      %dma_start3A_392 = arith.constant 0 : i32
      %dma_start3A_393 = arith.constant 0 : i32
      %dma_start3A_394 = tpu.memref_slice %arg2[%dma_start3A_392, %dma_start3A_393] : memref<10240x128xf32, #tpu.memory_space<hbm>> -> memref<10240x128xf32, #tpu.memory_space<hbm>>
      tpu.enqueue_indirect_dma source(%dma_start3A_394 : memref<10240x128xf32, #tpu.memory_space<hbm>>) target(%arg13 : memref<128x128xf32, #tpu.memory_space<vmem>>) offsets(%dma_start3A_391 : memref<128xi32, #tpu.memory_space<vmem>>) semaphore(%arg19 : memref<!tpu.dma_semaphore, #tpu.memory_space<semaphore_mem>>)
      %dma_start3A_395 = arith.constant 6 : i32
      %dma_start3A_396 = arith.constant 0 : i32
      %dma_start3A_397 = tpu.memref_slice %arg10[%dma_start3A_395, %dma_start3A_396] : memref<8x128xi32, #tpu.memory_space<vmem>> -> memref<1x128xi32, #tpu.memory_space<vmem>>
      %dma_start3A_398 = tpu.memref_squeeze %dma_start3A_397 : memref<1x128xi32, #tpu.memory_space<vmem>> -> memref<128xi32, #tpu.memory_space<vmem>>
      %dma_start3A_399 = arith.constant 0 : i32
      %dma_start3A_400 = tpu.memref_slice %arg17[%dma_start3A_399] : memref<10240xf32, #tpu.memory_space<vmem_shared>> -> memref<10240xf32, #tpu.memory_space<vmem_shared>>
      tpu.enqueue_indirect_dma source(%arg14 : memref<128xf32, #tpu.memory_space<vmem>>) target(%dma_start3A_400 : memref<10240xf32, #tpu.memory_space<vmem_shared>>) offsets(%dma_start3A_398 : memref<128xi32, #tpu.memory_space<vmem>>) semaphore(%arg23 : memref<!tpu.dma_semaphore, #tpu.memory_space<semaphore_mem>>) {add = true}
      %dma_start3A_401 = arith.constant 6 : i32
      %dma_start3A_402 = arith.constant 0 : i32
      %dma_start3A_403 = tpu.memref_slice %arg10[%dma_start3A_401, %dma_start3A_402] : memref<8x128xi32, #tpu.memory_space<vmem>> -> memref<1x128xi32, #tpu.memory_space<vmem>>
      %dma_start3A_404 = tpu.memref_squeeze %dma_start3A_403 : memref<1x128xi32, #tpu.memory_space<vmem>> -> memref<128xi32, #tpu.memory_space<vmem>>
      %dma_start3A_405 = arith.constant 0 : i32
      %dma_start3A_406 = arith.constant 0 : i32
      %dma_start3A_407 = tpu.memref_slice %arg16[%dma_start3A_405, %dma_start3A_406] : memref<10240x128xf32, #tpu.memory_space<vmem_shared>> -> memref<10240x128xf32, #tpu.memory_space<vmem_shared>>
      tpu.enqueue_indirect_dma source(%arg12 : memref<128x128xf32, #tpu.memory_space<vmem>>) target(%dma_start3A_407 : memref<10240x128xf32, #tpu.memory_space<vmem_shared>>) offsets(%dma_start3A_404 : memref<128xi32, #tpu.memory_space<vmem>>) semaphore(%arg20 : memref<!tpu.dma_semaphore, #tpu.memory_space<semaphore_mem>>) {add = true}
      %mul3A_408 = arith.constant 8 : i32
      %mul3A_409 = arith.muli %add3A_149, %mul3A_408 : i32
      %add3A_410 = arith.constant 7 : i32
      %add3A_411 = arith.addi %mul3A_409, %add3A_410 : i32
      %dma_wait3A_412 = arith.constant 7 : i32
      %dma_wait3A_413 = arith.constant 0 : i32
      %dma_wait3A_414 = tpu.memref_slice %arg8[%dma_wait3A_412, %dma_wait3A_413] : memref<8x128xi32, #tpu.memory_space<vmem>> -> memref<1x128xi32, #tpu.memory_space<vmem>>
      %dma_wait3A_415 = tpu.memref_squeeze %dma_wait3A_414 : memref<1x128xi32, #tpu.memory_space<vmem>> -> memref<128xi32, #tpu.memory_space<vmem>>
      %dma_wait3A_416 = arith.constant 0 : i32
      %dma_wait3A_417 = arith.constant 0 : i32
      %dma_wait3A_418 = tpu.memref_slice %arg2[%dma_wait3A_416, %dma_wait3A_417] : memref<10240x128xf32, #tpu.memory_space<hbm>> -> memref<10240x128xf32, #tpu.memory_space<hbm>>
      tpu.wait_indirect_dma semaphore(%arg19 : memref<!tpu.dma_semaphore, #tpu.memory_space<semaphore_mem>>) src(%dma_wait3A_418 : memref<10240x128xf32, #tpu.memory_space<hbm>>) dst(%arg13 : memref<128x128xf32, #tpu.memory_space<vmem>>)
      %ge3A_419 = arith.constant 1 : i32
      %ge3A_420 = arith.cmpi sge, %add3A_411, %ge3A_419 : i32
      %convert_element_type3A_421 = arith.extui %ge3A_420 : i1 to i32
      %cond3A_422 = arith.constant 0 : i32
      %cond3A_423 = arith.cmpi ne, %convert_element_type3A_421, %cond3A_422 : i32
      scf.if %cond3A_423 {
        %dma_wait3A_740 = arith.constant 0 : i32
        %dma_wait3A_741 = arith.constant 0 : i32
        %dma_wait3A_742 = tpu.memref_slice %arg8[%dma_wait3A_740, %dma_wait3A_741] : memref<8x128xi32, #tpu.memory_space<vmem>> -> memref<1x128xi32, #tpu.memory_space<vmem>>
        %dma_wait3A_743 = tpu.memref_squeeze %dma_wait3A_742 : memref<1x128xi32, #tpu.memory_space<vmem>> -> memref<128xi32, #tpu.memory_space<vmem>>
        %dma_wait3A_744 = arith.constant 0 : i32
        %dma_wait3A_745 = arith.constant 0 : i32
        %dma_wait3A_746 = tpu.memref_slice %arg16[%dma_wait3A_744, %dma_wait3A_745] : memref<10240x128xf32, #tpu.memory_space<vmem_shared>> -> memref<10240x128xf32, #tpu.memory_space<vmem_shared>>
        tpu.wait_indirect_dma semaphore(%arg20 : memref<!tpu.dma_semaphore, #tpu.memory_space<semaphore_mem>>) src(%arg12 : memref<128x128xf32, #tpu.memory_space<vmem>>) dst(%dma_wait3A_746 : memref<10240x128xf32, #tpu.memory_space<vmem_shared>>)
        %dma_wait3A_747 = arith.constant 0 : i32
        %dma_wait3A_748 = arith.constant 0 : i32
        %dma_wait3A_749 = tpu.memref_slice %arg8[%dma_wait3A_747, %dma_wait3A_748] : memref<8x128xi32, #tpu.memory_space<vmem>> -> memref<1x128xi32, #tpu.memory_space<vmem>>
        %dma_wait3A_750 = tpu.memref_squeeze %dma_wait3A_749 : memref<1x128xi32, #tpu.memory_space<vmem>> -> memref<128xi32, #tpu.memory_space<vmem>>
        %dma_wait3A_751 = arith.constant 0 : i32
        %dma_wait3A_752 = tpu.memref_slice %arg17[%dma_wait3A_751] : memref<10240xf32, #tpu.memory_space<vmem_shared>> -> memref<10240xf32, #tpu.memory_space<vmem_shared>>
        tpu.wait_indirect_dma semaphore(%arg23 : memref<!tpu.dma_semaphore, #tpu.memory_space<semaphore_mem>>) src(%arg14 : memref<128xf32, #tpu.memory_space<vmem>>) dst(%dma_wait3A_752 : memref<10240xf32, #tpu.memory_space<vmem_shared>>)
      } else {
      }
      %lt3A_424 = arith.constant 9 : i32
      %lt3A_425 = arith.cmpi slt, %add3A_149, %lt3A_424 : i32
      %convert_element_type3A_426 = arith.extui %lt3A_425 : i1 to i32
      %cond3A_427 = arith.constant 0 : i32
      %cond3A_428 = arith.cmpi ne, %convert_element_type3A_426, %cond3A_427 : i32
      scf.if %cond3A_428 {
        %dma_start3A_740 = arith.constant 0 : i32
        %dma_start3A_741 = arith.constant 0 : i32
        %dma_start3A_742 = tpu.memref_slice %arg9[%dma_start3A_740, %dma_start3A_741] : memref<8x128xi32, #tpu.memory_space<vmem>> -> memref<1x128xi32, #tpu.memory_space<vmem>>
        %dma_start3A_743 = tpu.memref_squeeze %dma_start3A_742 : memref<1x128xi32, #tpu.memory_space<vmem>> -> memref<128xi32, #tpu.memory_space<vmem>>
        %dma_start3A_744 = arith.constant 0 : i32
        %dma_start3A_745 = arith.constant 0 : i32
        %dma_start3A_746 = tpu.memref_slice %arg2[%dma_start3A_744, %dma_start3A_745] : memref<10240x128xf32, #tpu.memory_space<hbm>> -> memref<10240x128xf32, #tpu.memory_space<hbm>>
        tpu.enqueue_indirect_dma source(%dma_start3A_746 : memref<10240x128xf32, #tpu.memory_space<hbm>>) target(%arg12 : memref<128x128xf32, #tpu.memory_space<vmem>>) offsets(%dma_start3A_743 : memref<128xi32, #tpu.memory_space<vmem>>) semaphore(%arg18 : memref<!tpu.dma_semaphore, #tpu.memory_space<semaphore_mem>>)
      } else {
      }
      %dma_start3A_429 = arith.constant 7 : i32
      %dma_start3A_430 = arith.constant 0 : i32
      %dma_start3A_431 = tpu.memref_slice %arg10[%dma_start3A_429, %dma_start3A_430] : memref<8x128xi32, #tpu.memory_space<vmem>> -> memref<1x128xi32, #tpu.memory_space<vmem>>
      %dma_start3A_432 = tpu.memref_squeeze %dma_start3A_431 : memref<1x128xi32, #tpu.memory_space<vmem>> -> memref<128xi32, #tpu.memory_space<vmem>>
      %dma_start3A_433 = arith.constant 0 : i32
      %dma_start3A_434 = tpu.memref_slice %arg17[%dma_start3A_433] : memref<10240xf32, #tpu.memory_space<vmem_shared>> -> memref<10240xf32, #tpu.memory_space<vmem_shared>>
      tpu.enqueue_indirect_dma source(%arg14 : memref<128xf32, #tpu.memory_space<vmem>>) target(%dma_start3A_434 : memref<10240xf32, #tpu.memory_space<vmem_shared>>) offsets(%dma_start3A_432 : memref<128xi32, #tpu.memory_space<vmem>>) semaphore(%arg23 : memref<!tpu.dma_semaphore, #tpu.memory_space<semaphore_mem>>) {add = true}
      %dma_start3A_435 = arith.constant 7 : i32
      %dma_start3A_436 = arith.constant 0 : i32
      %dma_start3A_437 = tpu.memref_slice %arg10[%dma_start3A_435, %dma_start3A_436] : memref<8x128xi32, #tpu.memory_space<vmem>> -> memref<1x128xi32, #tpu.memory_space<vmem>>
      %dma_start3A_438 = tpu.memref_squeeze %dma_start3A_437 : memref<1x128xi32, #tpu.memory_space<vmem>> -> memref<128xi32, #tpu.memory_space<vmem>>
      %dma_start3A_439 = arith.constant 0 : i32
      %dma_start3A_440 = arith.constant 0 : i32
      %dma_start3A_441 = tpu.memref_slice %arg16[%dma_start3A_439, %dma_start3A_440] : memref<10240x128xf32, #tpu.memory_space<vmem_shared>> -> memref<10240x128xf32, #tpu.memory_space<vmem_shared>>
      tpu.enqueue_indirect_dma source(%arg13 : memref<128x128xf32, #tpu.memory_space<vmem>>) target(%dma_start3A_441 : memref<10240x128xf32, #tpu.memory_space<vmem_shared>>) offsets(%dma_start3A_438 : memref<128xi32, #tpu.memory_space<vmem>>) semaphore(%arg21 : memref<!tpu.dma_semaphore, #tpu.memory_space<semaphore_mem>>) {add = true}
      %add3A_442 = arith.constant 1 : i32
      %add3A_443 = arith.addi %add3A_147, %add3A_442 : i32
      %mul3A_444 = arith.constant 8 : i32
      %mul3A_445 = arith.muli %add3A_443, %mul3A_444 : i32
      %add3A_446 = arith.constant 0 : i32
      %add3A_447 = arith.addi %mul3A_445, %add3A_446 : i32
      %dma_wait3A_448 = arith.constant 0 : i32
      %dma_wait3A_449 = arith.constant 0 : i32
      %dma_wait3A_450 = tpu.memref_slice %arg9[%dma_wait3A_448, %dma_wait3A_449] : memref<8x128xi32, #tpu.memory_space<vmem>> -> memref<1x128xi32, #tpu.memory_space<vmem>>
      %dma_wait3A_451 = tpu.memref_squeeze %dma_wait3A_450 : memref<1x128xi32, #tpu.memory_space<vmem>> -> memref<128xi32, #tpu.memory_space<vmem>>
      %dma_wait3A_452 = arith.constant 0 : i32
      %dma_wait3A_453 = arith.constant 0 : i32
      %dma_wait3A_454 = tpu.memref_slice %arg2[%dma_wait3A_452, %dma_wait3A_453] : memref<10240x128xf32, #tpu.memory_space<hbm>> -> memref<10240x128xf32, #tpu.memory_space<hbm>>
      tpu.wait_indirect_dma semaphore(%arg18 : memref<!tpu.dma_semaphore, #tpu.memory_space<semaphore_mem>>) src(%dma_wait3A_454 : memref<10240x128xf32, #tpu.memory_space<hbm>>) dst(%arg12 : memref<128x128xf32, #tpu.memory_space<vmem>>)
      %ge3A_455 = arith.constant 1 : i32
      %ge3A_456 = arith.cmpi sge, %add3A_447, %ge3A_455 : i32
      %convert_element_type3A_457 = arith.extui %ge3A_456 : i1 to i32
      %cond3A_458 = arith.constant 0 : i32
      %cond3A_459 = arith.cmpi ne, %convert_element_type3A_457, %cond3A_458 : i32
      scf.if %cond3A_459 {
        %dma_wait3A_740 = arith.constant 0 : i32
        %dma_wait3A_741 = arith.constant 0 : i32
        %dma_wait3A_742 = tpu.memref_slice %arg8[%dma_wait3A_740, %dma_wait3A_741] : memref<8x128xi32, #tpu.memory_space<vmem>> -> memref<1x128xi32, #tpu.memory_space<vmem>>
        %dma_wait3A_743 = tpu.memref_squeeze %dma_wait3A_742 : memref<1x128xi32, #tpu.memory_space<vmem>> -> memref<128xi32, #tpu.memory_space<vmem>>
        %dma_wait3A_744 = arith.constant 0 : i32
        %dma_wait3A_745 = arith.constant 0 : i32
        %dma_wait3A_746 = tpu.memref_slice %arg16[%dma_wait3A_744, %dma_wait3A_745] : memref<10240x128xf32, #tpu.memory_space<vmem_shared>> -> memref<10240x128xf32, #tpu.memory_space<vmem_shared>>
        tpu.wait_indirect_dma semaphore(%arg21 : memref<!tpu.dma_semaphore, #tpu.memory_space<semaphore_mem>>) src(%arg13 : memref<128x128xf32, #tpu.memory_space<vmem>>) dst(%dma_wait3A_746 : memref<10240x128xf32, #tpu.memory_space<vmem_shared>>)
        %dma_wait3A_747 = arith.constant 0 : i32
        %dma_wait3A_748 = arith.constant 0 : i32
        %dma_wait3A_749 = tpu.memref_slice %arg8[%dma_wait3A_747, %dma_wait3A_748] : memref<8x128xi32, #tpu.memory_space<vmem>> -> memref<1x128xi32, #tpu.memory_space<vmem>>
        %dma_wait3A_750 = tpu.memref_squeeze %dma_wait3A_749 : memref<1x128xi32, #tpu.memory_space<vmem>> -> memref<128xi32, #tpu.memory_space<vmem>>
        %dma_wait3A_751 = arith.constant 0 : i32
        %dma_wait3A_752 = tpu.memref_slice %arg17[%dma_wait3A_751] : memref<10240xf32, #tpu.memory_space<vmem_shared>> -> memref<10240xf32, #tpu.memory_space<vmem_shared>>
        tpu.wait_indirect_dma semaphore(%arg23 : memref<!tpu.dma_semaphore, #tpu.memory_space<semaphore_mem>>) src(%arg14 : memref<128xf32, #tpu.memory_space<vmem>>) dst(%dma_wait3A_752 : memref<10240xf32, #tpu.memory_space<vmem_shared>>)
      } else {
      }
      %lt3A_460 = arith.constant 9 : i32
      %lt3A_461 = arith.cmpi slt, %add3A_443, %lt3A_460 : i32
      %convert_element_type3A_462 = arith.extui %lt3A_461 : i1 to i32
      %cond3A_463 = arith.constant 0 : i32
      %cond3A_464 = arith.cmpi ne, %convert_element_type3A_462, %cond3A_463 : i32
      scf.if %cond3A_464 {
        %add3A_740 = arith.constant 1 : i32
        %add3A_741 = arith.addi %add3A_443, %add3A_740 : i32
        %mul3A_742 = arith.constant 8 : i32
        %mul3A_743 = arith.muli %add3A_741, %mul3A_742 : i32
        %add3A_744 = arith.addi %mul3A_2, %mul3A_743 : i32
        %dma_start3A_745 = arith.constant 0 : i32
        %dma_start3A_746 = arith.constant 0 : i32
        %dma_start3A_747 = tpu.memref_slice %arg3[%dma_start3A_745, %add3A_744, %dma_start3A_746] : memref<2x2560x128xi32, #tpu.memory_space<hbm>> -> memref<1x8x128xi32, #tpu.memory_space<hbm>>
        %dma_start3A_748 = tpu.memref_squeeze %dma_start3A_747 : memref<1x8x128xi32, #tpu.memory_space<hbm>> -> memref<8x128xi32, #tpu.memory_space<hbm>>
        %dma_start3A_749 = arith.constant 0 : i32
        %dma_start3A_750 = tpu.memref_slice %arg3[%dma_start3A_745, %add3A_744, %dma_start3A_749] : memref<2x2560x128xi32, #tpu.memory_space<hbm>> -> memref<1x8x128xi32, #tpu.memory_space<hbm>>
        %dma_start3A_751 = tpu.memref_squeeze %dma_start3A_750 : memref<1x8x128xi32, #tpu.memory_space<hbm>> -> memref<8x128xi32, #tpu.memory_space<hbm>>
        tpu.enqueue_dma source(%dma_start3A_751 : memref<8x128xi32, #tpu.memory_space<hbm>>) target(%arg8 : memref<8x128xi32, #tpu.memory_space<vmem>>) target_semaphore(%arg22 : memref<!tpu.dma_semaphore, #tpu.memory_space<semaphore_mem>>)
        %dma_start3A_752 = arith.constant 1 : i32
        %dma_start3A_753 = arith.constant 0 : i32
        %dma_start3A_754 = tpu.memref_slice %arg3[%dma_start3A_752, %add3A_744, %dma_start3A_753] : memref<2x2560x128xi32, #tpu.memory_space<hbm>> -> memref<1x8x128xi32, #tpu.memory_space<hbm>>
        %dma_start3A_755 = tpu.memref_squeeze %dma_start3A_754 : memref<1x8x128xi32, #tpu.memory_space<hbm>> -> memref<8x128xi32, #tpu.memory_space<hbm>>
        %dma_start3A_756 = arith.constant 0 : i32
        %dma_start3A_757 = tpu.memref_slice %arg3[%dma_start3A_752, %add3A_744, %dma_start3A_756] : memref<2x2560x128xi32, #tpu.memory_space<hbm>> -> memref<1x8x128xi32, #tpu.memory_space<hbm>>
        %dma_start3A_758 = tpu.memref_squeeze %dma_start3A_757 : memref<1x8x128xi32, #tpu.memory_space<hbm>> -> memref<8x128xi32, #tpu.memory_space<hbm>>
        tpu.enqueue_dma source(%dma_start3A_758 : memref<8x128xi32, #tpu.memory_space<hbm>>) target(%arg10 : memref<8x128xi32, #tpu.memory_space<vmem>>) target_semaphore(%arg22 : memref<!tpu.dma_semaphore, #tpu.memory_space<semaphore_mem>>)
      } else {
      }
      %dma_start3A_465 = arith.constant 1 : i32
      %dma_start3A_466 = arith.constant 0 : i32
      %dma_start3A_467 = tpu.memref_slice %arg9[%dma_start3A_465, %dma_start3A_466] : memref<8x128xi32, #tpu.memory_space<vmem>> -> memref<1x128xi32, #tpu.memory_space<vmem>>
      %dma_start3A_468 = tpu.memref_squeeze %dma_start3A_467 : memref<1x128xi32, #tpu.memory_space<vmem>> -> memref<128xi32, #tpu.memory_space<vmem>>
      %dma_start3A_469 = arith.constant 0 : i32
      %dma_start3A_470 = arith.constant 0 : i32
      %dma_start3A_471 = tpu.memref_slice %arg2[%dma_start3A_469, %dma_start3A_470] : memref<10240x128xf32, #tpu.memory_space<hbm>> -> memref<10240x128xf32, #tpu.memory_space<hbm>>
      tpu.enqueue_indirect_dma source(%dma_start3A_471 : memref<10240x128xf32, #tpu.memory_space<hbm>>) target(%arg13 : memref<128x128xf32, #tpu.memory_space<vmem>>) offsets(%dma_start3A_468 : memref<128xi32, #tpu.memory_space<vmem>>) semaphore(%arg19 : memref<!tpu.dma_semaphore, #tpu.memory_space<semaphore_mem>>)
      %dma_start3A_472 = arith.constant 0 : i32
      %dma_start3A_473 = arith.constant 0 : i32
      %dma_start3A_474 = tpu.memref_slice %arg11[%dma_start3A_472, %dma_start3A_473] : memref<8x128xi32, #tpu.memory_space<vmem>> -> memref<1x128xi32, #tpu.memory_space<vmem>>
      %dma_start3A_475 = tpu.memref_squeeze %dma_start3A_474 : memref<1x128xi32, #tpu.memory_space<vmem>> -> memref<128xi32, #tpu.memory_space<vmem>>
      %dma_start3A_476 = arith.constant 0 : i32
      %dma_start3A_477 = tpu.memref_slice %arg17[%dma_start3A_476] : memref<10240xf32, #tpu.memory_space<vmem_shared>> -> memref<10240xf32, #tpu.memory_space<vmem_shared>>
      tpu.enqueue_indirect_dma source(%arg14 : memref<128xf32, #tpu.memory_space<vmem>>) target(%dma_start3A_477 : memref<10240xf32, #tpu.memory_space<vmem_shared>>) offsets(%dma_start3A_475 : memref<128xi32, #tpu.memory_space<vmem>>) semaphore(%arg23 : memref<!tpu.dma_semaphore, #tpu.memory_space<semaphore_mem>>) {add = true}
      %dma_start3A_478 = arith.constant 0 : i32
      %dma_start3A_479 = arith.constant 0 : i32
      %dma_start3A_480 = tpu.memref_slice %arg11[%dma_start3A_478, %dma_start3A_479] : memref<8x128xi32, #tpu.memory_space<vmem>> -> memref<1x128xi32, #tpu.memory_space<vmem>>
      %dma_start3A_481 = tpu.memref_squeeze %dma_start3A_480 : memref<1x128xi32, #tpu.memory_space<vmem>> -> memref<128xi32, #tpu.memory_space<vmem>>
      %dma_start3A_482 = arith.constant 0 : i32
      %dma_start3A_483 = arith.constant 0 : i32
      %dma_start3A_484 = tpu.memref_slice %arg16[%dma_start3A_482, %dma_start3A_483] : memref<10240x128xf32, #tpu.memory_space<vmem_shared>> -> memref<10240x128xf32, #tpu.memory_space<vmem_shared>>
      tpu.enqueue_indirect_dma source(%arg12 : memref<128x128xf32, #tpu.memory_space<vmem>>) target(%dma_start3A_484 : memref<10240x128xf32, #tpu.memory_space<vmem_shared>>) offsets(%dma_start3A_481 : memref<128xi32, #tpu.memory_space<vmem>>) semaphore(%arg20 : memref<!tpu.dma_semaphore, #tpu.memory_space<semaphore_mem>>) {add = true}
      %mul3A_485 = arith.constant 8 : i32
      %mul3A_486 = arith.muli %add3A_443, %mul3A_485 : i32
      %add3A_487 = arith.constant 1 : i32
      %add3A_488 = arith.addi %mul3A_486, %add3A_487 : i32
      %dma_wait3A_489 = arith.constant 1 : i32
      %dma_wait3A_490 = arith.constant 0 : i32
      %dma_wait3A_491 = tpu.memref_slice %arg9[%dma_wait3A_489, %dma_wait3A_490] : memref<8x128xi32, #tpu.memory_space<vmem>> -> memref<1x128xi32, #tpu.memory_space<vmem>>
      %dma_wait3A_492 = tpu.memref_squeeze %dma_wait3A_491 : memref<1x128xi32, #tpu.memory_space<vmem>> -> memref<128xi32, #tpu.memory_space<vmem>>
      %dma_wait3A_493 = arith.constant 0 : i32
      %dma_wait3A_494 = arith.constant 0 : i32
      %dma_wait3A_495 = tpu.memref_slice %arg2[%dma_wait3A_493, %dma_wait3A_494] : memref<10240x128xf32, #tpu.memory_space<hbm>> -> memref<10240x128xf32, #tpu.memory_space<hbm>>
      tpu.wait_indirect_dma semaphore(%arg19 : memref<!tpu.dma_semaphore, #tpu.memory_space<semaphore_mem>>) src(%dma_wait3A_495 : memref<10240x128xf32, #tpu.memory_space<hbm>>) dst(%arg13 : memref<128x128xf32, #tpu.memory_space<vmem>>)
      %ge3A_496 = arith.constant 1 : i32
      %ge3A_497 = arith.cmpi sge, %add3A_488, %ge3A_496 : i32
      %convert_element_type3A_498 = arith.extui %ge3A_497 : i1 to i32
      %cond3A_499 = arith.constant 0 : i32
      %cond3A_500 = arith.cmpi ne, %convert_element_type3A_498, %cond3A_499 : i32
      scf.if %cond3A_500 {
        %dma_wait3A_740 = arith.constant 0 : i32
        %dma_wait3A_741 = arith.constant 0 : i32
        %dma_wait3A_742 = tpu.memref_slice %arg8[%dma_wait3A_740, %dma_wait3A_741] : memref<8x128xi32, #tpu.memory_space<vmem>> -> memref<1x128xi32, #tpu.memory_space<vmem>>
        %dma_wait3A_743 = tpu.memref_squeeze %dma_wait3A_742 : memref<1x128xi32, #tpu.memory_space<vmem>> -> memref<128xi32, #tpu.memory_space<vmem>>
        %dma_wait3A_744 = arith.constant 0 : i32
        %dma_wait3A_745 = arith.constant 0 : i32
        %dma_wait3A_746 = tpu.memref_slice %arg16[%dma_wait3A_744, %dma_wait3A_745] : memref<10240x128xf32, #tpu.memory_space<vmem_shared>> -> memref<10240x128xf32, #tpu.memory_space<vmem_shared>>
        tpu.wait_indirect_dma semaphore(%arg20 : memref<!tpu.dma_semaphore, #tpu.memory_space<semaphore_mem>>) src(%arg12 : memref<128x128xf32, #tpu.memory_space<vmem>>) dst(%dma_wait3A_746 : memref<10240x128xf32, #tpu.memory_space<vmem_shared>>)
        %dma_wait3A_747 = arith.constant 0 : i32
        %dma_wait3A_748 = arith.constant 0 : i32
        %dma_wait3A_749 = tpu.memref_slice %arg8[%dma_wait3A_747, %dma_wait3A_748] : memref<8x128xi32, #tpu.memory_space<vmem>> -> memref<1x128xi32, #tpu.memory_space<vmem>>
        %dma_wait3A_750 = tpu.memref_squeeze %dma_wait3A_749 : memref<1x128xi32, #tpu.memory_space<vmem>> -> memref<128xi32, #tpu.memory_space<vmem>>
        %dma_wait3A_751 = arith.constant 0 : i32
        %dma_wait3A_752 = tpu.memref_slice %arg17[%dma_wait3A_751] : memref<10240xf32, #tpu.memory_space<vmem_shared>> -> memref<10240xf32, #tpu.memory_space<vmem_shared>>
        tpu.wait_indirect_dma semaphore(%arg23 : memref<!tpu.dma_semaphore, #tpu.memory_space<semaphore_mem>>) src(%arg14 : memref<128xf32, #tpu.memory_space<vmem>>) dst(%dma_wait3A_752 : memref<10240xf32, #tpu.memory_space<vmem_shared>>)
      } else {
      }
      %dma_start3A_501 = arith.constant 2 : i32
      %dma_start3A_502 = arith.constant 0 : i32
      %dma_start3A_503 = tpu.memref_slice %arg9[%dma_start3A_501, %dma_start3A_502] : memref<8x128xi32, #tpu.memory_space<vmem>> -> memref<1x128xi32, #tpu.memory_space<vmem>>
      %dma_start3A_504 = tpu.memref_squeeze %dma_start3A_503 : memref<1x128xi32, #tpu.memory_space<vmem>> -> memref<128xi32, #tpu.memory_space<vmem>>
      %dma_start3A_505 = arith.constant 0 : i32
      %dma_start3A_506 = arith.constant 0 : i32
      %dma_start3A_507 = tpu.memref_slice %arg2[%dma_start3A_505, %dma_start3A_506] : memref<10240x128xf32, #tpu.memory_space<hbm>> -> memref<10240x128xf32, #tpu.memory_space<hbm>>
      tpu.enqueue_indirect_dma source(%dma_start3A_507 : memref<10240x128xf32, #tpu.memory_space<hbm>>) target(%arg12 : memref<128x128xf32, #tpu.memory_space<vmem>>) offsets(%dma_start3A_504 : memref<128xi32, #tpu.memory_space<vmem>>) semaphore(%arg18 : memref<!tpu.dma_semaphore, #tpu.memory_space<semaphore_mem>>)
      %dma_start3A_508 = arith.constant 1 : i32
      %dma_start3A_509 = arith.constant 0 : i32
      %dma_start3A_510 = tpu.memref_slice %arg11[%dma_start3A_508, %dma_start3A_509] : memref<8x128xi32, #tpu.memory_space<vmem>> -> memref<1x128xi32, #tpu.memory_space<vmem>>
      %dma_start3A_511 = tpu.memref_squeeze %dma_start3A_510 : memref<1x128xi32, #tpu.memory_space<vmem>> -> memref<128xi32, #tpu.memory_space<vmem>>
      %dma_start3A_512 = arith.constant 0 : i32
      %dma_start3A_513 = tpu.memref_slice %arg17[%dma_start3A_512] : memref<10240xf32, #tpu.memory_space<vmem_shared>> -> memref<10240xf32, #tpu.memory_space<vmem_shared>>
      tpu.enqueue_indirect_dma source(%arg14 : memref<128xf32, #tpu.memory_space<vmem>>) target(%dma_start3A_513 : memref<10240xf32, #tpu.memory_space<vmem_shared>>) offsets(%dma_start3A_511 : memref<128xi32, #tpu.memory_space<vmem>>) semaphore(%arg23 : memref<!tpu.dma_semaphore, #tpu.memory_space<semaphore_mem>>) {add = true}
      %dma_start3A_514 = arith.constant 1 : i32
      %dma_start3A_515 = arith.constant 0 : i32
      %dma_start3A_516 = tpu.memref_slice %arg11[%dma_start3A_514, %dma_start3A_515] : memref<8x128xi32, #tpu.memory_space<vmem>> -> memref<1x128xi32, #tpu.memory_space<vmem>>
      %dma_start3A_517 = tpu.memref_squeeze %dma_start3A_516 : memref<1x128xi32, #tpu.memory_space<vmem>> -> memref<128xi32, #tpu.memory_space<vmem>>
      %dma_start3A_518 = arith.constant 0 : i32
      %dma_start3A_519 = arith.constant 0 : i32
      %dma_start3A_520 = tpu.memref_slice %arg16[%dma_start3A_518, %dma_start3A_519] : memref<10240x128xf32, #tpu.memory_space<vmem_shared>> -> memref<10240x128xf32, #tpu.memory_space<vmem_shared>>
      tpu.enqueue_indirect_dma source(%arg13 : memref<128x128xf32, #tpu.memory_space<vmem>>) target(%dma_start3A_520 : memref<10240x128xf32, #tpu.memory_space<vmem_shared>>) offsets(%dma_start3A_517 : memref<128xi32, #tpu.memory_space<vmem>>) semaphore(%arg21 : memref<!tpu.dma_semaphore, #tpu.memory_space<semaphore_mem>>) {add = true}
      %mul3A_521 = arith.constant 8 : i32
      %mul3A_522 = arith.muli %add3A_443, %mul3A_521 : i32
      %add3A_523 = arith.constant 2 : i32
      %add3A_524 = arith.addi %mul3A_522, %add3A_523 : i32
      %dma_wait3A_525 = arith.constant 2 : i32
      %dma_wait3A_526 = arith.constant 0 : i32
      %dma_wait3A_527 = tpu.memref_slice %arg9[%dma_wait3A_525, %dma_wait3A_526] : memref<8x128xi32, #tpu.memory_space<vmem>> -> memref<1x128xi32, #tpu.memory_space<vmem>>
      %dma_wait3A_528 = tpu.memref_squeeze %dma_wait3A_527 : memref<1x128xi32, #tpu.memory_space<vmem>> -> memref<128xi32, #tpu.memory_space<vmem>>
      %dma_wait3A_529 = arith.constant 0 : i32
      %dma_wait3A_530 = arith.constant 0 : i32
      %dma_wait3A_531 = tpu.memref_slice %arg2[%dma_wait3A_529, %dma_wait3A_530] : memref<10240x128xf32, #tpu.memory_space<hbm>> -> memref<10240x128xf32, #tpu.memory_space<hbm>>
      tpu.wait_indirect_dma semaphore(%arg18 : memref<!tpu.dma_semaphore, #tpu.memory_space<semaphore_mem>>) src(%dma_wait3A_531 : memref<10240x128xf32, #tpu.memory_space<hbm>>) dst(%arg12 : memref<128x128xf32, #tpu.memory_space<vmem>>)
      %ge3A_532 = arith.constant 1 : i32
      %ge3A_533 = arith.cmpi sge, %add3A_524, %ge3A_532 : i32
      %convert_element_type3A_534 = arith.extui %ge3A_533 : i1 to i32
      %cond3A_535 = arith.constant 0 : i32
      %cond3A_536 = arith.cmpi ne, %convert_element_type3A_534, %cond3A_535 : i32
      scf.if %cond3A_536 {
        %dma_wait3A_740 = arith.constant 0 : i32
        %dma_wait3A_741 = arith.constant 0 : i32
        %dma_wait3A_742 = tpu.memref_slice %arg8[%dma_wait3A_740, %dma_wait3A_741] : memref<8x128xi32, #tpu.memory_space<vmem>> -> memref<1x128xi32, #tpu.memory_space<vmem>>
        %dma_wait3A_743 = tpu.memref_squeeze %dma_wait3A_742 : memref<1x128xi32, #tpu.memory_space<vmem>> -> memref<128xi32, #tpu.memory_space<vmem>>
        %dma_wait3A_744 = arith.constant 0 : i32
        %dma_wait3A_745 = arith.constant 0 : i32
        %dma_wait3A_746 = tpu.memref_slice %arg16[%dma_wait3A_744, %dma_wait3A_745] : memref<10240x128xf32, #tpu.memory_space<vmem_shared>> -> memref<10240x128xf32, #tpu.memory_space<vmem_shared>>
        tpu.wait_indirect_dma semaphore(%arg21 : memref<!tpu.dma_semaphore, #tpu.memory_space<semaphore_mem>>) src(%arg13 : memref<128x128xf32, #tpu.memory_space<vmem>>) dst(%dma_wait3A_746 : memref<10240x128xf32, #tpu.memory_space<vmem_shared>>)
        %dma_wait3A_747 = arith.constant 0 : i32
        %dma_wait3A_748 = arith.constant 0 : i32
        %dma_wait3A_749 = tpu.memref_slice %arg8[%dma_wait3A_747, %dma_wait3A_748] : memref<8x128xi32, #tpu.memory_space<vmem>> -> memref<1x128xi32, #tpu.memory_space<vmem>>
        %dma_wait3A_750 = tpu.memref_squeeze %dma_wait3A_749 : memref<1x128xi32, #tpu.memory_space<vmem>> -> memref<128xi32, #tpu.memory_space<vmem>>
        %dma_wait3A_751 = arith.constant 0 : i32
        %dma_wait3A_752 = tpu.memref_slice %arg17[%dma_wait3A_751] : memref<10240xf32, #tpu.memory_space<vmem_shared>> -> memref<10240xf32, #tpu.memory_space<vmem_shared>>
        tpu.wait_indirect_dma semaphore(%arg23 : memref<!tpu.dma_semaphore, #tpu.memory_space<semaphore_mem>>) src(%arg14 : memref<128xf32, #tpu.memory_space<vmem>>) dst(%dma_wait3A_752 : memref<10240xf32, #tpu.memory_space<vmem_shared>>)
      } else {
      }
      %dma_start3A_537 = arith.constant 3 : i32
      %dma_start3A_538 = arith.constant 0 : i32
      %dma_start3A_539 = tpu.memref_slice %arg9[%dma_start3A_537, %dma_start3A_538] : memref<8x128xi32, #tpu.memory_space<vmem>> -> memref<1x128xi32, #tpu.memory_space<vmem>>
      %dma_start3A_540 = tpu.memref_squeeze %dma_start3A_539 : memref<1x128xi32, #tpu.memory_space<vmem>> -> memref<128xi32, #tpu.memory_space<vmem>>
      %dma_start3A_541 = arith.constant 0 : i32
      %dma_start3A_542 = arith.constant 0 : i32
      %dma_start3A_543 = tpu.memref_slice %arg2[%dma_start3A_541, %dma_start3A_542] : memref<10240x128xf32, #tpu.memory_space<hbm>> -> memref<10240x128xf32, #tpu.memory_space<hbm>>
      tpu.enqueue_indirect_dma source(%dma_start3A_543 : memref<10240x128xf32, #tpu.memory_space<hbm>>) target(%arg13 : memref<128x128xf32, #tpu.memory_space<vmem>>) offsets(%dma_start3A_540 : memref<128xi32, #tpu.memory_space<vmem>>) semaphore(%arg19 : memref<!tpu.dma_semaphore, #tpu.memory_space<semaphore_mem>>)
      %dma_start3A_544 = arith.constant 2 : i32
      %dma_start3A_545 = arith.constant 0 : i32
      %dma_start3A_546 = tpu.memref_slice %arg11[%dma_start3A_544, %dma_start3A_545] : memref<8x128xi32, #tpu.memory_space<vmem>> -> memref<1x128xi32, #tpu.memory_space<vmem>>
      %dma_start3A_547 = tpu.memref_squeeze %dma_start3A_546 : memref<1x128xi32, #tpu.memory_space<vmem>> -> memref<128xi32, #tpu.memory_space<vmem>>
      %dma_start3A_548 = arith.constant 0 : i32
      %dma_start3A_549 = tpu.memref_slice %arg17[%dma_start3A_548] : memref<10240xf32, #tpu.memory_space<vmem_shared>> -> memref<10240xf32, #tpu.memory_space<vmem_shared>>
      tpu.enqueue_indirect_dma source(%arg14 : memref<128xf32, #tpu.memory_space<vmem>>) target(%dma_start3A_549 : memref<10240xf32, #tpu.memory_space<vmem_shared>>) offsets(%dma_start3A_547 : memref<128xi32, #tpu.memory_space<vmem>>) semaphore(%arg23 : memref<!tpu.dma_semaphore, #tpu.memory_space<semaphore_mem>>) {add = true}
      %dma_start3A_550 = arith.constant 2 : i32
      %dma_start3A_551 = arith.constant 0 : i32
      %dma_start3A_552 = tpu.memref_slice %arg11[%dma_start3A_550, %dma_start3A_551] : memref<8x128xi32, #tpu.memory_space<vmem>> -> memref<1x128xi32, #tpu.memory_space<vmem>>
      %dma_start3A_553 = tpu.memref_squeeze %dma_start3A_552 : memref<1x128xi32, #tpu.memory_space<vmem>> -> memref<128xi32, #tpu.memory_space<vmem>>
      %dma_start3A_554 = arith.constant 0 : i32
      %dma_start3A_555 = arith.constant 0 : i32
      %dma_start3A_556 = tpu.memref_slice %arg16[%dma_start3A_554, %dma_start3A_555] : memref<10240x128xf32, #tpu.memory_space<vmem_shared>> -> memref<10240x128xf32, #tpu.memory_space<vmem_shared>>
      tpu.enqueue_indirect_dma source(%arg12 : memref<128x128xf32, #tpu.memory_space<vmem>>) target(%dma_start3A_556 : memref<10240x128xf32, #tpu.memory_space<vmem_shared>>) offsets(%dma_start3A_553 : memref<128xi32, #tpu.memory_space<vmem>>) semaphore(%arg20 : memref<!tpu.dma_semaphore, #tpu.memory_space<semaphore_mem>>) {add = true}
      %mul3A_557 = arith.constant 8 : i32
      %mul3A_558 = arith.muli %add3A_443, %mul3A_557 : i32
      %add3A_559 = arith.constant 3 : i32
      %add3A_560 = arith.addi %mul3A_558, %add3A_559 : i32
      %dma_wait3A_561 = arith.constant 3 : i32
      %dma_wait3A_562 = arith.constant 0 : i32
      %dma_wait3A_563 = tpu.memref_slice %arg9[%dma_wait3A_561, %dma_wait3A_562] : memref<8x128xi32, #tpu.memory_space<vmem>> -> memref<1x128xi32, #tpu.memory_space<vmem>>
      %dma_wait3A_564 = tpu.memref_squeeze %dma_wait3A_563 : memref<1x128xi32, #tpu.memory_space<vmem>> -> memref<128xi32, #tpu.memory_space<vmem>>
      %dma_wait3A_565 = arith.constant 0 : i32
      %dma_wait3A_566 = arith.constant 0 : i32
      %dma_wait3A_567 = tpu.memref_slice %arg2[%dma_wait3A_565, %dma_wait3A_566] : memref<10240x128xf32, #tpu.memory_space<hbm>> -> memref<10240x128xf32, #tpu.memory_space<hbm>>
      tpu.wait_indirect_dma semaphore(%arg19 : memref<!tpu.dma_semaphore, #tpu.memory_space<semaphore_mem>>) src(%dma_wait3A_567 : memref<10240x128xf32, #tpu.memory_space<hbm>>) dst(%arg13 : memref<128x128xf32, #tpu.memory_space<vmem>>)
      %ge3A_568 = arith.constant 1 : i32
      %ge3A_569 = arith.cmpi sge, %add3A_560, %ge3A_568 : i32
      %convert_element_type3A_570 = arith.extui %ge3A_569 : i1 to i32
      %cond3A_571 = arith.constant 0 : i32
      %cond3A_572 = arith.cmpi ne, %convert_element_type3A_570, %cond3A_571 : i32
      scf.if %cond3A_572 {
        %dma_wait3A_740 = arith.constant 0 : i32
        %dma_wait3A_741 = arith.constant 0 : i32
        %dma_wait3A_742 = tpu.memref_slice %arg8[%dma_wait3A_740, %dma_wait3A_741] : memref<8x128xi32, #tpu.memory_space<vmem>> -> memref<1x128xi32, #tpu.memory_space<vmem>>
        %dma_wait3A_743 = tpu.memref_squeeze %dma_wait3A_742 : memref<1x128xi32, #tpu.memory_space<vmem>> -> memref<128xi32, #tpu.memory_space<vmem>>
        %dma_wait3A_744 = arith.constant 0 : i32
        %dma_wait3A_745 = arith.constant 0 : i32
        %dma_wait3A_746 = tpu.memref_slice %arg16[%dma_wait3A_744, %dma_wait3A_745] : memref<10240x128xf32, #tpu.memory_space<vmem_shared>> -> memref<10240x128xf32, #tpu.memory_space<vmem_shared>>
        tpu.wait_indirect_dma semaphore(%arg20 : memref<!tpu.dma_semaphore, #tpu.memory_space<semaphore_mem>>) src(%arg12 : memref<128x128xf32, #tpu.memory_space<vmem>>) dst(%dma_wait3A_746 : memref<10240x128xf32, #tpu.memory_space<vmem_shared>>)
        %dma_wait3A_747 = arith.constant 0 : i32
        %dma_wait3A_748 = arith.constant 0 : i32
        %dma_wait3A_749 = tpu.memref_slice %arg8[%dma_wait3A_747, %dma_wait3A_748] : memref<8x128xi32, #tpu.memory_space<vmem>> -> memref<1x128xi32, #tpu.memory_space<vmem>>
        %dma_wait3A_750 = tpu.memref_squeeze %dma_wait3A_749 : memref<1x128xi32, #tpu.memory_space<vmem>> -> memref<128xi32, #tpu.memory_space<vmem>>
        %dma_wait3A_751 = arith.constant 0 : i32
        %dma_wait3A_752 = tpu.memref_slice %arg17[%dma_wait3A_751] : memref<10240xf32, #tpu.memory_space<vmem_shared>> -> memref<10240xf32, #tpu.memory_space<vmem_shared>>
        tpu.wait_indirect_dma semaphore(%arg23 : memref<!tpu.dma_semaphore, #tpu.memory_space<semaphore_mem>>) src(%arg14 : memref<128xf32, #tpu.memory_space<vmem>>) dst(%dma_wait3A_752 : memref<10240xf32, #tpu.memory_space<vmem_shared>>)
      } else {
      }
      %dma_start3A_573 = arith.constant 4 : i32
      %dma_start3A_574 = arith.constant 0 : i32
      %dma_start3A_575 = tpu.memref_slice %arg9[%dma_start3A_573, %dma_start3A_574] : memref<8x128xi32, #tpu.memory_space<vmem>> -> memref<1x128xi32, #tpu.memory_space<vmem>>
      %dma_start3A_576 = tpu.memref_squeeze %dma_start3A_575 : memref<1x128xi32, #tpu.memory_space<vmem>> -> memref<128xi32, #tpu.memory_space<vmem>>
      %dma_start3A_577 = arith.constant 0 : i32
      %dma_start3A_578 = arith.constant 0 : i32
      %dma_start3A_579 = tpu.memref_slice %arg2[%dma_start3A_577, %dma_start3A_578] : memref<10240x128xf32, #tpu.memory_space<hbm>> -> memref<10240x128xf32, #tpu.memory_space<hbm>>
      tpu.enqueue_indirect_dma source(%dma_start3A_579 : memref<10240x128xf32, #tpu.memory_space<hbm>>) target(%arg12 : memref<128x128xf32, #tpu.memory_space<vmem>>) offsets(%dma_start3A_576 : memref<128xi32, #tpu.memory_space<vmem>>) semaphore(%arg18 : memref<!tpu.dma_semaphore, #tpu.memory_space<semaphore_mem>>)
      %dma_start3A_580 = arith.constant 3 : i32
      %dma_start3A_581 = arith.constant 0 : i32
      %dma_start3A_582 = tpu.memref_slice %arg11[%dma_start3A_580, %dma_start3A_581] : memref<8x128xi32, #tpu.memory_space<vmem>> -> memref<1x128xi32, #tpu.memory_space<vmem>>
      %dma_start3A_583 = tpu.memref_squeeze %dma_start3A_582 : memref<1x128xi32, #tpu.memory_space<vmem>> -> memref<128xi32, #tpu.memory_space<vmem>>
      %dma_start3A_584 = arith.constant 0 : i32
      %dma_start3A_585 = tpu.memref_slice %arg17[%dma_start3A_584] : memref<10240xf32, #tpu.memory_space<vmem_shared>> -> memref<10240xf32, #tpu.memory_space<vmem_shared>>
      tpu.enqueue_indirect_dma source(%arg14 : memref<128xf32, #tpu.memory_space<vmem>>) target(%dma_start3A_585 : memref<10240xf32, #tpu.memory_space<vmem_shared>>) offsets(%dma_start3A_583 : memref<128xi32, #tpu.memory_space<vmem>>) semaphore(%arg23 : memref<!tpu.dma_semaphore, #tpu.memory_space<semaphore_mem>>) {add = true}
      %dma_start3A_586 = arith.constant 3 : i32
      %dma_start3A_587 = arith.constant 0 : i32
      %dma_start3A_588 = tpu.memref_slice %arg11[%dma_start3A_586, %dma_start3A_587] : memref<8x128xi32, #tpu.memory_space<vmem>> -> memref<1x128xi32, #tpu.memory_space<vmem>>
      %dma_start3A_589 = tpu.memref_squeeze %dma_start3A_588 : memref<1x128xi32, #tpu.memory_space<vmem>> -> memref<128xi32, #tpu.memory_space<vmem>>
      %dma_start3A_590 = arith.constant 0 : i32
      %dma_start3A_591 = arith.constant 0 : i32
      %dma_start3A_592 = tpu.memref_slice %arg16[%dma_start3A_590, %dma_start3A_591] : memref<10240x128xf32, #tpu.memory_space<vmem_shared>> -> memref<10240x128xf32, #tpu.memory_space<vmem_shared>>
      tpu.enqueue_indirect_dma source(%arg13 : memref<128x128xf32, #tpu.memory_space<vmem>>) target(%dma_start3A_592 : memref<10240x128xf32, #tpu.memory_space<vmem_shared>>) offsets(%dma_start3A_589 : memref<128xi32, #tpu.memory_space<vmem>>) semaphore(%arg21 : memref<!tpu.dma_semaphore, #tpu.memory_space<semaphore_mem>>) {add = true}
      %mul3A_593 = arith.constant 8 : i32
      %mul3A_594 = arith.muli %add3A_443, %mul3A_593 : i32
      %add3A_595 = arith.constant 4 : i32
      %add3A_596 = arith.addi %mul3A_594, %add3A_595 : i32
      %dma_wait3A_597 = arith.constant 4 : i32
      %dma_wait3A_598 = arith.constant 0 : i32
      %dma_wait3A_599 = tpu.memref_slice %arg9[%dma_wait3A_597, %dma_wait3A_598] : memref<8x128xi32, #tpu.memory_space<vmem>> -> memref<1x128xi32, #tpu.memory_space<vmem>>
      %dma_wait3A_600 = tpu.memref_squeeze %dma_wait3A_599 : memref<1x128xi32, #tpu.memory_space<vmem>> -> memref<128xi32, #tpu.memory_space<vmem>>
      %dma_wait3A_601 = arith.constant 0 : i32
      %dma_wait3A_602 = arith.constant 0 : i32
      %dma_wait3A_603 = tpu.memref_slice %arg2[%dma_wait3A_601, %dma_wait3A_602] : memref<10240x128xf32, #tpu.memory_space<hbm>> -> memref<10240x128xf32, #tpu.memory_space<hbm>>
      tpu.wait_indirect_dma semaphore(%arg18 : memref<!tpu.dma_semaphore, #tpu.memory_space<semaphore_mem>>) src(%dma_wait3A_603 : memref<10240x128xf32, #tpu.memory_space<hbm>>) dst(%arg12 : memref<128x128xf32, #tpu.memory_space<vmem>>)
      %ge3A_604 = arith.constant 1 : i32
      %ge3A_605 = arith.cmpi sge, %add3A_596, %ge3A_604 : i32
      %convert_element_type3A_606 = arith.extui %ge3A_605 : i1 to i32
      %cond3A_607 = arith.constant 0 : i32
      %cond3A_608 = arith.cmpi ne, %convert_element_type3A_606, %cond3A_607 : i32
      scf.if %cond3A_608 {
        %dma_wait3A_740 = arith.constant 0 : i32
        %dma_wait3A_741 = arith.constant 0 : i32
        %dma_wait3A_742 = tpu.memref_slice %arg8[%dma_wait3A_740, %dma_wait3A_741] : memref<8x128xi32, #tpu.memory_space<vmem>> -> memref<1x128xi32, #tpu.memory_space<vmem>>
        %dma_wait3A_743 = tpu.memref_squeeze %dma_wait3A_742 : memref<1x128xi32, #tpu.memory_space<vmem>> -> memref<128xi32, #tpu.memory_space<vmem>>
        %dma_wait3A_744 = arith.constant 0 : i32
        %dma_wait3A_745 = arith.constant 0 : i32
        %dma_wait3A_746 = tpu.memref_slice %arg16[%dma_wait3A_744, %dma_wait3A_745] : memref<10240x128xf32, #tpu.memory_space<vmem_shared>> -> memref<10240x128xf32, #tpu.memory_space<vmem_shared>>
        tpu.wait_indirect_dma semaphore(%arg21 : memref<!tpu.dma_semaphore, #tpu.memory_space<semaphore_mem>>) src(%arg13 : memref<128x128xf32, #tpu.memory_space<vmem>>) dst(%dma_wait3A_746 : memref<10240x128xf32, #tpu.memory_space<vmem_shared>>)
        %dma_wait3A_747 = arith.constant 0 : i32
        %dma_wait3A_748 = arith.constant 0 : i32
        %dma_wait3A_749 = tpu.memref_slice %arg8[%dma_wait3A_747, %dma_wait3A_748] : memref<8x128xi32, #tpu.memory_space<vmem>> -> memref<1x128xi32, #tpu.memory_space<vmem>>
        %dma_wait3A_750 = tpu.memref_squeeze %dma_wait3A_749 : memref<1x128xi32, #tpu.memory_space<vmem>> -> memref<128xi32, #tpu.memory_space<vmem>>
        %dma_wait3A_751 = arith.constant 0 : i32
        %dma_wait3A_752 = tpu.memref_slice %arg17[%dma_wait3A_751] : memref<10240xf32, #tpu.memory_space<vmem_shared>> -> memref<10240xf32, #tpu.memory_space<vmem_shared>>
        tpu.wait_indirect_dma semaphore(%arg23 : memref<!tpu.dma_semaphore, #tpu.memory_space<semaphore_mem>>) src(%arg14 : memref<128xf32, #tpu.memory_space<vmem>>) dst(%dma_wait3A_752 : memref<10240xf32, #tpu.memory_space<vmem_shared>>)
      } else {
      }
      %dma_start3A_609 = arith.constant 5 : i32
      %dma_start3A_610 = arith.constant 0 : i32
      %dma_start3A_611 = tpu.memref_slice %arg9[%dma_start3A_609, %dma_start3A_610] : memref<8x128xi32, #tpu.memory_space<vmem>> -> memref<1x128xi32, #tpu.memory_space<vmem>>
      %dma_start3A_612 = tpu.memref_squeeze %dma_start3A_611 : memref<1x128xi32, #tpu.memory_space<vmem>> -> memref<128xi32, #tpu.memory_space<vmem>>
      %dma_start3A_613 = arith.constant 0 : i32
      %dma_start3A_614 = arith.constant 0 : i32
      %dma_start3A_615 = tpu.memref_slice %arg2[%dma_start3A_613, %dma_start3A_614] : memref<10240x128xf32, #tpu.memory_space<hbm>> -> memref<10240x128xf32, #tpu.memory_space<hbm>>
      tpu.enqueue_indirect_dma source(%dma_start3A_615 : memref<10240x128xf32, #tpu.memory_space<hbm>>) target(%arg13 : memref<128x128xf32, #tpu.memory_space<vmem>>) offsets(%dma_start3A_612 : memref<128xi32, #tpu.memory_space<vmem>>) semaphore(%arg19 : memref<!tpu.dma_semaphore, #tpu.memory_space<semaphore_mem>>)
      %dma_start3A_616 = arith.constant 4 : i32
      %dma_start3A_617 = arith.constant 0 : i32
      %dma_start3A_618 = tpu.memref_slice %arg11[%dma_start3A_616, %dma_start3A_617] : memref<8x128xi32, #tpu.memory_space<vmem>> -> memref<1x128xi32, #tpu.memory_space<vmem>>
      %dma_start3A_619 = tpu.memref_squeeze %dma_start3A_618 : memref<1x128xi32, #tpu.memory_space<vmem>> -> memref<128xi32, #tpu.memory_space<vmem>>
      %dma_start3A_620 = arith.constant 0 : i32
      %dma_start3A_621 = tpu.memref_slice %arg17[%dma_start3A_620] : memref<10240xf32, #tpu.memory_space<vmem_shared>> -> memref<10240xf32, #tpu.memory_space<vmem_shared>>
      tpu.enqueue_indirect_dma source(%arg14 : memref<128xf32, #tpu.memory_space<vmem>>) target(%dma_start3A_621 : memref<10240xf32, #tpu.memory_space<vmem_shared>>) offsets(%dma_start3A_619 : memref<128xi32, #tpu.memory_space<vmem>>) semaphore(%arg23 : memref<!tpu.dma_semaphore, #tpu.memory_space<semaphore_mem>>) {add = true}
      %dma_start3A_622 = arith.constant 4 : i32
      %dma_start3A_623 = arith.constant 0 : i32
      %dma_start3A_624 = tpu.memref_slice %arg11[%dma_start3A_622, %dma_start3A_623] : memref<8x128xi32, #tpu.memory_space<vmem>> -> memref<1x128xi32, #tpu.memory_space<vmem>>
      %dma_start3A_625 = tpu.memref_squeeze %dma_start3A_624 : memref<1x128xi32, #tpu.memory_space<vmem>> -> memref<128xi32, #tpu.memory_space<vmem>>
      %dma_start3A_626 = arith.constant 0 : i32
      %dma_start3A_627 = arith.constant 0 : i32
      %dma_start3A_628 = tpu.memref_slice %arg16[%dma_start3A_626, %dma_start3A_627] : memref<10240x128xf32, #tpu.memory_space<vmem_shared>> -> memref<10240x128xf32, #tpu.memory_space<vmem_shared>>
      tpu.enqueue_indirect_dma source(%arg12 : memref<128x128xf32, #tpu.memory_space<vmem>>) target(%dma_start3A_628 : memref<10240x128xf32, #tpu.memory_space<vmem_shared>>) offsets(%dma_start3A_625 : memref<128xi32, #tpu.memory_space<vmem>>) semaphore(%arg20 : memref<!tpu.dma_semaphore, #tpu.memory_space<semaphore_mem>>) {add = true}
      %mul3A_629 = arith.constant 8 : i32
      %mul3A_630 = arith.muli %add3A_443, %mul3A_629 : i32
      %add3A_631 = arith.constant 5 : i32
      %add3A_632 = arith.addi %mul3A_630, %add3A_631 : i32
      %dma_wait3A_633 = arith.constant 5 : i32
      %dma_wait3A_634 = arith.constant 0 : i32
      %dma_wait3A_635 = tpu.memref_slice %arg9[%dma_wait3A_633, %dma_wait3A_634] : memref<8x128xi32, #tpu.memory_space<vmem>> -> memref<1x128xi32, #tpu.memory_space<vmem>>
      %dma_wait3A_636 = tpu.memref_squeeze %dma_wait3A_635 : memref<1x128xi32, #tpu.memory_space<vmem>> -> memref<128xi32, #tpu.memory_space<vmem>>
      %dma_wait3A_637 = arith.constant 0 : i32
      %dma_wait3A_638 = arith.constant 0 : i32
      %dma_wait3A_639 = tpu.memref_slice %arg2[%dma_wait3A_637, %dma_wait3A_638] : memref<10240x128xf32, #tpu.memory_space<hbm>> -> memref<10240x128xf32, #tpu.memory_space<hbm>>
      tpu.wait_indirect_dma semaphore(%arg19 : memref<!tpu.dma_semaphore, #tpu.memory_space<semaphore_mem>>) src(%dma_wait3A_639 : memref<10240x128xf32, #tpu.memory_space<hbm>>) dst(%arg13 : memref<128x128xf32, #tpu.memory_space<vmem>>)
      %ge3A_640 = arith.constant 1 : i32
      %ge3A_641 = arith.cmpi sge, %add3A_632, %ge3A_640 : i32
      %convert_element_type3A_642 = arith.extui %ge3A_641 : i1 to i32
      %cond3A_643 = arith.constant 0 : i32
      %cond3A_644 = arith.cmpi ne, %convert_element_type3A_642, %cond3A_643 : i32
      scf.if %cond3A_644 {
        %dma_wait3A_740 = arith.constant 0 : i32
        %dma_wait3A_741 = arith.constant 0 : i32
        %dma_wait3A_742 = tpu.memref_slice %arg8[%dma_wait3A_740, %dma_wait3A_741] : memref<8x128xi32, #tpu.memory_space<vmem>> -> memref<1x128xi32, #tpu.memory_space<vmem>>
        %dma_wait3A_743 = tpu.memref_squeeze %dma_wait3A_742 : memref<1x128xi32, #tpu.memory_space<vmem>> -> memref<128xi32, #tpu.memory_space<vmem>>
        %dma_wait3A_744 = arith.constant 0 : i32
        %dma_wait3A_745 = arith.constant 0 : i32
        %dma_wait3A_746 = tpu.memref_slice %arg16[%dma_wait3A_744, %dma_wait3A_745] : memref<10240x128xf32, #tpu.memory_space<vmem_shared>> -> memref<10240x128xf32, #tpu.memory_space<vmem_shared>>
        tpu.wait_indirect_dma semaphore(%arg20 : memref<!tpu.dma_semaphore, #tpu.memory_space<semaphore_mem>>) src(%arg12 : memref<128x128xf32, #tpu.memory_space<vmem>>) dst(%dma_wait3A_746 : memref<10240x128xf32, #tpu.memory_space<vmem_shared>>)
        %dma_wait3A_747 = arith.constant 0 : i32
        %dma_wait3A_748 = arith.constant 0 : i32
        %dma_wait3A_749 = tpu.memref_slice %arg8[%dma_wait3A_747, %dma_wait3A_748] : memref<8x128xi32, #tpu.memory_space<vmem>> -> memref<1x128xi32, #tpu.memory_space<vmem>>
        %dma_wait3A_750 = tpu.memref_squeeze %dma_wait3A_749 : memref<1x128xi32, #tpu.memory_space<vmem>> -> memref<128xi32, #tpu.memory_space<vmem>>
        %dma_wait3A_751 = arith.constant 0 : i32
        %dma_wait3A_752 = tpu.memref_slice %arg17[%dma_wait3A_751] : memref<10240xf32, #tpu.memory_space<vmem_shared>> -> memref<10240xf32, #tpu.memory_space<vmem_shared>>
        tpu.wait_indirect_dma semaphore(%arg23 : memref<!tpu.dma_semaphore, #tpu.memory_space<semaphore_mem>>) src(%arg14 : memref<128xf32, #tpu.memory_space<vmem>>) dst(%dma_wait3A_752 : memref<10240xf32, #tpu.memory_space<vmem_shared>>)
      } else {
      }
      %dma_start3A_645 = arith.constant 6 : i32
      %dma_start3A_646 = arith.constant 0 : i32
      %dma_start3A_647 = tpu.memref_slice %arg9[%dma_start3A_645, %dma_start3A_646] : memref<8x128xi32, #tpu.memory_space<vmem>> -> memref<1x128xi32, #tpu.memory_space<vmem>>
      %dma_start3A_648 = tpu.memref_squeeze %dma_start3A_647 : memref<1x128xi32, #tpu.memory_space<vmem>> -> memref<128xi32, #tpu.memory_space<vmem>>
      %dma_start3A_649 = arith.constant 0 : i32
      %dma_start3A_650 = arith.constant 0 : i32
      %dma_start3A_651 = tpu.memref_slice %arg2[%dma_start3A_649, %dma_start3A_650] : memref<10240x128xf32, #tpu.memory_space<hbm>> -> memref<10240x128xf32, #tpu.memory_space<hbm>>
      tpu.enqueue_indirect_dma source(%dma_start3A_651 : memref<10240x128xf32, #tpu.memory_space<hbm>>) target(%arg12 : memref<128x128xf32, #tpu.memory_space<vmem>>) offsets(%dma_start3A_648 : memref<128xi32, #tpu.memory_space<vmem>>) semaphore(%arg18 : memref<!tpu.dma_semaphore, #tpu.memory_space<semaphore_mem>>)
      %dma_start3A_652 = arith.constant 5 : i32
      %dma_start3A_653 = arith.constant 0 : i32
      %dma_start3A_654 = tpu.memref_slice %arg11[%dma_start3A_652, %dma_start3A_653] : memref<8x128xi32, #tpu.memory_space<vmem>> -> memref<1x128xi32, #tpu.memory_space<vmem>>
      %dma_start3A_655 = tpu.memref_squeeze %dma_start3A_654 : memref<1x128xi32, #tpu.memory_space<vmem>> -> memref<128xi32, #tpu.memory_space<vmem>>
      %dma_start3A_656 = arith.constant 0 : i32
      %dma_start3A_657 = tpu.memref_slice %arg17[%dma_start3A_656] : memref<10240xf32, #tpu.memory_space<vmem_shared>> -> memref<10240xf32, #tpu.memory_space<vmem_shared>>
      tpu.enqueue_indirect_dma source(%arg14 : memref<128xf32, #tpu.memory_space<vmem>>) target(%dma_start3A_657 : memref<10240xf32, #tpu.memory_space<vmem_shared>>) offsets(%dma_start3A_655 : memref<128xi32, #tpu.memory_space<vmem>>) semaphore(%arg23 : memref<!tpu.dma_semaphore, #tpu.memory_space<semaphore_mem>>) {add = true}
      %dma_start3A_658 = arith.constant 5 : i32
      %dma_start3A_659 = arith.constant 0 : i32
      %dma_start3A_660 = tpu.memref_slice %arg11[%dma_start3A_658, %dma_start3A_659] : memref<8x128xi32, #tpu.memory_space<vmem>> -> memref<1x128xi32, #tpu.memory_space<vmem>>
      %dma_start3A_661 = tpu.memref_squeeze %dma_start3A_660 : memref<1x128xi32, #tpu.memory_space<vmem>> -> memref<128xi32, #tpu.memory_space<vmem>>
      %dma_start3A_662 = arith.constant 0 : i32
      %dma_start3A_663 = arith.constant 0 : i32
      %dma_start3A_664 = tpu.memref_slice %arg16[%dma_start3A_662, %dma_start3A_663] : memref<10240x128xf32, #tpu.memory_space<vmem_shared>> -> memref<10240x128xf32, #tpu.memory_space<vmem_shared>>
      tpu.enqueue_indirect_dma source(%arg13 : memref<128x128xf32, #tpu.memory_space<vmem>>) target(%dma_start3A_664 : memref<10240x128xf32, #tpu.memory_space<vmem_shared>>) offsets(%dma_start3A_661 : memref<128xi32, #tpu.memory_space<vmem>>) semaphore(%arg21 : memref<!tpu.dma_semaphore, #tpu.memory_space<semaphore_mem>>) {add = true}
      %mul3A_665 = arith.constant 8 : i32
      %mul3A_666 = arith.muli %add3A_443, %mul3A_665 : i32
      %add3A_667 = arith.constant 6 : i32
      %add3A_668 = arith.addi %mul3A_666, %add3A_667 : i32
      %dma_wait3A_669 = arith.constant 6 : i32
      %dma_wait3A_670 = arith.constant 0 : i32
      %dma_wait3A_671 = tpu.memref_slice %arg9[%dma_wait3A_669, %dma_wait3A_670] : memref<8x128xi32, #tpu.memory_space<vmem>> -> memref<1x128xi32, #tpu.memory_space<vmem>>
      %dma_wait3A_672 = tpu.memref_squeeze %dma_wait3A_671 : memref<1x128xi32, #tpu.memory_space<vmem>> -> memref<128xi32, #tpu.memory_space<vmem>>
      %dma_wait3A_673 = arith.constant 0 : i32
      %dma_wait3A_674 = arith.constant 0 : i32
      %dma_wait3A_675 = tpu.memref_slice %arg2[%dma_wait3A_673, %dma_wait3A_674] : memref<10240x128xf32, #tpu.memory_space<hbm>> -> memref<10240x128xf32, #tpu.memory_space<hbm>>
      tpu.wait_indirect_dma semaphore(%arg18 : memref<!tpu.dma_semaphore, #tpu.memory_space<semaphore_mem>>) src(%dma_wait3A_675 : memref<10240x128xf32, #tpu.memory_space<hbm>>) dst(%arg12 : memref<128x128xf32, #tpu.memory_space<vmem>>)
      %ge3A_676 = arith.constant 1 : i32
      %ge3A_677 = arith.cmpi sge, %add3A_668, %ge3A_676 : i32
      %convert_element_type3A_678 = arith.extui %ge3A_677 : i1 to i32
      %cond3A_679 = arith.constant 0 : i32
      %cond3A_680 = arith.cmpi ne, %convert_element_type3A_678, %cond3A_679 : i32
      scf.if %cond3A_680 {
        %dma_wait3A_740 = arith.constant 0 : i32
        %dma_wait3A_741 = arith.constant 0 : i32
        %dma_wait3A_742 = tpu.memref_slice %arg8[%dma_wait3A_740, %dma_wait3A_741] : memref<8x128xi32, #tpu.memory_space<vmem>> -> memref<1x128xi32, #tpu.memory_space<vmem>>
        %dma_wait3A_743 = tpu.memref_squeeze %dma_wait3A_742 : memref<1x128xi32, #tpu.memory_space<vmem>> -> memref<128xi32, #tpu.memory_space<vmem>>
        %dma_wait3A_744 = arith.constant 0 : i32
        %dma_wait3A_745 = arith.constant 0 : i32
        %dma_wait3A_746 = tpu.memref_slice %arg16[%dma_wait3A_744, %dma_wait3A_745] : memref<10240x128xf32, #tpu.memory_space<vmem_shared>> -> memref<10240x128xf32, #tpu.memory_space<vmem_shared>>
        tpu.wait_indirect_dma semaphore(%arg21 : memref<!tpu.dma_semaphore, #tpu.memory_space<semaphore_mem>>) src(%arg13 : memref<128x128xf32, #tpu.memory_space<vmem>>) dst(%dma_wait3A_746 : memref<10240x128xf32, #tpu.memory_space<vmem_shared>>)
        %dma_wait3A_747 = arith.constant 0 : i32
        %dma_wait3A_748 = arith.constant 0 : i32
        %dma_wait3A_749 = tpu.memref_slice %arg8[%dma_wait3A_747, %dma_wait3A_748] : memref<8x128xi32, #tpu.memory_space<vmem>> -> memref<1x128xi32, #tpu.memory_space<vmem>>
        %dma_wait3A_750 = tpu.memref_squeeze %dma_wait3A_749 : memref<1x128xi32, #tpu.memory_space<vmem>> -> memref<128xi32, #tpu.memory_space<vmem>>
        %dma_wait3A_751 = arith.constant 0 : i32
        %dma_wait3A_752 = tpu.memref_slice %arg17[%dma_wait3A_751] : memref<10240xf32, #tpu.memory_space<vmem_shared>> -> memref<10240xf32, #tpu.memory_space<vmem_shared>>
        tpu.wait_indirect_dma semaphore(%arg23 : memref<!tpu.dma_semaphore, #tpu.memory_space<semaphore_mem>>) src(%arg14 : memref<128xf32, #tpu.memory_space<vmem>>) dst(%dma_wait3A_752 : memref<10240xf32, #tpu.memory_space<vmem_shared>>)
      } else {
      }
      %lt3A_681 = arith.constant 9 : i32
      %lt3A_682 = arith.cmpi slt, %add3A_443, %lt3A_681 : i32
      %convert_element_type3A_683 = arith.extui %lt3A_682 : i1 to i32
      %cond3A_684 = arith.constant 0 : i32
      %cond3A_685 = arith.cmpi ne, %convert_element_type3A_683, %cond3A_684 : i32
      scf.if %cond3A_685 {
        %dma_wait3A_740 = arith.constant 0 : i32
        %dma_wait3A_741 = arith.constant 0 : i32
        %dma_wait3A_742 = tpu.memref_slice %arg3[%dma_wait3A_740, %mul3A_2, %dma_wait3A_741] : memref<2x2560x128xi32, #tpu.memory_space<hbm>> -> memref<1x8x128xi32, #tpu.memory_space<hbm>>
        %dma_wait3A_743 = tpu.memref_squeeze %dma_wait3A_742 : memref<1x8x128xi32, #tpu.memory_space<hbm>> -> memref<8x128xi32, #tpu.memory_space<hbm>>
        %dma_wait3A_744 = arith.constant 0 : i32
        %dma_wait3A_745 = tpu.memref_slice %arg3[%dma_wait3A_740, %mul3A_2, %dma_wait3A_744] : memref<2x2560x128xi32, #tpu.memory_space<hbm>> -> memref<1x8x128xi32, #tpu.memory_space<hbm>>
        %dma_wait3A_746 = tpu.memref_squeeze %dma_wait3A_745 : memref<1x8x128xi32, #tpu.memory_space<hbm>> -> memref<8x128xi32, #tpu.memory_space<hbm>>
        tpu.wait_dma2 semaphore(%arg22 : memref<!tpu.dma_semaphore, #tpu.memory_space<semaphore_mem>>) src(%dma_wait3A_746 : memref<8x128xi32, #tpu.memory_space<hbm>>) dst(%arg8 : memref<8x128xi32, #tpu.memory_space<vmem>>)
        %dma_wait3A_747 = arith.constant 1 : i32
        %dma_wait3A_748 = arith.constant 0 : i32
        %dma_wait3A_749 = tpu.memref_slice %arg3[%dma_wait3A_747, %mul3A_2, %dma_wait3A_748] : memref<2x2560x128xi32, #tpu.memory_space<hbm>> -> memref<1x8x128xi32, #tpu.memory_space<hbm>>
        %dma_wait3A_750 = tpu.memref_squeeze %dma_wait3A_749 : memref<1x8x128xi32, #tpu.memory_space<hbm>> -> memref<8x128xi32, #tpu.memory_space<hbm>>
        %dma_wait3A_751 = arith.constant 0 : i32
        %dma_wait3A_752 = tpu.memref_slice %arg3[%dma_wait3A_747, %mul3A_2, %dma_wait3A_751] : memref<2x2560x128xi32, #tpu.memory_space<hbm>> -> memref<1x8x128xi32, #tpu.memory_space<hbm>>
        %dma_wait3A_753 = tpu.memref_squeeze %dma_wait3A_752 : memref<1x8x128xi32, #tpu.memory_space<hbm>> -> memref<8x128xi32, #tpu.memory_space<hbm>>
        tpu.wait_dma2 semaphore(%arg22 : memref<!tpu.dma_semaphore, #tpu.memory_space<semaphore_mem>>) src(%dma_wait3A_753 : memref<8x128xi32, #tpu.memory_space<hbm>>) dst(%arg10 : memref<8x128xi32, #tpu.memory_space<vmem>>)
      } else {
      }
      %dma_start3A_686 = arith.constant 7 : i32
      %dma_start3A_687 = arith.constant 0 : i32
      %dma_start3A_688 = tpu.memref_slice %arg9[%dma_start3A_686, %dma_start3A_687] : memref<8x128xi32, #tpu.memory_space<vmem>> -> memref<1x128xi32, #tpu.memory_space<vmem>>
      %dma_start3A_689 = tpu.memref_squeeze %dma_start3A_688 : memref<1x128xi32, #tpu.memory_space<vmem>> -> memref<128xi32, #tpu.memory_space<vmem>>
      %dma_start3A_690 = arith.constant 0 : i32
      %dma_start3A_691 = arith.constant 0 : i32
      %dma_start3A_692 = tpu.memref_slice %arg2[%dma_start3A_690, %dma_start3A_691] : memref<10240x128xf32, #tpu.memory_space<hbm>> -> memref<10240x128xf32, #tpu.memory_space<hbm>>
      tpu.enqueue_indirect_dma source(%dma_start3A_692 : memref<10240x128xf32, #tpu.memory_space<hbm>>) target(%arg13 : memref<128x128xf32, #tpu.memory_space<vmem>>) offsets(%dma_start3A_689 : memref<128xi32, #tpu.memory_space<vmem>>) semaphore(%arg19 : memref<!tpu.dma_semaphore, #tpu.memory_space<semaphore_mem>>)
      %dma_start3A_693 = arith.constant 6 : i32
      %dma_start3A_694 = arith.constant 0 : i32
      %dma_start3A_695 = tpu.memref_slice %arg11[%dma_start3A_693, %dma_start3A_694] : memref<8x128xi32, #tpu.memory_space<vmem>> -> memref<1x128xi32, #tpu.memory_space<vmem>>
      %dma_start3A_696 = tpu.memref_squeeze %dma_start3A_695 : memref<1x128xi32, #tpu.memory_space<vmem>> -> memref<128xi32, #tpu.memory_space<vmem>>
      %dma_start3A_697 = arith.constant 0 : i32
      %dma_start3A_698 = tpu.memref_slice %arg17[%dma_start3A_697] : memref<10240xf32, #tpu.memory_space<vmem_shared>> -> memref<10240xf32, #tpu.memory_space<vmem_shared>>
      tpu.enqueue_indirect_dma source(%arg14 : memref<128xf32, #tpu.memory_space<vmem>>) target(%dma_start3A_698 : memref<10240xf32, #tpu.memory_space<vmem_shared>>) offsets(%dma_start3A_696 : memref<128xi32, #tpu.memory_space<vmem>>) semaphore(%arg23 : memref<!tpu.dma_semaphore, #tpu.memory_space<semaphore_mem>>) {add = true}
      %dma_start3A_699 = arith.constant 6 : i32
      %dma_start3A_700 = arith.constant 0 : i32
      %dma_start3A_701 = tpu.memref_slice %arg11[%dma_start3A_699, %dma_start3A_700] : memref<8x128xi32, #tpu.memory_space<vmem>> -> memref<1x128xi32, #tpu.memory_space<vmem>>
      %dma_start3A_702 = tpu.memref_squeeze %dma_start3A_701 : memref<1x128xi32, #tpu.memory_space<vmem>> -> memref<128xi32, #tpu.memory_space<vmem>>
      %dma_start3A_703 = arith.constant 0 : i32
      %dma_start3A_704 = arith.constant 0 : i32
      %dma_start3A_705 = tpu.memref_slice %arg16[%dma_start3A_703, %dma_start3A_704] : memref<10240x128xf32, #tpu.memory_space<vmem_shared>> -> memref<10240x128xf32, #tpu.memory_space<vmem_shared>>
      tpu.enqueue_indirect_dma source(%arg12 : memref<128x128xf32, #tpu.memory_space<vmem>>) target(%dma_start3A_705 : memref<10240x128xf32, #tpu.memory_space<vmem_shared>>) offsets(%dma_start3A_702 : memref<128xi32, #tpu.memory_space<vmem>>) semaphore(%arg20 : memref<!tpu.dma_semaphore, #tpu.memory_space<semaphore_mem>>) {add = true}
      %mul3A_706 = arith.constant 8 : i32
      %mul3A_707 = arith.muli %add3A_443, %mul3A_706 : i32
      %add3A_708 = arith.constant 7 : i32
      %add3A_709 = arith.addi %mul3A_707, %add3A_708 : i32
      %dma_wait3A_710 = arith.constant 7 : i32
      %dma_wait3A_711 = arith.constant 0 : i32
      %dma_wait3A_712 = tpu.memref_slice %arg9[%dma_wait3A_710, %dma_wait3A_711] : memref<8x128xi32, #tpu.memory_space<vmem>> -> memref<1x128xi32, #tpu.memory_space<vmem>>
      %dma_wait3A_713 = tpu.memref_squeeze %dma_wait3A_712 : memref<1x128xi32, #tpu.memory_space<vmem>> -> memref<128xi32, #tpu.memory_space<vmem>>
      %dma_wait3A_714 = arith.constant 0 : i32
      %dma_wait3A_715 = arith.constant 0 : i32
      %dma_wait3A_716 = tpu.memref_slice %arg2[%dma_wait3A_714, %dma_wait3A_715] : memref<10240x128xf32, #tpu.memory_space<hbm>> -> memref<10240x128xf32, #tpu.memory_space<hbm>>
      tpu.wait_indirect_dma semaphore(%arg19 : memref<!tpu.dma_semaphore, #tpu.memory_space<semaphore_mem>>) src(%dma_wait3A_716 : memref<10240x128xf32, #tpu.memory_space<hbm>>) dst(%arg13 : memref<128x128xf32, #tpu.memory_space<vmem>>)
      %ge3A_717 = arith.constant 1 : i32
      %ge3A_718 = arith.cmpi sge, %add3A_709, %ge3A_717 : i32
      %convert_element_type3A_719 = arith.extui %ge3A_718 : i1 to i32
      %cond3A_720 = arith.constant 0 : i32
      %cond3A_721 = arith.cmpi ne, %convert_element_type3A_719, %cond3A_720 : i32
      scf.if %cond3A_721 {
        %dma_wait3A_740 = arith.constant 0 : i32
        %dma_wait3A_741 = arith.constant 0 : i32
        %dma_wait3A_742 = tpu.memref_slice %arg8[%dma_wait3A_740, %dma_wait3A_741] : memref<8x128xi32, #tpu.memory_space<vmem>> -> memref<1x128xi32, #tpu.memory_space<vmem>>
        %dma_wait3A_743 = tpu.memref_squeeze %dma_wait3A_742 : memref<1x128xi32, #tpu.memory_space<vmem>> -> memref<128xi32, #tpu.memory_space<vmem>>
        %dma_wait3A_744 = arith.constant 0 : i32
        %dma_wait3A_745 = arith.constant 0 : i32
        %dma_wait3A_746 = tpu.memref_slice %arg16[%dma_wait3A_744, %dma_wait3A_745] : memref<10240x128xf32, #tpu.memory_space<vmem_shared>> -> memref<10240x128xf32, #tpu.memory_space<vmem_shared>>
        tpu.wait_indirect_dma semaphore(%arg20 : memref<!tpu.dma_semaphore, #tpu.memory_space<semaphore_mem>>) src(%arg12 : memref<128x128xf32, #tpu.memory_space<vmem>>) dst(%dma_wait3A_746 : memref<10240x128xf32, #tpu.memory_space<vmem_shared>>)
        %dma_wait3A_747 = arith.constant 0 : i32
        %dma_wait3A_748 = arith.constant 0 : i32
        %dma_wait3A_749 = tpu.memref_slice %arg8[%dma_wait3A_747, %dma_wait3A_748] : memref<8x128xi32, #tpu.memory_space<vmem>> -> memref<1x128xi32, #tpu.memory_space<vmem>>
        %dma_wait3A_750 = tpu.memref_squeeze %dma_wait3A_749 : memref<1x128xi32, #tpu.memory_space<vmem>> -> memref<128xi32, #tpu.memory_space<vmem>>
        %dma_wait3A_751 = arith.constant 0 : i32
        %dma_wait3A_752 = tpu.memref_slice %arg17[%dma_wait3A_751] : memref<10240xf32, #tpu.memory_space<vmem_shared>> -> memref<10240xf32, #tpu.memory_space<vmem_shared>>
        tpu.wait_indirect_dma semaphore(%arg23 : memref<!tpu.dma_semaphore, #tpu.memory_space<semaphore_mem>>) src(%arg14 : memref<128xf32, #tpu.memory_space<vmem>>) dst(%dma_wait3A_752 : memref<10240xf32, #tpu.memory_space<vmem_shared>>)
      } else {
      }
      %lt3A_722 = arith.constant 9 : i32
      %lt3A_723 = arith.cmpi slt, %add3A_443, %lt3A_722 : i32
      %convert_element_type3A_724 = arith.extui %lt3A_723 : i1 to i32
      %cond3A_725 = arith.constant 0 : i32
      %cond3A_726 = arith.cmpi ne, %convert_element_type3A_724, %cond3A_725 : i32
      scf.if %cond3A_726 {
        %dma_start3A_740 = arith.constant 0 : i32
        %dma_start3A_741 = arith.constant 0 : i32
        %dma_start3A_742 = tpu.memref_slice %arg8[%dma_start3A_740, %dma_start3A_741] : memref<8x128xi32, #tpu.memory_space<vmem>> -> memref<1x128xi32, #tpu.memory_space<vmem>>
        %dma_start3A_743 = tpu.memref_squeeze %dma_start3A_742 : memref<1x128xi32, #tpu.memory_space<vmem>> -> memref<128xi32, #tpu.memory_space<vmem>>
        %dma_start3A_744 = arith.constant 0 : i32
        %dma_start3A_745 = arith.constant 0 : i32
        %dma_start3A_746 = tpu.memref_slice %arg2[%dma_start3A_744, %dma_start3A_745] : memref<10240x128xf32, #tpu.memory_space<hbm>> -> memref<10240x128xf32, #tpu.memory_space<hbm>>
        tpu.enqueue_indirect_dma source(%dma_start3A_746 : memref<10240x128xf32, #tpu.memory_space<hbm>>) target(%arg12 : memref<128x128xf32, #tpu.memory_space<vmem>>) offsets(%dma_start3A_743 : memref<128xi32, #tpu.memory_space<vmem>>) semaphore(%arg18 : memref<!tpu.dma_semaphore, #tpu.memory_space<semaphore_mem>>)
      } else {
      }
      %dma_start3A_727 = arith.constant 7 : i32
      %dma_start3A_728 = arith.constant 0 : i32
      %dma_start3A_729 = tpu.memref_slice %arg11[%dma_start3A_727, %dma_start3A_728] : memref<8x128xi32, #tpu.memory_space<vmem>> -> memref<1x128xi32, #tpu.memory_space<vmem>>
      %dma_start3A_730 = tpu.memref_squeeze %dma_start3A_729 : memref<1x128xi32, #tpu.memory_space<vmem>> -> memref<128xi32, #tpu.memory_space<vmem>>
      %dma_start3A_731 = arith.constant 0 : i32
      %dma_start3A_732 = tpu.memref_slice %arg17[%dma_start3A_731] : memref<10240xf32, #tpu.memory_space<vmem_shared>> -> memref<10240xf32, #tpu.memory_space<vmem_shared>>
      tpu.enqueue_indirect_dma source(%arg14 : memref<128xf32, #tpu.memory_space<vmem>>) target(%dma_start3A_732 : memref<10240xf32, #tpu.memory_space<vmem_shared>>) offsets(%dma_start3A_730 : memref<128xi32, #tpu.memory_space<vmem>>) semaphore(%arg23 : memref<!tpu.dma_semaphore, #tpu.memory_space<semaphore_mem>>) {add = true}
      %dma_start3A_733 = arith.constant 7 : i32
      %dma_start3A_734 = arith.constant 0 : i32
      %dma_start3A_735 = tpu.memref_slice %arg11[%dma_start3A_733, %dma_start3A_734] : memref<8x128xi32, #tpu.memory_space<vmem>> -> memref<1x128xi32, #tpu.memory_space<vmem>>
      %dma_start3A_736 = tpu.memref_squeeze %dma_start3A_735 : memref<1x128xi32, #tpu.memory_space<vmem>> -> memref<128xi32, #tpu.memory_space<vmem>>
      %dma_start3A_737 = arith.constant 0 : i32
      %dma_start3A_738 = arith.constant 0 : i32
      %dma_start3A_739 = tpu.memref_slice %arg16[%dma_start3A_737, %dma_start3A_738] : memref<10240x128xf32, #tpu.memory_space<vmem_shared>> -> memref<10240x128xf32, #tpu.memory_space<vmem_shared>>
      tpu.enqueue_indirect_dma source(%arg13 : memref<128x128xf32, #tpu.memory_space<vmem>>) target(%dma_start3A_739 : memref<10240x128xf32, #tpu.memory_space<vmem_shared>>) offsets(%dma_start3A_736 : memref<128xi32, #tpu.memory_space<vmem>>) semaphore(%arg21 : memref<!tpu.dma_semaphore, #tpu.memory_space<semaphore_mem>>) {add = true}
    }
    %scan3A_71 = arith.constant 5 : i32
    %dma_wait3A = arith.constant 0 : i32
    %dma_wait3A_72 = arith.constant 0 : i32
    %dma_wait3A_73 = tpu.memref_slice %arg8[%dma_wait3A, %dma_wait3A_72] : memref<8x128xi32, #tpu.memory_space<vmem>> -> memref<1x128xi32, #tpu.memory_space<vmem>>
    %dma_wait3A_74 = tpu.memref_squeeze %dma_wait3A_73 : memref<1x128xi32, #tpu.memory_space<vmem>> -> memref<128xi32, #tpu.memory_space<vmem>>
    %dma_wait3A_75 = arith.constant 0 : i32
    %dma_wait3A_76 = arith.constant 0 : i32
    %dma_wait3A_77 = tpu.memref_slice %arg16[%dma_wait3A_75, %dma_wait3A_76] : memref<10240x128xf32, #tpu.memory_space<vmem_shared>> -> memref<10240x128xf32, #tpu.memory_space<vmem_shared>>
    tpu.wait_indirect_dma semaphore(%arg21 : memref<!tpu.dma_semaphore, #tpu.memory_space<semaphore_mem>>) src(%arg13 : memref<128x128xf32, #tpu.memory_space<vmem>>) dst(%dma_wait3A_77 : memref<10240x128xf32, #tpu.memory_space<vmem_shared>>)
    %dma_wait3A_78 = arith.constant 0 : i32
    %dma_wait3A_79 = arith.constant 0 : i32
    %dma_wait3A_80 = tpu.memref_slice %arg8[%dma_wait3A_78, %dma_wait3A_79] : memref<8x128xi32, #tpu.memory_space<vmem>> -> memref<1x128xi32, #tpu.memory_space<vmem>>
    %dma_wait3A_81 = tpu.memref_squeeze %dma_wait3A_80 : memref<1x128xi32, #tpu.memory_space<vmem>> -> memref<128xi32, #tpu.memory_space<vmem>>
    %dma_wait3A_82 = arith.constant 0 : i32
    %dma_wait3A_83 = tpu.memref_slice %arg17[%dma_wait3A_82] : memref<10240xf32, #tpu.memory_space<vmem_shared>> -> memref<10240xf32, #tpu.memory_space<vmem_shared>>
    tpu.wait_indirect_dma semaphore(%arg23 : memref<!tpu.dma_semaphore, #tpu.memory_space<semaphore_mem>>) src(%arg14 : memref<128xf32, #tpu.memory_space<vmem>>) dst(%dma_wait3A_83 : memref<10240xf32, #tpu.memory_space<vmem_shared>>)
    %barrier3A_84 = arith.constant 0 : index
    tpu.barrier barrier_id(%barrier3A_84)
    "tpu.region"() ({
      %run_scoped3A_143 = tpu.sem_alloc : memref<!tpu.dma_semaphore, #tpu.memory_space<semaphore_mem>>
      %dma_start3A_144 = arith.constant 0 : i32
      %dma_start3A_145 = tpu.memref_slice %arg16[%mul3A_50, %dma_start3A_144] : memref<10240x128xf32, #tpu.memory_space<vmem_shared>> -> memref<128x128xf32, #tpu.memory_space<vmem_shared>>
      %dma_start3A_146 = arith.constant 0 : i32
      %dma_start3A_147 = tpu.memref_slice %arg16[%mul3A_50, %dma_start3A_146] : memref<10240x128xf32, #tpu.memory_space<vmem_shared>> -> memref<128x128xf32, #tpu.memory_space<vmem_shared>>
      tpu.enqueue_dma source(%dma_start3A_147 : memref<128x128xf32, #tpu.memory_space<vmem_shared>>) target(%arg12 : memref<128x128xf32, #tpu.memory_space<vmem>>) target_semaphore(%run_scoped3A_143 : memref<!tpu.dma_semaphore, #tpu.memory_space<semaphore_mem>>)
      %dma_wait3A_148 = arith.constant 0 : i32
      %dma_wait3A_149 = tpu.memref_slice %arg16[%mul3A_50, %dma_wait3A_148] : memref<10240x128xf32, #tpu.memory_space<vmem_shared>> -> memref<128x128xf32, #tpu.memory_space<vmem_shared>>
      %dma_wait3A_150 = arith.constant 0 : i32
      %dma_wait3A_151 = tpu.memref_slice %arg16[%mul3A_50, %dma_wait3A_150] : memref<10240x128xf32, #tpu.memory_space<vmem_shared>> -> memref<128x128xf32, #tpu.memory_space<vmem_shared>>
      tpu.wait_dma2 semaphore(%run_scoped3A_143 : memref<!tpu.dma_semaphore, #tpu.memory_space<semaphore_mem>>) src(%dma_wait3A_151 : memref<128x128xf32, #tpu.memory_space<vmem_shared>>) dst(%arg12 : memref<128x128xf32, #tpu.memory_space<vmem>>)
      tpu.yield
    }) : () -> ()
    %add3A_85 = arith.constant 128 : i32
    %add3A_86 = arith.addi %mul3A_50, %add3A_85 : i32
    %dma_start3A_87 = arith.constant 0 : i32
    %dma_start3A_88 = tpu.memref_slice %arg16[%add3A_86, %dma_start3A_87] : memref<10240x128xf32, #tpu.memory_space<vmem_shared>> -> memref<128x128xf32, #tpu.memory_space<vmem_shared>>
    %dma_start3A_89 = arith.constant 0 : i32
    %dma_start3A_90 = tpu.memref_slice %arg16[%add3A_86, %dma_start3A_89] : memref<10240x128xf32, #tpu.memory_space<vmem_shared>> -> memref<128x128xf32, #tpu.memory_space<vmem_shared>>
    tpu.enqueue_dma source(%dma_start3A_90 : memref<128x128xf32, #tpu.memory_space<vmem_shared>>) target(%arg13 : memref<128x128xf32, #tpu.memory_space<vmem>>) target_semaphore(%arg19 : memref<!tpu.dma_semaphore, #tpu.memory_space<semaphore_mem>>)
    %add3A_91 = arith.constant 0 : i32
    %add3A_92 = arith.addi %mul3A_50, %add3A_91 : i32
    "tpu.region"() ({
      %run_scoped3A_143 = tpu.sem_alloc : memref<!tpu.dma_semaphore, #tpu.memory_space<semaphore_mem>>
      %dma_start3A_144 = arith.constant 0 : i32
      %dma_start3A_145 = tpu.memref_slice %arg6[%arg0, %add3A_92, %dma_start3A_144] : memref<2x10240x128xf32, #tpu.memory_space<hbm>> -> memref<1x128x128xf32, #tpu.memory_space<hbm>>
      %dma_start3A_146 = tpu.memref_squeeze %dma_start3A_145 : memref<1x128x128xf32, #tpu.memory_space<hbm>> -> memref<128x128xf32, #tpu.memory_space<hbm>>
      %dma_start3A_147 = arith.constant 0 : i32
      %dma_start3A_148 = tpu.memref_slice %arg6[%arg0, %add3A_92, %dma_start3A_147] : memref<2x10240x128xf32, #tpu.memory_space<hbm>> -> memref<1x128x128xf32, #tpu.memory_space<hbm>>
      %dma_start3A_149 = tpu.memref_squeeze %dma_start3A_148 : memref<1x128x128xf32, #tpu.memory_space<hbm>> -> memref<128x128xf32, #tpu.memory_space<hbm>>
      tpu.enqueue_dma source(%arg12 : memref<128x128xf32, #tpu.memory_space<vmem>>) target(%dma_start3A_149 : memref<128x128xf32, #tpu.memory_space<hbm>>) target_semaphore(%run_scoped3A_143 : memref<!tpu.dma_semaphore, #tpu.memory_space<semaphore_mem>>)
      %dma_wait3A_150 = arith.constant 0 : i32
      %dma_wait3A_151 = tpu.memref_slice %arg6[%arg0, %add3A_92, %dma_wait3A_150] : memref<2x10240x128xf32, #tpu.memory_space<hbm>> -> memref<1x128x128xf32, #tpu.memory_space<hbm>>
      %dma_wait3A_152 = tpu.memref_squeeze %dma_wait3A_151 : memref<1x128x128xf32, #tpu.memory_space<hbm>> -> memref<128x128xf32, #tpu.memory_space<hbm>>
      %dma_wait3A_153 = arith.constant 0 : i32
      %dma_wait3A_154 = tpu.memref_slice %arg6[%arg0, %add3A_92, %dma_wait3A_153] : memref<2x10240x128xf32, #tpu.memory_space<hbm>> -> memref<1x128x128xf32, #tpu.memory_space<hbm>>
      %dma_wait3A_155 = tpu.memref_squeeze %dma_wait3A_154 : memref<1x128x128xf32, #tpu.memory_space<hbm>> -> memref<128x128xf32, #tpu.memory_space<hbm>>
      tpu.wait_dma2 semaphore(%run_scoped3A_143 : memref<!tpu.dma_semaphore, #tpu.memory_space<semaphore_mem>>) src(%arg12 : memref<128x128xf32, #tpu.memory_space<vmem>>) dst(%dma_wait3A_155 : memref<128x128xf32, #tpu.memory_space<hbm>>)
      tpu.yield
    }) : () -> ()
    %add3A_93 = arith.constant 128 : i32
    %add3A_94 = arith.addi %mul3A_50, %add3A_93 : i32
    %dma_wait3A_95 = arith.constant 0 : i32
    %dma_wait3A_96 = tpu.memref_slice %arg16[%add3A_94, %dma_wait3A_95] : memref<10240x128xf32, #tpu.memory_space<vmem_shared>> -> memref<128x128xf32, #tpu.memory_space<vmem_shared>>
    %dma_wait3A_97 = arith.constant 0 : i32
    %dma_wait3A_98 = tpu.memref_slice %arg16[%add3A_94, %dma_wait3A_97] : memref<10240x128xf32, #tpu.memory_space<vmem_shared>> -> memref<128x128xf32, #tpu.memory_space<vmem_shared>>
    tpu.wait_dma2 semaphore(%arg19 : memref<!tpu.dma_semaphore, #tpu.memory_space<semaphore_mem>>) src(%dma_wait3A_98 : memref<128x128xf32, #tpu.memory_space<vmem_shared>>) dst(%arg13 : memref<128x128xf32, #tpu.memory_space<vmem>>)
    %add3A_99 = arith.constant 256 : i32
    %add3A_100 = arith.addi %mul3A_50, %add3A_99 : i32
    %dma_start3A_101 = arith.constant 0 : i32
    %dma_start3A_102 = tpu.memref_slice %arg16[%add3A_100, %dma_start3A_101] : memref<10240x128xf32, #tpu.memory_space<vmem_shared>> -> memref<128x128xf32, #tpu.memory_space<vmem_shared>>
    %dma_start3A_103 = arith.constant 0 : i32
    %dma_start3A_104 = tpu.memref_slice %arg16[%add3A_100, %dma_start3A_103] : memref<10240x128xf32, #tpu.memory_space<vmem_shared>> -> memref<128x128xf32, #tpu.memory_space<vmem_shared>>
    tpu.enqueue_dma source(%dma_start3A_104 : memref<128x128xf32, #tpu.memory_space<vmem_shared>>) target(%arg12 : memref<128x128xf32, #tpu.memory_space<vmem>>) target_semaphore(%arg18 : memref<!tpu.dma_semaphore, #tpu.memory_space<semaphore_mem>>)
    %add3A_105 = arith.constant 128 : i32
    %add3A_106 = arith.addi %mul3A_50, %add3A_105 : i32
    "tpu.region"() ({
      %run_scoped3A_143 = tpu.sem_alloc : memref<!tpu.dma_semaphore, #tpu.memory_space<semaphore_mem>>
      %dma_start3A_144 = arith.constant 0 : i32
      %dma_start3A_145 = tpu.memref_slice %arg6[%arg0, %add3A_106, %dma_start3A_144] : memref<2x10240x128xf32, #tpu.memory_space<hbm>> -> memref<1x128x128xf32, #tpu.memory_space<hbm>>
      %dma_start3A_146 = tpu.memref_squeeze %dma_start3A_145 : memref<1x128x128xf32, #tpu.memory_space<hbm>> -> memref<128x128xf32, #tpu.memory_space<hbm>>
      %dma_start3A_147 = arith.constant 0 : i32
      %dma_start3A_148 = tpu.memref_slice %arg6[%arg0, %add3A_106, %dma_start3A_147] : memref<2x10240x128xf32, #tpu.memory_space<hbm>> -> memref<1x128x128xf32, #tpu.memory_space<hbm>>
      %dma_start3A_149 = tpu.memref_squeeze %dma_start3A_148 : memref<1x128x128xf32, #tpu.memory_space<hbm>> -> memref<128x128xf32, #tpu.memory_space<hbm>>
      tpu.enqueue_dma source(%arg13 : memref<128x128xf32, #tpu.memory_space<vmem>>) target(%dma_start3A_149 : memref<128x128xf32, #tpu.memory_space<hbm>>) target_semaphore(%run_scoped3A_143 : memref<!tpu.dma_semaphore, #tpu.memory_space<semaphore_mem>>)
      %dma_wait3A_150 = arith.constant 0 : i32
      %dma_wait3A_151 = tpu.memref_slice %arg6[%arg0, %add3A_106, %dma_wait3A_150] : memref<2x10240x128xf32, #tpu.memory_space<hbm>> -> memref<1x128x128xf32, #tpu.memory_space<hbm>>
      %dma_wait3A_152 = tpu.memref_squeeze %dma_wait3A_151 : memref<1x128x128xf32, #tpu.memory_space<hbm>> -> memref<128x128xf32, #tpu.memory_space<hbm>>
      %dma_wait3A_153 = arith.constant 0 : i32
      %dma_wait3A_154 = tpu.memref_slice %arg6[%arg0, %add3A_106, %dma_wait3A_153] : memref<2x10240x128xf32, #tpu.memory_space<hbm>> -> memref<1x128x128xf32, #tpu.memory_space<hbm>>
      %dma_wait3A_155 = tpu.memref_squeeze %dma_wait3A_154 : memref<1x128x128xf32, #tpu.memory_space<hbm>> -> memref<128x128xf32, #tpu.memory_space<hbm>>
      tpu.wait_dma2 semaphore(%run_scoped3A_143 : memref<!tpu.dma_semaphore, #tpu.memory_space<semaphore_mem>>) src(%arg13 : memref<128x128xf32, #tpu.memory_space<vmem>>) dst(%dma_wait3A_155 : memref<128x128xf32, #tpu.memory_space<hbm>>)
      tpu.yield
    }) : () -> ()
    %add3A_107 = arith.constant 256 : i32
    %add3A_108 = arith.addi %mul3A_50, %add3A_107 : i32
    %dma_wait3A_109 = arith.constant 0 : i32
    %dma_wait3A_110 = tpu.memref_slice %arg16[%add3A_108, %dma_wait3A_109] : memref<10240x128xf32, #tpu.memory_space<vmem_shared>> -> memref<128x128xf32, #tpu.memory_space<vmem_shared>>
    %dma_wait3A_111 = arith.constant 0 : i32
    %dma_wait3A_112 = tpu.memref_slice %arg16[%add3A_108, %dma_wait3A_111] : memref<10240x128xf32, #tpu.memory_space<vmem_shared>> -> memref<128x128xf32, #tpu.memory_space<vmem_shared>>
    tpu.wait_dma2 semaphore(%arg18 : memref<!tpu.dma_semaphore, #tpu.memory_space<semaphore_mem>>) src(%dma_wait3A_112 : memref<128x128xf32, #tpu.memory_space<vmem_shared>>) dst(%arg12 : memref<128x128xf32, #tpu.memory_space<vmem>>)
    %add3A_113 = arith.constant 384 : i32
    %add3A_114 = arith.addi %mul3A_50, %add3A_113 : i32
    %dma_start3A_115 = arith.constant 0 : i32
    %dma_start3A_116 = tpu.memref_slice %arg16[%add3A_114, %dma_start3A_115] : memref<10240x128xf32, #tpu.memory_space<vmem_shared>> -> memref<128x128xf32, #tpu.memory_space<vmem_shared>>
    %dma_start3A_117 = arith.constant 0 : i32
    %dma_start3A_118 = tpu.memref_slice %arg16[%add3A_114, %dma_start3A_117] : memref<10240x128xf32, #tpu.memory_space<vmem_shared>> -> memref<128x128xf32, #tpu.memory_space<vmem_shared>>
    tpu.enqueue_dma source(%dma_start3A_118 : memref<128x128xf32, #tpu.memory_space<vmem_shared>>) target(%arg13 : memref<128x128xf32, #tpu.memory_space<vmem>>) target_semaphore(%arg19 : memref<!tpu.dma_semaphore, #tpu.memory_space<semaphore_mem>>)
    %add3A_119 = arith.constant 256 : i32
    %add3A_120 = arith.addi %mul3A_50, %add3A_119 : i32
    "tpu.region"() ({
      %run_scoped3A_143 = tpu.sem_alloc : memref<!tpu.dma_semaphore, #tpu.memory_space<semaphore_mem>>
      %dma_start3A_144 = arith.constant 0 : i32
      %dma_start3A_145 = tpu.memref_slice %arg6[%arg0, %add3A_120, %dma_start3A_144] : memref<2x10240x128xf32, #tpu.memory_space<hbm>> -> memref<1x128x128xf32, #tpu.memory_space<hbm>>
      %dma_start3A_146 = tpu.memref_squeeze %dma_start3A_145 : memref<1x128x128xf32, #tpu.memory_space<hbm>> -> memref<128x128xf32, #tpu.memory_space<hbm>>
      %dma_start3A_147 = arith.constant 0 : i32
      %dma_start3A_148 = tpu.memref_slice %arg6[%arg0, %add3A_120, %dma_start3A_147] : memref<2x10240x128xf32, #tpu.memory_space<hbm>> -> memref<1x128x128xf32, #tpu.memory_space<hbm>>
      %dma_start3A_149 = tpu.memref_squeeze %dma_start3A_148 : memref<1x128x128xf32, #tpu.memory_space<hbm>> -> memref<128x128xf32, #tpu.memory_space<hbm>>
      tpu.enqueue_dma source(%arg12 : memref<128x128xf32, #tpu.memory_space<vmem>>) target(%dma_start3A_149 : memref<128x128xf32, #tpu.memory_space<hbm>>) target_semaphore(%run_scoped3A_143 : memref<!tpu.dma_semaphore, #tpu.memory_space<semaphore_mem>>)
      %dma_wait3A_150 = arith.constant 0 : i32
      %dma_wait3A_151 = tpu.memref_slice %arg6[%arg0, %add3A_120, %dma_wait3A_150] : memref<2x10240x128xf32, #tpu.memory_space<hbm>> -> memref<1x128x128xf32, #tpu.memory_space<hbm>>
      %dma_wait3A_152 = tpu.memref_squeeze %dma_wait3A_151 : memref<1x128x128xf32, #tpu.memory_space<hbm>> -> memref<128x128xf32, #tpu.memory_space<hbm>>
      %dma_wait3A_153 = arith.constant 0 : i32
      %dma_wait3A_154 = tpu.memref_slice %arg6[%arg0, %add3A_120, %dma_wait3A_153] : memref<2x10240x128xf32, #tpu.memory_space<hbm>> -> memref<1x128x128xf32, #tpu.memory_space<hbm>>
      %dma_wait3A_155 = tpu.memref_squeeze %dma_wait3A_154 : memref<1x128x128xf32, #tpu.memory_space<hbm>> -> memref<128x128xf32, #tpu.memory_space<hbm>>
      tpu.wait_dma2 semaphore(%run_scoped3A_143 : memref<!tpu.dma_semaphore, #tpu.memory_space<semaphore_mem>>) src(%arg12 : memref<128x128xf32, #tpu.memory_space<vmem>>) dst(%dma_wait3A_155 : memref<128x128xf32, #tpu.memory_space<hbm>>)
      tpu.yield
    }) : () -> ()
    %add3A_121 = arith.constant 384 : i32
    %add3A_122 = arith.addi %mul3A_50, %add3A_121 : i32
    %dma_wait3A_123 = arith.constant 0 : i32
    %dma_wait3A_124 = tpu.memref_slice %arg16[%add3A_122, %dma_wait3A_123] : memref<10240x128xf32, #tpu.memory_space<vmem_shared>> -> memref<128x128xf32, #tpu.memory_space<vmem_shared>>
    %dma_wait3A_125 = arith.constant 0 : i32
    %dma_wait3A_126 = tpu.memref_slice %arg16[%add3A_122, %dma_wait3A_125] : memref<10240x128xf32, #tpu.memory_space<vmem_shared>> -> memref<128x128xf32, #tpu.memory_space<vmem_shared>>
    tpu.wait_dma2 semaphore(%arg19 : memref<!tpu.dma_semaphore, #tpu.memory_space<semaphore_mem>>) src(%dma_wait3A_126 : memref<128x128xf32, #tpu.memory_space<vmem_shared>>) dst(%arg13 : memref<128x128xf32, #tpu.memory_space<vmem>>)
    %add3A_127 = arith.constant 512 : i32
    %add3A_128 = arith.addi %mul3A_50, %add3A_127 : i32
    %dma_start3A_129 = arith.constant 0 : i32
    %dma_start3A_130 = tpu.memref_slice %arg16[%add3A_128, %dma_start3A_129] : memref<10240x128xf32, #tpu.memory_space<vmem_shared>> -> memref<128x128xf32, #tpu.memory_space<vmem_shared>>
    %dma_start3A_131 = arith.constant 0 : i32
    %dma_start3A_132 = tpu.memref_slice %arg16[%add3A_128, %dma_start3A_131] : memref<10240x128xf32, #tpu.memory_space<vmem_shared>> -> memref<128x128xf32, #tpu.memory_space<vmem_shared>>
    tpu.enqueue_dma source(%dma_start3A_132 : memref<128x128xf32, #tpu.memory_space<vmem_shared>>) target(%arg12 : memref<128x128xf32, #tpu.memory_space<vmem>>) target_semaphore(%arg18 : memref<!tpu.dma_semaphore, #tpu.memory_space<semaphore_mem>>)
    %add3A_133 = arith.constant 384 : i32
    %add3A_134 = arith.addi %mul3A_50, %add3A_133 : i32
    "tpu.region"() ({
      %run_scoped3A_143 = tpu.sem_alloc : memref<!tpu.dma_semaphore, #tpu.memory_space<semaphore_mem>>
      %dma_start3A_144 = arith.constant 0 : i32
      %dma_start3A_145 = tpu.memref_slice %arg6[%arg0, %add3A_134, %dma_start3A_144] : memref<2x10240x128xf32, #tpu.memory_space<hbm>> -> memref<1x128x128xf32, #tpu.memory_space<hbm>>
      %dma_start3A_146 = tpu.memref_squeeze %dma_start3A_145 : memref<1x128x128xf32, #tpu.memory_space<hbm>> -> memref<128x128xf32, #tpu.memory_space<hbm>>
      %dma_start3A_147 = arith.constant 0 : i32
      %dma_start3A_148 = tpu.memref_slice %arg6[%arg0, %add3A_134, %dma_start3A_147] : memref<2x10240x128xf32, #tpu.memory_space<hbm>> -> memref<1x128x128xf32, #tpu.memory_space<hbm>>
      %dma_start3A_149 = tpu.memref_squeeze %dma_start3A_148 : memref<1x128x128xf32, #tpu.memory_space<hbm>> -> memref<128x128xf32, #tpu.memory_space<hbm>>
      tpu.enqueue_dma source(%arg13 : memref<128x128xf32, #tpu.memory_space<vmem>>) target(%dma_start3A_149 : memref<128x128xf32, #tpu.memory_space<hbm>>) target_semaphore(%run_scoped3A_143 : memref<!tpu.dma_semaphore, #tpu.memory_space<semaphore_mem>>)
      %dma_wait3A_150 = arith.constant 0 : i32
      %dma_wait3A_151 = tpu.memref_slice %arg6[%arg0, %add3A_134, %dma_wait3A_150] : memref<2x10240x128xf32, #tpu.memory_space<hbm>> -> memref<1x128x128xf32, #tpu.memory_space<hbm>>
      %dma_wait3A_152 = tpu.memref_squeeze %dma_wait3A_151 : memref<1x128x128xf32, #tpu.memory_space<hbm>> -> memref<128x128xf32, #tpu.memory_space<hbm>>
      %dma_wait3A_153 = arith.constant 0 : i32
      %dma_wait3A_154 = tpu.memref_slice %arg6[%arg0, %add3A_134, %dma_wait3A_153] : memref<2x10240x128xf32, #tpu.memory_space<hbm>> -> memref<1x128x128xf32, #tpu.memory_space<hbm>>
      %dma_wait3A_155 = tpu.memref_squeeze %dma_wait3A_154 : memref<1x128x128xf32, #tpu.memory_space<hbm>> -> memref<128x128xf32, #tpu.memory_space<hbm>>
      tpu.wait_dma2 semaphore(%run_scoped3A_143 : memref<!tpu.dma_semaphore, #tpu.memory_space<semaphore_mem>>) src(%arg13 : memref<128x128xf32, #tpu.memory_space<vmem>>) dst(%dma_wait3A_155 : memref<128x128xf32, #tpu.memory_space<hbm>>)
      tpu.yield
    }) : () -> ()
    %add3A_135 = arith.constant 512 : i32
    %add3A_136 = arith.addi %mul3A_50, %add3A_135 : i32
    %dma_wait3A_137 = arith.constant 0 : i32
    %dma_wait3A_138 = tpu.memref_slice %arg16[%add3A_136, %dma_wait3A_137] : memref<10240x128xf32, #tpu.memory_space<vmem_shared>> -> memref<128x128xf32, #tpu.memory_space<vmem_shared>>
    %dma_wait3A_139 = arith.constant 0 : i32
    %dma_wait3A_140 = tpu.memref_slice %arg16[%add3A_136, %dma_wait3A_139] : memref<10240x128xf32, #tpu.memory_space<vmem_shared>> -> memref<128x128xf32, #tpu.memory_space<vmem_shared>>
    tpu.wait_dma2 semaphore(%arg18 : memref<!tpu.dma_semaphore, #tpu.memory_space<semaphore_mem>>) src(%dma_wait3A_140 : memref<128x128xf32, #tpu.memory_space<vmem_shared>>) dst(%arg12 : memref<128x128xf32, #tpu.memory_space<vmem>>)
    %add3A_141 = arith.constant 512 : i32
    %add3A_142 = arith.addi %mul3A_50, %add3A_141 : i32
    "tpu.region"() ({
      %run_scoped3A_143 = tpu.sem_alloc : memref<!tpu.dma_semaphore, #tpu.memory_space<semaphore_mem>>
      %dma_start3A_144 = arith.constant 0 : i32
      %dma_start3A_145 = tpu.memref_slice %arg6[%arg0, %add3A_142, %dma_start3A_144] : memref<2x10240x128xf32, #tpu.memory_space<hbm>> -> memref<1x128x128xf32, #tpu.memory_space<hbm>>
      %dma_start3A_146 = tpu.memref_squeeze %dma_start3A_145 : memref<1x128x128xf32, #tpu.memory_space<hbm>> -> memref<128x128xf32, #tpu.memory_space<hbm>>
      %dma_start3A_147 = arith.constant 0 : i32
      %dma_start3A_148 = tpu.memref_slice %arg6[%arg0, %add3A_142, %dma_start3A_147] : memref<2x10240x128xf32, #tpu.memory_space<hbm>> -> memref<1x128x128xf32, #tpu.memory_space<hbm>>
      %dma_start3A_149 = tpu.memref_squeeze %dma_start3A_148 : memref<1x128x128xf32, #tpu.memory_space<hbm>> -> memref<128x128xf32, #tpu.memory_space<hbm>>
      tpu.enqueue_dma source(%arg12 : memref<128x128xf32, #tpu.memory_space<vmem>>) target(%dma_start3A_149 : memref<128x128xf32, #tpu.memory_space<hbm>>) target_semaphore(%run_scoped3A_143 : memref<!tpu.dma_semaphore, #tpu.memory_space<semaphore_mem>>)
      %dma_wait3A_150 = arith.constant 0 : i32
      %dma_wait3A_151 = tpu.memref_slice %arg6[%arg0, %add3A_142, %dma_wait3A_150] : memref<2x10240x128xf32, #tpu.memory_space<hbm>> -> memref<1x128x128xf32, #tpu.memory_space<hbm>>
      %dma_wait3A_152 = tpu.memref_squeeze %dma_wait3A_151 : memref<1x128x128xf32, #tpu.memory_space<hbm>> -> memref<128x128xf32, #tpu.memory_space<hbm>>
      %dma_wait3A_153 = arith.constant 0 : i32
      %dma_wait3A_154 = tpu.memref_slice %arg6[%arg0, %add3A_142, %dma_wait3A_153] : memref<2x10240x128xf32, #tpu.memory_space<hbm>> -> memref<1x128x128xf32, #tpu.memory_space<hbm>>
      %dma_wait3A_155 = tpu.memref_squeeze %dma_wait3A_154 : memref<1x128x128xf32, #tpu.memory_space<hbm>> -> memref<128x128xf32, #tpu.memory_space<hbm>>
      tpu.wait_dma2 semaphore(%run_scoped3A_143 : memref<!tpu.dma_semaphore, #tpu.memory_space<semaphore_mem>>) src(%arg12 : memref<128x128xf32, #tpu.memory_space<vmem>>) dst(%dma_wait3A_155 : memref<128x128xf32, #tpu.memory_space<hbm>>)
      tpu.yield
    }) : () -> ()
    "tpu.region"() ({
      %run_scoped3A_143 = tpu.sem_alloc : memref<!tpu.dma_semaphore, #tpu.memory_space<semaphore_mem>>
      %dma_start3A_144 = tpu.memref_slice %arg17[%mul3A_50] : memref<10240xf32, #tpu.memory_space<vmem_shared>> -> memref<640xf32, #tpu.memory_space<vmem_shared>>
      %dma_start3A_145 = tpu.memref_slice %arg17[%mul3A_50] : memref<10240xf32, #tpu.memory_space<vmem_shared>> -> memref<640xf32, #tpu.memory_space<vmem_shared>>
      tpu.enqueue_dma source(%dma_start3A_145 : memref<640xf32, #tpu.memory_space<vmem_shared>>) target(%arg15 : memref<640xf32, #tpu.memory_space<vmem>>) target_semaphore(%run_scoped3A_143 : memref<!tpu.dma_semaphore, #tpu.memory_space<semaphore_mem>>)
      %dma_wait3A_146 = tpu.memref_slice %arg17[%mul3A_50] : memref<10240xf32, #tpu.memory_space<vmem_shared>> -> memref<640xf32, #tpu.memory_space<vmem_shared>>
      %dma_wait3A_147 = tpu.memref_slice %arg17[%mul3A_50] : memref<10240xf32, #tpu.memory_space<vmem_shared>> -> memref<640xf32, #tpu.memory_space<vmem_shared>>
      tpu.wait_dma2 semaphore(%run_scoped3A_143 : memref<!tpu.dma_semaphore, #tpu.memory_space<semaphore_mem>>) src(%dma_wait3A_147 : memref<640xf32, #tpu.memory_space<vmem_shared>>) dst(%arg15 : memref<640xf32, #tpu.memory_space<vmem>>)
      tpu.yield
    }) : () -> ()
    "tpu.region"() ({
      %run_scoped3A_143 = tpu.sem_alloc : memref<!tpu.dma_semaphore, #tpu.memory_space<semaphore_mem>>
      %dma_start3A_144 = tpu.memref_slice %arg7[%arg0, %mul3A_50] : memref<2x10240xf32, #tpu.memory_space<hbm>> -> memref<1x640xf32, #tpu.memory_space<hbm>>
      %dma_start3A_145 = tpu.memref_squeeze %dma_start3A_144 : memref<1x640xf32, #tpu.memory_space<hbm>> -> memref<640xf32, #tpu.memory_space<hbm>>
      %dma_start3A_146 = tpu.memref_slice %arg7[%arg0, %mul3A_50] : memref<2x10240xf32, #tpu.memory_space<hbm>> -> memref<1x640xf32, #tpu.memory_space<hbm>>
      %dma_start3A_147 = tpu.memref_squeeze %dma_start3A_146 : memref<1x640xf32, #tpu.memory_space<hbm>> -> memref<640xf32, #tpu.memory_space<hbm>>
      tpu.enqueue_dma source(%arg15 : memref<640xf32, #tpu.memory_space<vmem>>) target(%dma_start3A_147 : memref<640xf32, #tpu.memory_space<hbm>>) target_semaphore(%run_scoped3A_143 : memref<!tpu.dma_semaphore, #tpu.memory_space<semaphore_mem>>)
      %dma_wait3A_148 = tpu.memref_slice %arg7[%arg0, %mul3A_50] : memref<2x10240xf32, #tpu.memory_space<hbm>> -> memref<1x640xf32, #tpu.memory_space<hbm>>
      %dma_wait3A_149 = tpu.memref_squeeze %dma_wait3A_148 : memref<1x640xf32, #tpu.memory_space<hbm>> -> memref<640xf32, #tpu.memory_space<hbm>>
      %dma_wait3A_150 = tpu.memref_slice %arg7[%arg0, %mul3A_50] : memref<2x10240xf32, #tpu.memory_space<hbm>> -> memref<1x640xf32, #tpu.memory_space<hbm>>
      %dma_wait3A_151 = tpu.memref_squeeze %dma_wait3A_150 : memref<1x640xf32, #tpu.memory_space<hbm>> -> memref<640xf32, #tpu.memory_space<hbm>>
      tpu.wait_dma2 semaphore(%run_scoped3A_143 : memref<!tpu.dma_semaphore, #tpu.memory_space<semaphore_mem>>) src(%arg15 : memref<640xf32, #tpu.memory_space<vmem>>) dst(%dma_wait3A_151 : memref<640xf32, #tpu.memory_space<hbm>>)
      tpu.yield
    }) : () -> ()
    return
  }
}

module attributes {stable_mosaic.version = 14 : i64} {
  func.func @_scale_body(%arg0: i32, %arg1: memref<1280x128xf32, #tpu.memory_space<vmem>>, %arg2: memref<2x1280xf32, #tpu.memory_space<vmem>>, %arg3: memref<1280x128xf32, #tpu.memory_space<vmem>>) attributes {dimension_semantics = [#tpu.dimension_semantics<arbitrary>], iteration_bounds = array<i64: 8>, scalar_prefetch = 0 : i64, scratch_operands = 0 : i64, tpu.core_type = #tpu.core_type<tc>, window_params = [{transform_indices = @transform_0, window_bounds = array<i64: 1280, 128>}, {transform_indices = @transform_1, window_bounds = array<i64: 2, 1280>}, {transform_indices = @transform_2, window_bounds = array<i64: 1280, 128>}]} {
    %get3A = arith.constant 0 : index
    %get3A_0 = arith.constant 0 : index
    %get3A_1 = vector.load %arg2[%get3A, %get3A_0] : memref<2x1280xf32, #tpu.memory_space<vmem>>, vector<1x1280xf32>
    %get3A_2 = vector.shape_cast %get3A_1 : vector<1x1280xf32> to vector<1280xf32>
    %get3A_3 = arith.constant 1 : index
    %get3A_4 = arith.constant 0 : index
    %get3A_5 = vector.load %arg2[%get3A_3, %get3A_4] : memref<2x1280xf32, #tpu.memory_space<vmem>>, vector<1x1280xf32>
    %get3A_6 = vector.shape_cast %get3A_5 : vector<1x1280xf32> to vector<1280xf32>
    %add3A = arith.addf %get3A_2, %get3A_6 : vector<1280xf32>
    %reshape3A = vector.shape_cast %add3A : vector<1280xf32> to vector<1280x1xf32>
    %get3A_7 = arith.constant 0 : index
    %get3A_8 = arith.constant 0 : index
    %get3A_9 = vector.load %arg1[%get3A_7, %get3A_8] : memref<1280x128xf32, #tpu.memory_space<vmem>>, vector<1280x128xf32>
    %max3A = arith.constant 1.000000e+00 : f32
    %max3A_10 = vector.broadcast %max3A : f32 to vector<1280x1xf32>
    %max3A_11 = arith.maximumf %reshape3A, %max3A_10 : vector<1280x1xf32>
    %rsqrt3A = math.rsqrt %max3A_11 : vector<1280x1xf32>
    %mul3A = vector.broadcast %rsqrt3A : vector<1280x1xf32> to vector<1280x128xf32>
    %mul3A_12 = arith.mulf %get3A_9, %mul3A : vector<1280x128xf32>
    %swap3A = arith.constant 0 : index
    %swap3A_13 = arith.constant 0 : index
    %swap3A_14 = vector.load %arg3[%swap3A, %swap3A_13] : memref<1280x128xf32, #tpu.memory_space<vmem>>, vector<1280x128xf32>
    tpu.vector_store %arg3[%swap3A, %swap3A_13], %mul3A_12 {strides = array<i32>} : memref<1280x128xf32, #tpu.memory_space<vmem>>, vector<1280x128xf32>,
    return
  }
  func.func @transform_0(%arg0: i32) -> (i32, i32) {
    %c0_i32 = arith.constant 0 : i32
    %c0_i32_0 = arith.constant 0 : i32
    return %arg0, %c0_i32 : i32, i32
  }
  func.func @transform_1(%arg0: i32) -> (i32, i32) {
    %c0_i32 = arith.constant 0 : i32
    %c0_i32_0 = arith.constant 0 : i32
    return %c0_i32, %arg0 : i32, i32
  }
  func.func @transform_2(%arg0: i32) -> (i32, i32) {
    %c0_i32 = arith.constant 0 : i32
    %c0_i32_0 = arith.constant 0 : i32
    return %arg0, %c0_i32 : i32, i32
  }
}

module attributes {stable_mosaic.version = 14 : i64} {
  func.func @_final_body(%arg0: i32, %arg1: memref<2x1280x128xf32, #tpu.memory_space<vmem>>, %arg2: memref<128x128xf32, #tpu.memory_space<vmem>>, %arg3: memref<2x1280xf32, #tpu.memory_space<vmem>>, %arg4: memref<1x128xf32, #tpu.memory_space<vmem>>, %arg5: memref<1280x128xf32, #tpu.memory_space<vmem>>) attributes {dimension_semantics = [#tpu.dimension_semantics<arbitrary>], iteration_bounds = array<i64: 8>, scalar_prefetch = 0 : i64, scratch_operands = 0 : i64, tpu.core_type = #tpu.core_type<tc>, window_params = [{transform_indices = @transform_0, window_bounds = array<i64: 2, 1280, 128>}, {pipeline_mode = #tpu.pipeline_mode<synchronous>, transform_indices = @transform_1, window_bounds = array<i64: 128, 128>}, {transform_indices = @transform_2, window_bounds = array<i64: 2, 1280>}, {pipeline_mode = #tpu.pipeline_mode<synchronous>, transform_indices = @transform_3, window_bounds = array<i64: 1, 128>}, {transform_indices = @transform_4, window_bounds = array<i64: 1280, 128>}]} {
    %get3A = arith.constant 0 : index
    %get3A_0 = arith.constant 0 : index
    %get3A_1 = arith.constant 0 : index
    %get3A_2 = vector.load %arg1[%get3A, %get3A_0, %get3A_1] : memref<2x1280x128xf32, #tpu.memory_space<vmem>>, vector<1x1280x128xf32>
    %get3A_3 = vector.shape_cast %get3A_2 : vector<1x1280x128xf32> to vector<1280x128xf32>
    %get3A_4 = arith.constant 1 : index
    %get3A_5 = arith.constant 0 : index
    %get3A_6 = arith.constant 0 : index
    %get3A_7 = vector.load %arg1[%get3A_4, %get3A_5, %get3A_6] : memref<2x1280x128xf32, #tpu.memory_space<vmem>>, vector<1x1280x128xf32>
    %get3A_8 = vector.shape_cast %get3A_7 : vector<1x1280x128xf32> to vector<1280x128xf32>
    %add3A = arith.addf %get3A_3, %get3A_8 : vector<1280x128xf32>
    %get3A_9 = arith.constant 0 : index
    %get3A_10 = arith.constant 0 : index
    %get3A_11 = vector.load %arg2[%get3A_9, %get3A_10] : memref<128x128xf32, #tpu.memory_space<vmem>>, vector<128x128xf32>
    %dot_general3A = arith.constant dense<0.000000e+00> : vector<1280x128xf32>
    %dot_general3A_12 = tpu.matmul %add3A, %get3A_11, %dot_general3A {dimension_numbers = #tpu.dot_dimension_numbers<[1], [0], [0], [1], [0, 0, 1, 1], [], []>, transpose_lhs_hint = false} : vector<1280x128xf32>, vector<128x128xf32>, vector<1280x128xf32> -> vector<1280x128xf32>
    %get3A_13 = arith.constant 0 : index
    %get3A_14 = arith.constant 0 : index
    %get3A_15 = vector.load %arg3[%get3A_13, %get3A_14] : memref<2x1280xf32, #tpu.memory_space<vmem>>, vector<1x1280xf32>
    %get3A_16 = vector.shape_cast %get3A_15 : vector<1x1280xf32> to vector<1280xf32>
    %get3A_17 = arith.constant 1 : index
    %get3A_18 = arith.constant 0 : index
    %get3A_19 = vector.load %arg3[%get3A_17, %get3A_18] : memref<2x1280xf32, #tpu.memory_space<vmem>>, vector<1x1280xf32>
    %get3A_20 = vector.shape_cast %get3A_19 : vector<1x1280xf32> to vector<1280xf32>
    %add3A_21 = arith.addf %get3A_16, %get3A_20 : vector<1280xf32>
    %reshape3A = vector.shape_cast %add3A_21 : vector<1280xf32> to vector<1280x1xf32>
    %max3A = arith.constant 1.000000e+00 : f32
    %max3A_22 = vector.broadcast %max3A : f32 to vector<1280x1xf32>
    %max3A_23 = arith.maximumf %reshape3A, %max3A_22 : vector<1280x1xf32>
    %rsqrt3A = math.rsqrt %max3A_23 : vector<1280x1xf32>
    %mul3A = vector.broadcast %rsqrt3A : vector<1280x1xf32> to vector<1280x128xf32>
    %mul3A_24 = arith.mulf %dot_general3A_12, %mul3A : vector<1280x128xf32>
    %get3A_25 = arith.constant 0 : index
    %get3A_26 = arith.constant 0 : index
    %get3A_27 = vector.load %arg4[%get3A_25, %get3A_26] : memref<1x128xf32, #tpu.memory_space<vmem>>, vector<1x128xf32>
    %add3A_28 = vector.broadcast %get3A_27 : vector<1x128xf32> to vector<1280x128xf32>
    %add3A_29 = arith.addf %mul3A_24, %add3A_28 : vector<1280x128xf32>
    %swap3A = arith.constant 0 : index
    %swap3A_30 = arith.constant 0 : index
    %swap3A_31 = vector.load %arg5[%swap3A, %swap3A_30] : memref<1280x128xf32, #tpu.memory_space<vmem>>, vector<1280x128xf32>
    tpu.vector_store %arg5[%swap3A, %swap3A_30], %add3A_29 {strides = array<i32>} : memref<1280x128xf32, #tpu.memory_space<vmem>>, vector<1280x128xf32>,
    return
  }
  func.func @transform_0(%arg0: i32) -> (i32, i32, i32) {
    %c0_i32 = arith.constant 0 : i32
    %c0_i32_0 = arith.constant 0 : i32
    %c0_i32_1 = arith.constant 0 : i32
    return %c0_i32, %arg0, %c0_i32_0 : i32, i32, i32
  }
  func.func @transform_1(%arg0: i32) -> (i32, i32) {
    %c0_i32 = arith.constant 0 : i32
    %c0_i32_0 = arith.constant 0 : i32
    %c0_i32_1 = arith.constant 0 : i32
    return %c0_i32, %c0_i32_0 : i32, i32
  }
  func.func @transform_2(%arg0: i32) -> (i32, i32) {
    %c0_i32 = arith.constant 0 : i32
    %c0_i32_0 = arith.constant 0 : i32
    return %c0_i32, %arg0 : i32, i32
  }
  func.func @transform_3(%arg0: i32) -> (i32, i32) {
    %c0_i32 = arith.constant 0 : i32
    %c0_i32_0 = arith.constant 0 : i32
    %c0_i32_1 = arith.constant 0 : i32
    return %c0_i32, %c0_i32_0 : i32, i32
  }
  func.func @transform_4(%arg0: i32) -> (i32, i32) {
    %c0_i32 = arith.constant 0 : i32
    %c0_i32_0 = arith.constant 0 : i32
    return %arg0, %c0_i32 : i32, i32
  }
}

</mosaic_0001>

<sc_bundles>
// kernel: kernel.6.cloned.1.call-start
scs
__scs_entry_jumppad:
0x0: {  	(pc) =	sbr.rel $0x88, $3  }
0x1: {  	(tag) =	ssettag $0x0;
	lr =	simm.s32 $0x1  }
0x2: {  	[smem:$0x3F9D] =	sst lr;
	_ =	strace $0xD0000000  }
0x3: {  	_ = 	snop  }
0x4: {  	_ = 	snop  }
0x5: {  	_ = 	snop  }
0x6: {  	_ = 	snop  }
0x7: {  	_ = 	snop  }
__scs_overlays_trampoline_lowered:
0x8: {  	[smem:$0x3FAC] =	sst s0  }
0x9: {  	[smem:$0x3FAD] =	sst s1  }
0xa: {  	[smem:$0x3FAE] =	sst s2  }
0xb: {  	[smem:$0x3FAF] =	sst s3  }
0xc: {  	[smem:$0x3FB0] =	sst s4  }
0xd: {  	[smem:$0x3FB1] =	sst s5  }
0xe: {  	[smem:$0x3FB2] =	sst s6  }
0xf: {  	[smem:$0x3FB3] =	sst s7  }
0x10: {  	[smem:$0x3FB4] =	sst s8  }
0x11: {  	[smem:$0x3FB5] =	sst s9;
	s0 =	simm.s32 @!p0 $0x0  }
0x12: {  	s1 =	sld [smem:$0x3F9B];
	s0 =	simm.s32 @p0 $0x1  }
0x13: {  	[smem:$0x3FB6] =	sst s0;
	s0 =	simm.s32 @!p1 $0x0  }
0x14: {  	s2 =	sld [smem:$0x3F9A];
	s0 =	simm.s32 @p1 $0x1  }
0x15: {  	[smem:$0x3FB7] =	sst s0;
	s0 =	simm.s32 @!p2 $0x0  }
0x16: {  	s3 =	sld [smem:$0x3FDB];
	s0 =	simm.s32 @p2 $0x1  }
0x17: {  	s4 =	simm.s32 $0x1BF5;
	[smem:$0x3FB9] =	sst s0  }
0x18: {  	s0 =	sld [smem:$0x3F9C];
	_ =	swait.ge [sflag:s4], $0x0  }
0x19: {  	s7 =	sld [smem:$0x3F9D]  }
0x1a: {  	s8 =	sadd.s32 $0xFFFFE003, lr  }
0x1b: {  	s9 =	sadd.s32 $0xFFFFFEF7, lr;
	s5 =	simm.s32 $0xFFFFFFFF;
	p2 =	slt.u32 s8, $0xFFFFF086  }
0x1c: {  	p1 =	slt.u32 s9, $0xF7A;
	s5 =	simm.s32 @!p2 $0x0  }
0x1d: {  	s5 =	simm.s32 @p1 $0x1;
	p0 =	seq.s32 s7, s2  }
0x1e: {  	s7 =	smul.u32 @!p0 $0xF7A, s2;
	p2 =	seq.s32 @!p0 s5, $0x0  }
0x1f: {  	s9 =	smul.u32 $0xF7A, s1;
	s8 =	simm.s32 @!p0 $0x1BF5;
	p2 =	por !p2, p0  }
0x20: {  	[sflag:s8] =	ssyncset.s32 @!p0 $0xFFFFF086;
	s6 =	sadd.s32 @!p0 s3, s7;
	s7 =	simm.s32 @!p0 $0x108  }
0x21: {  	s3 =	sadd.s32 s3, s9;
	s6 =	sadd.s32 @!p0 $0x88, s6;
	s7 =	simm.s32 @p2 $0x1082  }
0x22: {  	[simem:s7], [sflag:s8] =	dma.local @!p0 [hbm:s6], $0xF7A  }
0x23: {  	s9 =	sor.u32 $0xD0000000, s2;
	s6 =	simm.s32 $0x108;
	_ =	swait.ge @!p0 [sflag:s8], $0x0  }
0x24: {  	s3 =	sadd.s32 $0x88, s3;
	s6 =	simm.s32 @!p1 $0x1082;
	[sflag:s4] =	ssyncset.s32 $0xFFFFF086  }
0x25: {  	[simem:s6], [sflag:s4] =	dma.local [hbm:s3], $0xF7A  }
0x26: {  	[smem:$0x3F9D] =	sst s1;
	(tag) =	ssettag s2;
	_ =	strace s9  }
0x27: {  	s1 =	sld [smem:$0x3FAD]  }
0x28: {  	s2 =	sld [smem:$0x3FAE]  }
0x29: {  	s4 =	sld [smem:$0x3FB0]  }
0x2a: {  	p0 =	seq.s32 s5, $0x0;
	s5 =	sld [smem:$0x3FB1]  }
0x2b: {  	s6 =	sld [smem:$0x3FB2]  }
0x2c: {  	s7 =	sld [smem:$0x3FB3]  }
0x2d: {  	s3 =	simm.s32 $0x108;
	s8 =	sld [smem:$0x3FB4]  }
0x2e: {  	s3 =	simm.s32 @!p0 $0x1082;
	s9 =	sld [smem:$0x3FB5]  }
0x2f: {  	lr =	sadd.s32 s0, s3;
	s0 =	sld [smem:$0x3FAC]  }
0x30: {  	s3 =	sld [smem:$0x3FAF]  }
0x31: {  	[smem:$0x3FB8] =	sst s10  }
0x32: {  	s10 =	sld [smem:$0x3FB6];
	_ =	sdelay $0x3  }
0x33: {  	p0 =	seq.s32 s10, $0x1;
	s10 =	sld [smem:$0x3FB8];
	_ =	sdelay $0x3  }
0x34: {  	[smem:$0x3FB8] =	sst s10  }
0x35: {  	s10 =	sld [smem:$0x3FB7];
	_ =	sdelay $0x3  }
0x36: {  	p1 =	seq.s32 s10, $0x1;
	s10 =	sld [smem:$0x3FB8];
	_ =	sdelay $0x3  }
0x37: {  	[smem:$0x3FB8] =	sst s10  }
0x38: {  	s10 =	sld [smem:$0x3FB9]  }
0x39: {  	_ = 	snop;
	(pc) =	sbr.ind lr, $3  }
0x3a: {  	_ = 	snop  }
0x3b: {  	_ = 	snop  }
0x3c: {  	p2 =	seq.s32 s10, $0x1;
	s10 =	sld [smem:$0x3FB8]  }
0x3d: {  	_ =	shalt  }
0x3e: {  	_ =	shalt  }
0x3f: {  	_ =	shalt  }
0x40: {  	_ =	shalt  }
0x41: {  	_ =	shalt  }
0x42: {  	_ =	shalt  }
0x43: {  	_ =	shalt  }
0x44: {  	_ =	shalt  }
0x45: {  	_ =	shalt  }
0x46: {  	_ =	shalt  }
0x47: {  	_ =	shalt  }
0x48: {  	_ =	shalt  }
0x49: {  	_ =	shalt  }
0x4a: {  	_ =	shalt  }
0x4b: {  	_ =	shalt  }
0x4c: {  	_ =	shalt  }
0x4d: {  	_ =	shalt  }
0x4e: {  	_ =	shalt  }
0x4f: {  	_ =	shalt  }
0x50: {  	_ =	shalt  }
0x51: {  	_ =	shalt  }
0x52: {  	_ =	shalt  }
0x53: {  	_ =	shalt  }
0x54: {  	_ =	shalt  }
0x55: {  	_ =	shalt  }
0x56: {  	_ =	shalt  }
0x57: {  	_ =	shalt  }
0x58: {  	_ =	shalt  }
0x59: {  	_ =	shalt  }
0x5a: {  	_ =	shalt  }
0x5b: {  	_ =	shalt  }
0x5c: {  	_ =	shalt  }
0x5d: {  	_ =	shalt  }
0x5e: {  	_ =	shalt  }
0x5f: {  	_ =	shalt  }
0x60: {  	_ =	shalt  }
0x61: {  	_ =	shalt  }
0x62: {  	_ =	shalt  }
0x63: {  	_ =	shalt  }
0x64: {  	_ =	shalt  }
0x65: {  	_ =	shalt  }
0x66: {  	_ =	shalt  }
0x67: {  	_ =	shalt  }
0x68: {  	_ =	shalt  }
0x69: {  	_ =	shalt  }
0x6a: {  	_ =	shalt  }
0x6b: {  	_ =	shalt  }
0x6c: {  	_ =	shalt  }
0x6d: {  	_ =	shalt  }
0x6e: {  	_ =	shalt  }
0x6f: {  	_ =	shalt  }
0x70: {  	_ =	shalt  }
0x71: {  	_ =	shalt  }
0x72: {  	_ =	shalt  }
0x73: {  	_ =	shalt  }
0x74: {  	_ =	shalt  }
0x75: {  	_ =	shalt  }
0x76: {  	_ =	shalt  }
0x77: {  	_ =	shalt  }
0x78: {  	_ =	shalt  }
0x79: {  	_ =	shalt  }
0x7a: {  	_ =	shalt  }
0x7b: {  	_ =	shalt  }
0x7c: {  	_ =	shalt  }
0x7d: {  	_ =	shalt  }
0x7e: {  	_ =	shalt  }
0x7f: {  	_ =	shalt  }
0x80: {  	_ =	shalt  }
0x81: {  	_ =	shalt  }
0x82: {  	_ =	shalt  }
0x83: {  	_ =	shalt  }
0x84: {  	_ =	shalt  }
0x85: {  	_ =	shalt  }
0x86: {  	_ =	shalt  }
0x87: {  	_ =	shalt  }
.Lfunc_end0:
.L_simem_size_0:
called_computation_lowered:
.L_overlay_start_0:
0x88: {  	s2 =	sld [smem:$0x3FD9]  }
0x89: {  	s3 =	sld [smem:$0x3FFE];
	_ =	sdelay $0x1  }
0x8a: {  	s1 =	srdreg.scid  }
0x8b: {  	s0 =	sand.u32 $0x1, s1  }
0x8c: {  	s17 =	sshll.u32 s0, $0xA;
	s2 =	sadd.s32 s3, s2  }
0x8d: {  	s2 =	sadd.s32 s2, s17  }
0x8e: {  	[smem:$0x3FC4] =	sst s2  }
0x8f: {  	_ = 	snop  }
0x90: {  	s2 =	sld [smem:$0x3FD0];
	(tm) =	ssettm $0x1  }
0x91: {  	s18 =	sld [smem:$0x3FFB];
	_ =	sdelay $0x3  }
0x92: {  	_ =	strace s18  }
0x93: {  	s3 =	sld [smem:$0x3FFC];
	_ =	sdelay $0x3  }
0x94: {  	_ =	strace s3  }
0x95: {  	s3 =	sld [smem:$0x3FFD];
	_ =	sdelay $0x3  }
0x96: {  	_ =	strace s3  }
0x97: {  	_ =	strace $0x8FFFFFFF  }
0x98: {  	s19 =	sld [smem:$0x3FDB];
	_ =	sdelay $0x1  }
0x99: {  	s4 =	simm.s32 $_scs_section_size  }
0x9a: {  	s5 =	simm.s32 $_size__tile_overlayer_lowered;
	s6 =	simm.s32 $_tile_overlayer_lowered  }
0x9b: {  	s22 =	simm.s32 $0x1BFF;
	s21 =	sshll.u32 s6, $0x1;
	s3 =	sadd.s32 s4, s19  }
0x9c: {  	s7 =	simm.s32 $0x0;
	s20 =	sshll.u32 s5, $0x1;
	s5 =	sadd.s32 s21, s3  }
0x9d: {  	[timem:s7], [sflag:s22] =	dma.local [hbm:s5], s20  }
0x9e: {  	_ =	swait.ge [sflag:s22], s20  }
0x9f: {  	s4 =	ssub.s32 $0x0, s20;
	[sflag:s22] =	ssyncset.done $0x0  }
0xa0: {  	[sflag:s22] =	ssyncadd.s32 s4;
	_ =	sdelay $0x1  }
0xa1: {  	s23 =	simm.s32 $0x1B8B  }
0xa2: {  	_ =	swait.ge [sflag:s23], $0x1  }
0xa3: {  	[sflag:s23] =	ssyncset.done $0x0  }
0xa4: {  	s25 =	simm.s32 $0x1B8E;
	s24 =	sld [smem:$0x3FFE];
	[sflag:s23] =	ssyncadd.s32 $0xFFFFFFFF  }
0xa5: {  	s26 =	simm.s32 $execute0_lowered;
	[smem:$0x3FD2] =	sst s25  }
0xa6: {  	s5 =	sshll.u32 s26, $0x1;
	_ =	strace $0x80000046;
	[dreg:$0x1] =	wrdreg $0xFFFFFFFF  }
0xa7: {  	s28 =	simm.s32 $_size_execute0_lowered;
	s3 =	sadd.s32 s3, s5;
	[dreg:$0x0] =	wrdreg $0x0  }
0xa8: {  	s5 =	sshll.u32 s28, $0x1;
	[dreg:$0x2] =	wrdreg s3  }
0xa9: {  	[dreg:$0x3] =	wrdreg s5  }
0xaa: {  	[dreg:$0x4] =	wrdreg $0xC0  }
0xab: {  	_ =	task [dreg:s7], $0x5FFFF  }
0xac: {  	[dreg:$0x1] =	wrdreg $0xFFFFFFFF  }
0xad: {  	[dreg:$0x0] =	wrdreg $0x60  }
0xae: {  	[dreg:$0x2] =	wrdreg s2  }
0xaf: {  	[dreg:$0x3] =	wrdreg s24  }
0xb0: {  	[dreg:$0x4] =	wrdreg $0x2B000  }
0xb1: {  	[dreg:$0x5] =	wrdreg $0x9  }
0xb2: {  	_ =	task.clear_ibuf [dreg:s7], $0x6FFFF;
	_ =	strace $0x90000046  }
0xb3: {  	s29 =	simm.s32 $0x9;
	_ =	strace $0x80000048  }
0xb4: {  	_ =	swait.ge [sflag:s29], $0x1  }
0xb5: {  	[sflag:s29] =	ssyncadd.s32 $0xFFFFFFFF  }
0xb6: {  	_ =	strace $0x90000048  }
0xb7: {  	_ =	sfence  }
0xb8: {  	s30 =	sld [smem:$0x0];
	_ =	sdelay $0x2  }
0xb9: {  	s31 =	sshll.u32 s1, $0xD;
	s1 =	sshrl.u32 s1, $0x2  }
0xba: {  	s3 =	sand.u32 $0x4000, s31;
	s1 =	sadd.s32 s1, s30  }
0xbb: {  	s0 =	sor.u32 s3, s0;
	s1 =	sshll.u32 s1, $0x11  }
0xbc: {  	s0 =	sor.u32 s1, s0  }
0xbd: {  	s0 =	sadd.s32 $0x8F2B, s0  }
0xbe: {  	[sflag:s0] =	ssyncadd.remote.s32 $0x1  }
0xbf: {  	_ =	sfence.sel $0xFFFF  }
0xc0: {  	[dreg:$0x0] =	wrdreg $0xFFFFFFFF;
	(pc) =	sbr.abs _section_cstart, $3  }
0xc1: {  	[dreg:$0x1] =	wrdreg $0xFFFFFFFF  }
0xc2: {  	_ =	task.clear_ibuf [dreg:s7], $0x2FFFF;
	_ =	strace $0x9FFFFFFF  }
0xc3: {  	(tm) =	ssettm $0x7FFFFFFF  }
tec
execute0_lowered:
.L_overlay_start_1:
0x0: {  	(tag) =	ssettag $0x1  }
0x1: {  	s5 =	rddreg [dreg:$0x0]  }
0x2: {  	s6 =	rddreg [dreg:$0x1]  }
0x3: {  	s2 =	rddreg [dreg:$0x2]  }
0x4: {  	s0 =	rddreg [dreg:$0x3];
	s3 =	simm.s32 $0x0;
	s4 =	srdreg.scid  }
0x5: {  	s1 =	stileid.u32;
	s12 =	simm.s32 $0x2800;
	s13 =	simm.s32 $0x100  }
0x6: {  	s14 =	simm.s32 $0x180;
	s15 =	simm.s32 $0x1;
	s16 =	simm.s32 $0x0  }
0x7: {  	[smem:$0x7FF] =	sst s3;
	s7 =	sand.u32 $0x1, s4;
	s8 =	smul.u32 $0x500, s1  }
0x8: {  	s4 =	sadd.s32 $0x2000, s6;
	s10 =	smul.u32 $0xA00, s1;
	_ =	strace $0x80000047  }
0x9: {  	s9 =	sshll.u32 s7, $0x7;
	s30 =	sshll.u32 s7, $0x4;
	s7 =	ssub.s32 $0x2, s7  }
0xa: {  	s8 =	sor.u32 s9, s8;
	s9 =	sor.u32 s1, s30;
	s11 =	sshrl.u32 s7, $0x1  }
0xb: {  	s31 =	sshrl.u32 s10, $0x2;
	s8 =	sshrl.u32 s8, $0x3;
	s9 =	smul.u32 $0x500, s9  }
0xc: {  	s10 =	simm.s32 $0x2880;
	s11 =	ssub.s32 s7, s11;
	s8 =	sadd.s32 s8, s6  }
0xd: {  	s6 =	sadd.s32 s31, s2;
	s5 =	sadd.s32 s5, s9;
	s7 =	sadd.s32 $0x2200, s8  }
0xe: {  	v0 =	vimm.f32 $1.000000000e+00;
	s8 =	smax.u32 s11, $0x1;
	s9 =	simm.s32 $0x2;
	s11 =	simm.s32 $0x80  }
.LBB2_1:
0xf: {  	[tilespmem:s3], [sflag:$0x2] =	stream.linear.gather [hbm4b:s5+s3], $0x2800, $0x38;
	[tilespmem:$0x2D80] =	vst v63  }
0x10: {  	_ =	swait.ge [sflag:s9], $0x2800  }
0x11: {  	[sflag:s9] =	ssyncset.done $0x0  }
0x12: {  	[sflag:s9] =	ssyncadd.s32 $0xFFFFD800  }
0x13: {  	[tilespmem:$0x2800] =	vst v0  }
0x14: {  	[tilespmem:$0x2810] =	vst v0  }
0x15: {  	[tilespmem:$0x2820] =	vst v0  }
0x16: {  	[tilespmem:$0x2830] =	vst v0  }
0x17: {  	[tilespmem:$0x2840] =	vst v0  }
0x18: {  	[tilespmem:$0x2850] =	vst v0  }
0x19: {  	[tilespmem:$0x2860] =	vst v0  }
0x1a: {  	[tilespmem:$0x2870] =	vst v0  }
0x1b: {  	[tilespmem:s10], [sflag:$0x2] =	stream.linear.gather [hbm4b:s4+s3], $0x280, $0x38;
	[tilespmem:$0x2D80] =	vst v63  }
0x1c: {  	_ =	swait.ge [sflag:s9], $0x280  }
0x1d: {  	[sflag:s9] =	ssyncset.done $0x0  }
0x1e: {  	[sflag:s9] =	ssyncadd.s32 $0xFFFFFD80  }
0x1f: {  	[spmem:s6] =	stream.linear.scatter [tilespmem:s10], [sflag:$0x2], $0x280, $0x38;
	[tilespmem:$0x2D80] =	vst v63  }
0x20: {  	_ =	swait.ge [sflag:s9], $0x280  }
0x21: {  	[sflag:s9] =	ssyncset.done $0x0  }
0x22: {  	[sflag:s9] =	ssyncadd.s32 $0xFFFFFD80  }
0x23: {  	[bflag:$0x0] =	sbarrier.arrive $0xFFFF  }
0x24: {  	[spmem:s2] =	stream.indirect.scatter.add.f32 [tilespmem:s12], [sflag:$0x1], $0x1, s3, s11, $0xb8;
	[tilespmem:$0x2D80] =	vst v63  }
0x25: {  	_ = 	snop  }
0x26: {  	[spmem:s2] =	stream.indirect.scatter.add.f32 [tilespmem:s12], [sflag:$0x1], $0x1, s11, s11, $0xb8;
	[tilespmem:$0x2D80] =	vst v63  }
0x27: {  	_ = 	snop  }
0x28: {  	[spmem:s2] =	stream.indirect.scatter.add.f32 [tilespmem:s12], [sflag:$0x1], $0x1, s13, s11, $0xb8;
	[tilespmem:$0x2D80] =	vst v63  }
0x29: {  	_ = 	snop  }
0x2a: {  	[spmem:s2] =	stream.indirect.scatter.add.f32 [tilespmem:s12], [sflag:$0x1], $0x1, s14, s11, $0xb8;
	[tilespmem:$0x2D80] =	vst v63  }
0x2b: {  	s17 =	simm.s32 $0x200  }
0x2c: {  	[spmem:s2] =	stream.indirect.scatter.add.f32 [tilespmem:s12], [sflag:$0x1], $0x1, s17, s11, $0xb8;
	[tilespmem:$0x2D80] =	vst v63  }
0x2d: {  	_ =	swait.ge [sflag:s15], $0x80  }
0x2e: {  	s17 =	simm.s32 $0xA00;
	[sflag:s15] =	ssyncset.done $0x0  }
.LBB2_2:
0x2f: {  	s18 =	sshra.s32 s17, $0x2;
	[sflag:s15] =	ssyncadd.s32 $0xFFFFFF80;
	p0 =	sne.s32 s17, $0x9E00  }
0x30: {  	[spmem:s2] =	stream.indirect.scatter.add.f32 [tilespmem:s12], [sflag:$0x1], $0x1, s18, s11, $0xb8;
	[tilespmem:$0x2D80] =	vst v63  }
.Ltmp0:
0x31: {  	_ = 	snop;
	(pc) =	sbr.rel @p0 .LBB2_2-.Ltmp0, $4  }
0x32: {  	_ = 	snop  }
0x33: {  	s17 =	sadd.s32 $0x200, s17  }
0x34: {  	_ =	swait.ge [sflag:s15], $0x80  }
0x35: {  	[sflag:s15] =	ssyncset.done $0x0  }
0x36: {  	[sflag:s15] =	ssyncadd.s32 $0xFFFFFF80  }
0x37: {  	_ =	swait.ge [sflag:s15], $0x80  }
0x38: {  	[sflag:s15] =	ssyncset.done $0x0  }
0x39: {  	[sflag:s15] =	ssyncadd.s32 $0xFFFFFF80  }
0x3a: {  	_ =	swait.ge [sflag:s15], $0x80  }
0x3b: {  	[sflag:s15] =	ssyncset.done $0x0  }
0x3c: {  	[sflag:s15] =	ssyncadd.s32 $0xFFFFFF80  }
0x3d: {  	_ =	swait.ge [sflag:s15], $0x80  }
0x3e: {  	[sflag:s15] =	ssyncset.done $0x0  }
0x3f: {  	[sflag:s15] =	ssyncadd.s32 $0xFFFFFF80  }
0x40: {  	_ =	swait.ge [sflag:s15], $0x80  }
0x41: {  	[sflag:s15] =	ssyncset.done $0x0  }
0x42: {  	[sflag:s15] =	ssyncadd.s32 $0xFFFFFF80  }
0x43: {  	[bflag:$0x0] =	sbarrier.arrive $0xFFFF  }
0x44: {  	[tilespmem:s10], [sflag:$0x2] =	stream.linear.gather [spmem:s6], $0x280, $0x38;
	[tilespmem:$0x2D80] =	vst v63  }
0x45: {  	s16 =	sadd.s32 $0x1, s16;
	_ =	swait.ge [sflag:s9], $0x280  }
0x46: {  	p0 =	sne.s32 s16, s8;
	[sflag:s9] =	ssyncset.done $0x0  }
.Ltmp1:
0x47: {  	[sflag:s9] =	ssyncadd.s32 $0xFFFFFD80;
	(pc) =	sbr.rel @p0 .LBB2_1-.Ltmp1, $4  }
0x48: {  	[hbm4b:s7+s11] =	stream.strided.scatter [tilespmem:s10], [sflag:$0x2], $0x280, s13, s11, $0x38;
	[tilespmem:$0x2D80] =	vst v63  }
0x49: {  	_ =	swait.ge [sflag:s9], $0x280  }
0x4a: {  	[sflag:s9] =	ssyncset.done $0x0  }
0x4b: {  	[sflag:s9] =	ssyncadd.s32 $0xFFFFFD80  }
0x4c: {  	_ =	sfence.sel $0x180000  }
0x4d: {  	[bflag:$0x0] =	sbarrier.arrive $0xFFFF  }
0x4e: {  	p0 =	sne.s32 s1, $0x0;
	_ =	strace $0x90000047  }
0x4f: {  	s0 =	sadd.s32 @!p0 $0x100000, s0;
	[bflag:$0x2] =	sbarrier.arrive $0xFFFF  }
0x50: {  	[sflag:s0] =	ssyncadd.tile.s32 @!p0 $0x1;
	_ =	shalt  }
.Lfunc_end2:
_tile_overlayer_lowered:
.L_overlay_start_2:
0x51: {  	(tag) =	ssettag $0x2  }
0x52: {  	s0 =	rddreg [dreg:$0x0];
	s2 =	stileid.u32  }
0x53: {  	s1 =	rddreg [dreg:$0x1];
	p0 =	sne.s32 s2, $0x0  }
0x54: {  	s3 =	rddreg [dreg:$0x2];
	[bflag:$0x3] =	sbarrier.arrive $0xFFFF;
	s2 =	simm.s32 @!p0 $0x1C02  }
0x55: {  	[timem:s3], [sflag:s2] =	dma.local @!p0 [hbm:s0], s1  }
0x56: {  	s0 =	simm.s32 @!p0 $0x2  }
0x57: {  	_ =	swait.ge @!p0 [sflag:s0], s1  }
0x58: {  	s1 =	ssub.s32 @!p0 $0x0, s1;
	[sflag:s0] =	ssyncset.done @!p0 $0x0  }
0x59: {  	[sflag:s0] =	ssyncadd.s32 @!p0 s1  }
0x5a: {  	[bflag:$0x3] =	sbarrier.arrive $0xFFFF  }
0x5b: {  	_ =	shalt  }

// kernel: kernel.9.cloned.1.call-start
scs
__scs_entry_jumppad:
0x0: {  	(pc) =	sbr.rel $0x88, $3  }
0x1: {  	(tag) =	ssettag $0x0;
	lr =	simm.s32 $0x1  }
0x2: {  	[smem:$0x3F9D] =	sst lr;
	_ =	strace $0xD0000000  }
0x3: {  	_ = 	snop  }
0x4: {  	_ = 	snop  }
0x5: {  	_ = 	snop  }
0x6: {  	_ = 	snop  }
0x7: {  	_ = 	snop  }
__scs_overlays_trampoline_lowered:
0x8: {  	[smem:$0x3FAC] =	sst s0  }
0x9: {  	[smem:$0x3FAD] =	sst s1  }
0xa: {  	[smem:$0x3FAE] =	sst s2  }
0xb: {  	[smem:$0x3FAF] =	sst s3  }
0xc: {  	[smem:$0x3FB0] =	sst s4  }
0xd: {  	[smem:$0x3FB1] =	sst s5  }
0xe: {  	[smem:$0x3FB2] =	sst s6  }
0xf: {  	[smem:$0x3FB3] =	sst s7  }
0x10: {  	[smem:$0x3FB4] =	sst s8  }
0x11: {  	[smem:$0x3FB5] =	sst s9;
	s0 =	simm.s32 @!p0 $0x0  }
0x12: {  	s1 =	sld [smem:$0x3F9B];
	s0 =	simm.s32 @p0 $0x1  }
0x13: {  	[smem:$0x3FB6] =	sst s0;
	s0 =	simm.s32 @!p1 $0x0  }
0x14: {  	s2 =	sld [smem:$0x3F9A];
	s0 =	simm.s32 @p1 $0x1  }
0x15: {  	[smem:$0x3FB7] =	sst s0;
	s0 =	simm.s32 @!p2 $0x0  }
0x16: {  	s3 =	sld [smem:$0x3FDB];
	s0 =	simm.s32 @p2 $0x1  }
0x17: {  	s4 =	simm.s32 $0x1BF5;
	[smem:$0x3FB9] =	sst s0  }
0x18: {  	s0 =	sld [smem:$0x3F9C];
	_ =	swait.ge [sflag:s4], $0x0  }
0x19: {  	s7 =	sld [smem:$0x3F9D]  }
0x1a: {  	s8 =	sadd.s32 $0xFFFFE003, lr  }
0x1b: {  	s9 =	sadd.s32 $0xFFFFFEF7, lr;
	s5 =	simm.s32 $0xFFFFFFFF;
	p2 =	slt.u32 s8, $0xFFFFF086  }
0x1c: {  	p1 =	slt.u32 s9, $0xF7A;
	s5 =	simm.s32 @!p2 $0x0  }
0x1d: {  	s5 =	simm.s32 @p1 $0x1;
	p0 =	seq.s32 s7, s2  }
0x1e: {  	s7 =	smul.u32 @!p0 $0xF7A, s2;
	p2 =	seq.s32 @!p0 s5, $0x0  }
0x1f: {  	s9 =	smul.u32 $0xF7A, s1;
	s8 =	simm.s32 @!p0 $0x1BF5;
	p2 =	por !p2, p0  }
0x20: {  	[sflag:s8] =	ssyncset.s32 @!p0 $0xFFFFF086;
	s6 =	sadd.s32 @!p0 s3, s7;
	s7 =	simm.s32 @!p0 $0x108  }
0x21: {  	s3 =	sadd.s32 s3, s9;
	s6 =	sadd.s32 @!p0 $0x88, s6;
	s7 =	simm.s32 @p2 $0x1082  }
0x22: {  	[simem:s7], [sflag:s8] =	dma.local @!p0 [hbm:s6], $0xF7A  }
0x23: {  	s9 =	sor.u32 $0xD0000000, s2;
	s6 =	simm.s32 $0x108;
	_ =	swait.ge @!p0 [sflag:s8], $0x0  }
0x24: {  	s3 =	sadd.s32 $0x88, s3;
	s6 =	simm.s32 @!p1 $0x1082;
	[sflag:s4] =	ssyncset.s32 $0xFFFFF086  }
0x25: {  	[simem:s6], [sflag:s4] =	dma.local [hbm:s3], $0xF7A  }
0x26: {  	[smem:$0x3F9D] =	sst s1;
	(tag) =	ssettag s2;
	_ =	strace s9  }
0x27: {  	s1 =	sld [smem:$0x3FAD]  }
0x28: {  	s2 =	sld [smem:$0x3FAE]  }
0x29: {  	s4 =	sld [smem:$0x3FB0]  }
0x2a: {  	p0 =	seq.s32 s5, $0x0;
	s5 =	sld [smem:$0x3FB1]  }
0x2b: {  	s6 =	sld [smem:$0x3FB2]  }
0x2c: {  	s7 =	sld [smem:$0x3FB3]  }
0x2d: {  	s3 =	simm.s32 $0x108;
	s8 =	sld [smem:$0x3FB4]  }
0x2e: {  	s3 =	simm.s32 @!p0 $0x1082;
	s9 =	sld [smem:$0x3FB5]  }
0x2f: {  	lr =	sadd.s32 s0, s3;
	s0 =	sld [smem:$0x3FAC]  }
0x30: {  	s3 =	sld [smem:$0x3FAF]  }
0x31: {  	[smem:$0x3FB8] =	sst s10  }
0x32: {  	s10 =	sld [smem:$0x3FB6];
	_ =	sdelay $0x3  }
0x33: {  	p0 =	seq.s32 s10, $0x1;
	s10 =	sld [smem:$0x3FB8];
	_ =	sdelay $0x3  }
0x34: {  	[smem:$0x3FB8] =	sst s10  }
0x35: {  	s10 =	sld [smem:$0x3FB7];
	_ =	sdelay $0x3  }
0x36: {  	p1 =	seq.s32 s10, $0x1;
	s10 =	sld [smem:$0x3FB8];
	_ =	sdelay $0x3  }
0x37: {  	[smem:$0x3FB8] =	sst s10  }
0x38: {  	s10 =	sld [smem:$0x3FB9]  }
0x39: {  	_ = 	snop;
	(pc) =	sbr.ind lr, $3  }
0x3a: {  	_ = 	snop  }
0x3b: {  	_ = 	snop  }
0x3c: {  	p2 =	seq.s32 s10, $0x1;
	s10 =	sld [smem:$0x3FB8]  }
0x3d: {  	_ =	shalt  }
0x3e: {  	_ =	shalt  }
0x3f: {  	_ =	shalt  }
0x40: {  	_ =	shalt  }
0x41: {  	_ =	shalt  }
0x42: {  	_ =	shalt  }
0x43: {  	_ =	shalt  }
0x44: {  	_ =	shalt  }
0x45: {  	_ =	shalt  }
0x46: {  	_ =	shalt  }
0x47: {  	_ =	shalt  }
0x48: {  	_ =	shalt  }
0x49: {  	_ =	shalt  }
0x4a: {  	_ =	shalt  }
0x4b: {  	_ =	shalt  }
0x4c: {  	_ =	shalt  }
0x4d: {  	_ =	shalt  }
0x4e: {  	_ =	shalt  }
0x4f: {  	_ =	shalt  }
0x50: {  	_ =	shalt  }
0x51: {  	_ =	shalt  }
0x52: {  	_ =	shalt  }
0x53: {  	_ =	shalt  }
0x54: {  	_ =	shalt  }
0x55: {  	_ =	shalt  }
0x56: {  	_ =	shalt  }
0x57: {  	_ =	shalt  }
0x58: {  	_ =	shalt  }
0x59: {  	_ =	shalt  }
0x5a: {  	_ =	shalt  }
0x5b: {  	_ =	shalt  }
0x5c: {  	_ =	shalt  }
0x5d: {  	_ =	shalt  }
0x5e: {  	_ =	shalt  }
0x5f: {  	_ =	shalt  }
0x60: {  	_ =	shalt  }
0x61: {  	_ =	shalt  }
0x62: {  	_ =	shalt  }
0x63: {  	_ =	shalt  }
0x64: {  	_ =	shalt  }
0x65: {  	_ =	shalt  }
0x66: {  	_ =	shalt  }
0x67: {  	_ =	shalt  }
0x68: {  	_ =	shalt  }
0x69: {  	_ =	shalt  }
0x6a: {  	_ =	shalt  }
0x6b: {  	_ =	shalt  }
0x6c: {  	_ =	shalt  }
0x6d: {  	_ =	shalt  }
0x6e: {  	_ =	shalt  }
0x6f: {  	_ =	shalt  }
0x70: {  	_ =	shalt  }
0x71: {  	_ =	shalt  }
0x72: {  	_ =	shalt  }
0x73: {  	_ =	shalt  }
0x74: {  	_ =	shalt  }
0x75: {  	_ =	shalt  }
0x76: {  	_ =	shalt  }
0x77: {  	_ =	shalt  }
0x78: {  	_ =	shalt  }
0x79: {  	_ =	shalt  }
0x7a: {  	_ =	shalt  }
0x7b: {  	_ =	shalt  }
0x7c: {  	_ =	shalt  }
0x7d: {  	_ =	shalt  }
0x7e: {  	_ =	shalt  }
0x7f: {  	_ =	shalt  }
0x80: {  	_ =	shalt  }
0x81: {  	_ =	shalt  }
0x82: {  	_ =	shalt  }
0x83: {  	_ =	shalt  }
0x84: {  	_ =	shalt  }
0x85: {  	_ =	shalt  }
0x86: {  	_ =	shalt  }
0x87: {  	_ =	shalt  }
.Lfunc_end0:
.L_simem_size_0:
called_computation.1_lowered:
.L_overlay_start_0:
0x88: {  	s2 =	sld [smem:$0x3FD9]  }
0x89: {  	s3 =	sld [smem:$0x3FFE];
	_ =	sdelay $0x1  }
0x8a: {  	s1 =	srdreg.scid  }
0x8b: {  	s0 =	sand.u32 $0x1, s1  }
0x8c: {  	s17 =	sshll.u32 s0, $0xA;
	s2 =	sadd.s32 s3, s2  }
0x8d: {  	s2 =	sadd.s32 s2, s17  }
0x8e: {  	[smem:$0x3FC4] =	sst s2  }
0x8f: {  	_ = 	snop  }
0x90: {  	s2 =	sld [smem:$0x3FD0];
	(tm) =	ssettm $0x1  }
0x91: {  	s18 =	sld [smem:$0x3FFB];
	_ =	sdelay $0x3  }
0x92: {  	_ =	strace s18  }
0x93: {  	s3 =	sld [smem:$0x3FFC];
	_ =	sdelay $0x3  }
0x94: {  	_ =	strace s3  }
0x95: {  	s3 =	sld [smem:$0x3FFD];
	_ =	sdelay $0x3  }
0x96: {  	_ =	strace s3  }
0x97: {  	_ =	strace $0x8FFFFFFF  }
0x98: {  	s19 =	sld [smem:$0x3FDB];
	_ =	sdelay $0x1  }
0x99: {  	s4 =	simm.s32 $_scs_section_size  }
0x9a: {  	s5 =	simm.s32 $_size__tile_overlayer_lowered;
	s6 =	simm.s32 $_tile_overlayer_lowered  }
0x9b: {  	s22 =	simm.s32 $0x1BFF;
	s21 =	sshll.u32 s6, $0x1;
	s3 =	sadd.s32 s4, s19  }
0x9c: {  	s7 =	simm.s32 $0x0;
	s20 =	sshll.u32 s5, $0x1;
	s5 =	sadd.s32 s21, s3  }
0x9d: {  	[timem:s7], [sflag:s22] =	dma.local [hbm:s5], s20  }
0x9e: {  	_ =	swait.ge [sflag:s22], s20  }
0x9f: {  	s4 =	ssub.s32 $0x0, s20;
	[sflag:s22] =	ssyncset.done $0x0  }
0xa0: {  	[sflag:s22] =	ssyncadd.s32 s4;
	_ =	sdelay $0x1  }
0xa1: {  	s23 =	simm.s32 $0x1B8B  }
0xa2: {  	_ =	swait.ge [sflag:s23], $0x1  }
0xa3: {  	[sflag:s23] =	ssyncset.done $0x0  }
0xa4: {  	s25 =	simm.s32 $0x1B8E;
	s24 =	sld [smem:$0x3FFE];
	[sflag:s23] =	ssyncadd.s32 $0xFFFFFFFF  }
0xa5: {  	s26 =	simm.s32 $execute0_lowered;
	[smem:$0x3FD2] =	sst s25  }
0xa6: {  	s5 =	sshll.u32 s26, $0x1;
	_ =	strace $0x80000049;
	[dreg:$0x1] =	wrdreg $0xFFFFFFFF  }
0xa7: {  	s28 =	simm.s32 $_size_execute0_lowered;
	s3 =	sadd.s32 s3, s5;
	[dreg:$0x0] =	wrdreg $0x0  }
0xa8: {  	s5 =	sshll.u32 s28, $0x1;
	[dreg:$0x2] =	wrdreg s3  }
0xa9: {  	[dreg:$0x3] =	wrdreg s5  }
0xaa: {  	[dreg:$0x4] =	wrdreg $0xC0  }
0xab: {  	_ =	task [dreg:s7], $0x5FFFF  }
0xac: {  	[dreg:$0x1] =	wrdreg $0xFFFFFFFF  }
0xad: {  	[dreg:$0x0] =	wrdreg $0x60  }
0xae: {  	[dreg:$0x2] =	wrdreg s24  }
0xaf: {  	[dreg:$0x3] =	wrdreg s2  }
0xb0: {  	[dreg:$0x4] =	wrdreg $0x93000  }
0xb1: {  	[dreg:$0x5] =	wrdreg $0x1D3000  }
0xb2: {  	[dreg:$0x6] =	wrdreg $0x9  }
0xb3: {  	_ =	task.clear_ibuf [dreg:s7], $0x7FFFF;
	_ =	strace $0x90000049  }
0xb4: {  	s29 =	simm.s32 $0x9;
	_ =	strace $0x8000004B  }
0xb5: {  	_ =	swait.ge [sflag:s29], $0x1  }
0xb6: {  	[sflag:s29] =	ssyncadd.s32 $0xFFFFFFFF  }
0xb7: {  	_ =	strace $0x9000004B  }
0xb8: {  	_ =	sfence  }
0xb9: {  	s30 =	sld [smem:$0x0];
	_ =	sdelay $0x2  }
0xba: {  	s31 =	sshll.u32 s1, $0xD;
	s1 =	sshrl.u32 s1, $0x2  }
0xbb: {  	s3 =	sand.u32 $0x4000, s31;
	s1 =	sadd.s32 s1, s30  }
0xbc: {  	s0 =	sor.u32 s3, s0;
	s1 =	sshll.u32 s1, $0x11  }
0xbd: {  	s0 =	sor.u32 s1, s0  }
0xbe: {  	s0 =	sadd.s32 $0x8F2B, s0  }
0xbf: {  	[sflag:s0] =	ssyncadd.remote.s32 $0x1  }
0xc0: {  	_ =	sfence.sel $0xFFFF  }
0xc1: {  	[dreg:$0x0] =	wrdreg $0xFFFFFFFF;
	(pc) =	sbr.abs _section_cstart, $3  }
0xc2: {  	[dreg:$0x1] =	wrdreg $0xFFFFFFFF  }
0xc3: {  	_ =	task.clear_ibuf [dreg:s7], $0x2FFFF;
	_ =	strace $0x9FFFFFFF  }
0xc4: {  	(tm) =	ssettm $0x7FFFFFFF  }
0xc5: {  	_ =	shalt  }
tec
execute0_lowered:
.L_overlay_start_1:
0x0: {  	(tag) =	ssettag $0x1  }
0x1: {  	s4 =	rddreg [dreg:$0x0]  }
0x2: {  	s3 =	rddreg [dreg:$0x1]  }
0x3: {  	s1 =	rddreg [dreg:$0x2]  }
0x4: {  	s2 =	rddreg [dreg:$0x3];
	s0 =	simm.s32 $0x0  }
0x5: {  	s25 =	srdreg.scid;
	s16 =	stileid.u32;
	s29 =	simm.s32 $0x80  }
0x6: {  	s30 =	simm.s32 $0x1;
	[smem:$0x7FF] =	sst s0;
	s6 =	sand.u32 $0x1, s25  }
0x7: {  	s0 =	smul.u32 $0x500, s16;
	s5 =	sadd.s32 $0x2200, s4;
	s7 =	sadd.s32 $0x2A200, s4  }
0x8: {  	s8 =	sadd.s32 $0x2000, s4;
	s28 =	sadd.s32 $0x2AA00, s4;
	s10 =	smul.u32 $0x280, s16  }
0x9: {  	s13 =	smul.u32 $0x50000, s16;
	_ =	strace $0x8000004A;
	[dreg:$0x11] =	wrdreg s7  }
0xa: {  	s26 =	sshll.u32 s6, $0x7;
	[dreg:$0x12] =	wrdreg s8;
	s21 =	smul.u32 $0x140000, s6  }
0xb: {  	s9 =	ssub.s32 $0x2, s6;
	s12 =	sshll.u32 s6, $0x4;
	s6 =	smul.u32 $0x5000, s6  }
0xc: {  	s7 =	sor.u32 s26, s0;
	s11 =	sshrl.u32 s9, $0x1;
	s19 =	sshrl.u32 s13, $0x2  }
0xd: {  	s20 =	sshll.u32 s10, $0x7;
	s26 =	simm.s32 $0x180;
	s7 =	sshrl.u32 s7, $0x3  }
0xe: {  	s14 =	sadd.s32 $0x4000, s20;
	s15 =	sadd.s32 $0x8000, s20;
	s17 =	sadd.s32 s19, s1  }
0xf: {  	s22 =	sadd.s32 $0xC000, s20;
	[dreg:$0x5] =	wrdreg s26;
	s4 =	sadd.s32 s7, s4  }
0x10: {  	s7 =	ssub.s32 s9, s11;
	s9 =	sor.u32 s16, s12;
	s19 =	sadd.s32 s15, s1  }
0x11: {  	s12 =	sadd.s32 $0x10000, s20;
	s11 =	simm.s32 $0x280;
	[dreg:$0x13] =	wrdreg s17  }
0x12: {  	s23 =	sadd.s32 s21, s15;
	s15 =	simm.s32 $0x380;
	[dreg:$0x7] =	wrdreg s11  }
0x13: {  	s24 =	sadd.s32 s21, s22;
	s20 =	simm.s32 $0x500;
	[dreg:$0x9] =	wrdreg s15  }
0x14: {  	s31 =	sadd.s32 s22, s1;
	s22 =	simm.s32 $0x600;
	[dreg:$0xb] =	wrdreg s20  }
0x15: {  	s18 =	sadd.s32 s14, s1;
	s14 =	sadd.s32 s21, s14;
	[dreg:$0xd] =	wrdreg s22  }
0x16: {  	s16 =	smul.u32 $0x14000, s16;
	s14 =	sshrl.u32 s14, $0x3;
	[dreg:$0x14] =	wrdreg s18  }
0x17: {  	s13 =	sadd.s32 s21, s12;
	s25 =	sshrl.u32 s24, $0x3;
	[dreg:$0x15] =	wrdreg s19  }
0x18: {  	s9 =	smul.u32 $0x2800, s9;
	s4 =	sadd.s32 $0x7AA00, s4;
	[dreg:$0x1b] =	wrdreg s31  }
0x19: {  	s24 =	simm.s32 $0x680;
	s26 =	smax.u32 s7, $0x1;
	[smem:$0x7FC] =	sst s4  }
0x1a: {  	s7 =	simm.s32 $0x2;
	s11 =	simm.s32 $0x3;
	[dreg:$0xe] =	wrdreg s24  }
0x1b: {  	s16 =	sadd.s32 s16, s21;
	s14 =	sadd.s32 s28, s14;
	[smem:$0x7FD] =	sst s26  }
0x1c: {  	s13 =	sshrl.u32 s13, $0x3;
	s21 =	simm.s32 $0x580;
	[dreg:$0x17] =	wrdreg s14  }
0x1d: {  	s15 =	simm.s32 $0x4;
	s8 =	sadd.s32 s28, s13;
	[dreg:$0xc] =	wrdreg s21  }
0x1e: {  	s13 =	sadd.s32 s12, s1;
	s12 =	simm.s32 $0x300;
	[dreg:$0x1a] =	wrdreg s8  }
0x1f: {  	s24 =	simm.s32 $0x1000;
	s16 =	sshrl.u32 s16, $0x3;
	[dreg:$0x8] =	wrdreg s12  }
0x20: {  	s14 =	sshrl.u32 s23, $0x3;
	s16 =	sadd.s32 s28, s16;
	[dreg:$0x1c] =	wrdreg s13  }
0x21: {  	s9 =	sshrl.u32 s9, $0x3;
	s14 =	sadd.s32 s28, s14;
	[dreg:$0x16] =	wrdreg s16  }
0x22: {  	s4 =	simm.s32 $0x0;
	s9 =	sadd.s32 s3, s9;
	[dreg:$0x18] =	wrdreg s14  }
0x23: {  	s26 =	simm.s32 $0x400;
	s14 =	sadd.s32 s28, s25;
	[dreg:$0x1e] =	wrdreg s9  }
0x24: {  	s21 =	simm.s32 $0xF80;
	s28 =	simm.s32 $0x200;
	[dreg:$0x19] =	wrdreg s14  }
0x25: {  	s3 =	sadd.s32 s6, s3;
	s16 =	simm.s32 $0x480;
	[dreg:$0x6] =	wrdreg s28  }
0x26: {  	s6 =	simm.s32 $0x9000;
	s23 =	sadd.s32 $0xA000, s9;
	[dreg:$0xa] =	wrdreg s16  }
0x27: {  	s12 =	simm.s32 $0x6;
	s25 =	simm.s32 $0x700;
	[dreg:$0x1f] =	wrdreg s23  }
0x28: {  	s8 =	simm.s32 $0x5;
	s14 =	sadd.s32 s10, s2;
	[dreg:$0xf] =	wrdreg s25  }
0x29: {  	s28 =	simm.s32 $0x780;
	s23 =	sadd.s32 s0, s3;
	s0 =	simm.s32 $0xC00  }
0x2a: {  	s3 =	simm.s32 $0x5000;
	s25 =	simm.s32 $0xB00;
	[dreg:$0x10] =	wrdreg s28  }
0x2b: {  	v0 =	vimm.f32 $1.000000000e+00;
	s10 =	simm.s32 $0xE00;
	s16 =	simm.s32 $0xE80;
	[dreg:$0x1d] =	wrdreg s14  }
.LBB2_1:
0x2c: {  	[tilespmem:$0x9000] =	vst v0  }
0x2d: {  	[tilespmem:$0x9010] =	vst v0  }
0x2e: {  	[tilespmem:$0x9020] =	vst v0  }
0x2f: {  	[tilespmem:$0x9030] =	vst v0  }
0x30: {  	[tilespmem:$0x9040] =	vst v0  }
0x31: {  	[tilespmem:$0x9050] =	vst v0  }
0x32: {  	[smem:$0x7FB] =	sst s4;
	[tilespmem:$0x9060] =	vst v0  }
0x33: {  	[tilespmem:$0x9070] =	vst v0;
	s20 =	simm.s32 $0x0;
	s28 =	simm.s32 $0x7;
	s9 =	rddreg [dreg:$0x11]  }
0x34: {  	[tilespmem:s24], [sflag:$0x7] =	stream.linear.gather [hbm4b:s9+s20], $0x4000, $0x38;
	[tilespmem:$0x1D580] =	vst v63  }
0x35: {  	_ =	swait.ge [sflag:s28], $0x4000  }
0x36: {  	[sflag:s28] =	ssyncset.done $0x0  }
0x37: {  	[sflag:s28] =	ssyncadd.s32 $0xFFFFC000  }
0x38: {  	[spmem:s17] =	stream.linear.scatter [tilespmem:s24], [sflag:$0x7], $0x4000, $0x38;
	[tilespmem:$0x1D580] =	vst v63  }
0x39: {  	_ =	swait.ge [sflag:s28], $0x4000  }
0x3a: {  	[sflag:s28] =	ssyncset.done $0x0  }
0x3b: {  	[sflag:s28] =	ssyncadd.s32 $0xFFFFC000  }
0x3c: {  	[spmem:s18] =	stream.linear.scatter [tilespmem:s24], [sflag:$0x7], $0x4000, $0x38;
	[tilespmem:$0x1D580] =	vst v63  }
0x3d: {  	_ =	swait.ge [sflag:s28], $0x4000  }
0x3e: {  	[sflag:s28] =	ssyncset.done $0x0  }
0x3f: {  	[sflag:s28] =	ssyncadd.s32 $0xFFFFC000  }
0x40: {  	[spmem:s19] =	stream.linear.scatter [tilespmem:s24], [sflag:$0x7], $0x4000, $0x38;
	[tilespmem:$0x1D580] =	vst v63  }
0x41: {  	_ =	swait.ge [sflag:s28], $0x4000  }
0x42: {  	[sflag:s28] =	ssyncset.done $0x0  }
0x43: {  	[sflag:s28] =	ssyncadd.s32 $0xFFFFC000  }
0x44: {  	[spmem:s31] =	stream.linear.scatter [tilespmem:s24], [sflag:$0x7], $0x4000, $0x38;
	[tilespmem:$0x1D580] =	vst v63  }
0x45: {  	_ =	swait.ge [sflag:s28], $0x4000  }
0x46: {  	[sflag:s28] =	ssyncset.done $0x0  }
0x47: {  	[sflag:s28] =	ssyncadd.s32 $0xFFFFC000  }
0x48: {  	[spmem:s13] =	stream.linear.scatter [tilespmem:s24], [sflag:$0x7], $0x4000, $0x38;
	[tilespmem:$0x1D580] =	vst v63  }
0x49: {  	_ =	swait.ge [sflag:s28], $0x4000  }
0x4a: {  	[sflag:s28] =	ssyncset.done $0x0  }
0x4b: {  	s4 =	simm.s32 $0x9080;
	s9 =	rddreg [dreg:$0x12];
	[sflag:s28] =	ssyncadd.s32 $0xFFFFC000  }
0x4c: {  	[tilespmem:s4], [sflag:$0x7] =	stream.linear.gather [hbm4b:s9+s20], $0x280, $0x38;
	[tilespmem:$0x1D580] =	vst v63  }
0x4d: {  	_ =	swait.ge [sflag:s28], $0x280  }
0x4e: {  	[sflag:s28] =	ssyncset.done $0x0  }
0x4f: {  	s22 =	smov.u32 s14;
	[sflag:s28] =	ssyncadd.s32 $0xFFFFFD80  }
0x50: {  	[spmem:s22] =	stream.linear.scatter [tilespmem:s4], [sflag:$0x7], $0x280, $0x38;
	[tilespmem:$0x1D580] =	vst v63  }
0x51: {  	_ =	swait.ge [sflag:s28], $0x280  }
0x52: {  	[sflag:s28] =	ssyncset.done $0x0  }
0x53: {  	s13 =	rddreg [dreg:$0x1e];
	[sflag:s28] =	ssyncadd.s32 $0xFFFFFD80  }
0x54: {  	[tilespmem:s20], [sflag:$0x7] =	stream.linear.gather [hbm4b:s13+s20], $0x400, $0x38;
	[tilespmem:$0x1D580] =	vst v63  }
0x55: {  	_ =	swait.ge [sflag:s28], $0x400  }
0x56: {  	[sflag:s28] =	ssyncset.done $0x0  }
0x57: {  	s18 =	simm.s32 $0x800;
	s17 =	rddreg [dreg:$0x1f];
	[sflag:s28] =	ssyncadd.s32 $0xFFFFFC00  }
0x58: {  	[tilespmem:s18], [sflag:$0x7] =	stream.linear.gather [hbm4b:s17+s20], $0x400, $0x38;
	[tilespmem:$0x1D580] =	vst v63  }
0x59: {  	_ =	swait.ge [sflag:s28], $0x400  }
0x5a: {  	[sflag:s28] =	ssyncset.done $0x0  }
0x5b: {  	[sflag:s28] =	ssyncadd.s32 $0xFFFFFC00  }
0x5c: {  	[bflag:$0x0] =	sbarrier.arrive $0xFFFF  }
0x5d: {  	[tilespmem:s24], [sflag:$0x1] =	stream.indirect.gather [hbm4b:s5+s29], $0x80, s20, s29, $0xb8;
	[tilespmem:$0x1D580] =	vst v63  }
0x5e: {  	_ =	swait.ge [sflag:s30], $0x4000  }
0x5f: {  	p0 =	por $0x1, $0x1;
	[sflag:s30] =	ssyncset.done $0x0  }
0x60: {  	s14 =	simm.s32 @!p0 $0x4;
	[sflag:s30] =	ssyncadd.s32 $0xFFFFC000  }
0x61: {  	_ =	swait.ge @!p0 [sflag:s14], $0x4000  }
0x62: {  	[sflag:s14] =	ssyncset.done @!p0 $0x0  }
0x63: {  	[sflag:s14] =	ssyncadd.s32 @!p0 $0xFFFFC000;
	s14 =	simm.s32 @!p0 $0x6  }
0x64: {  	_ =	swait.ge @!p0 [sflag:s14], $0x80  }
0x65: {  	s28 =	sadd.s32 $0x0, s23;
	[sflag:s14] =	ssyncset.done @!p0 $0x0  }
0x66: {  	s9 =	simm.s32 $0x400;
	s19 =	sadd.s32 $0x80, s28;
	[sflag:s14] =	ssyncadd.s32 @!p0 $0xFFFFFF80  }
0x67: {  	[tilespmem:s9], [sflag:$0x5] =	stream.linear.gather [hbm4b:s19+s20], $0x400, $0x38;
	[tilespmem:$0x1D580] =	vst v63  }
0x68: {  	s22 =	sadd.s32 $0xA080, s28  }
0x69: {  	[tilespmem:s0], [sflag:$0x5] =	stream.linear.gather [hbm4b:s22+s20], $0x400, $0x38;
	[tilespmem:$0x1D580] =	vst v63  }
0x6a: {  	_ = 	snop  }
0x6b: {  	[tilespmem:s3], [sflag:$0x2] =	stream.indirect.gather [hbm4b:s5+s29], $0x80, s29, s29, $0xb8;
	[tilespmem:$0x1D580] =	vst v63  }
0x6c: {  	_ = 	snop  }
0x6d: {  	[spmem:s2] =	stream.indirect.scatter.add.f32 [tilespmem:s6], [sflag:$0x6], $0x1, s18, s29, $0xb8;
	[tilespmem:$0x1D580] =	vst v63  }
0x6e: {  	_ = 	snop  }
0x6f: {  	[spmem:s1] =	stream.indirect.scatter.add.f32 [tilespmem:s24], [sflag:$0x3], $0x80, s18, s29, $0xb8;
	[tilespmem:$0x1D580] =	vst v63  }
0x70: {  	_ =	swait.ge [sflag:s7], $0x4000  }
0x71: {  	[sflag:s7] =	ssyncset.done $0x0  }
0x72: {  	[sflag:s7] =	ssyncadd.s32 $0xFFFFC000  }
0x73: {  	_ =	swait.ge [sflag:s11], $0x4000  }
0x74: {  	[sflag:s11] =	ssyncset.done $0x0  }
0x75: {  	[sflag:s11] =	ssyncadd.s32 $0xFFFFC000  }
0x76: {  	_ =	swait.ge [sflag:s12], $0x80  }
0x77: {  	[sflag:s12] =	ssyncset.done $0x0  }
0x78: {  	s13 =	simm.s32 $0x100;
	[sflag:s12] =	ssyncadd.s32 $0xFFFFFF80  }
0x79: {  	[tilespmem:s24], [sflag:$0x1] =	stream.indirect.gather [hbm4b:s5+s29], $0x80, s13, s29, $0xb8;
	[tilespmem:$0x1D580] =	vst v63  }
0x7a: {  	s17 =	simm.s32 $0x880  }
0x7b: {  	[spmem:s2] =	stream.indirect.scatter.add.f32 [tilespmem:s6], [sflag:$0x6], $0x1, s17, s29, $0xb8;
	[tilespmem:$0x1D580] =	vst v63  }
0x7c: {  	_ = 	snop  }
0x7d: {  	[spmem:s1] =	stream.indirect.scatter.add.f32 [tilespmem:s3], [sflag:$0x4], $0x80, s17, s29, $0xb8;
	[tilespmem:$0x1D580] =	vst v63  }
0x7e: {  	_ =	swait.ge [sflag:s30], $0x4000  }
0x7f: {  	[sflag:s30] =	ssyncset.done $0x0  }
0x80: {  	[sflag:s30] =	ssyncadd.s32 $0xFFFFC000  }
0x81: {  	_ =	swait.ge [sflag:s15], $0x4000  }
0x82: {  	[sflag:s15] =	ssyncset.done $0x0  }
0x83: {  	[sflag:s15] =	ssyncadd.s32 $0xFFFFC000  }
0x84: {  	_ =	swait.ge [sflag:s12], $0x80  }
0x85: {  	[sflag:s12] =	ssyncset.done $0x0  }
0x86: {  	s18 =	rddreg [dreg:$0x5];
	[sflag:s12] =	ssyncadd.s32 $0xFFFFFF80  }
0x87: {  	[tilespmem:s3], [sflag:$0x2] =	stream.indirect.gather [hbm4b:s5+s29], $0x80, s18, s29, $0xb8;
	[tilespmem:$0x1D580] =	vst v63  }
0x88: {  	s19 =	simm.s32 $0x900  }
0x89: {  	[spmem:s2] =	stream.indirect.scatter.add.f32 [tilespmem:s6], [sflag:$0x6], $0x1, s19, s29, $0xb8;
	[tilespmem:$0x1D580] =	vst v63  }
0x8a: {  	_ = 	snop  }
0x8b: {  	[spmem:s1] =	stream.indirect.scatter.add.f32 [tilespmem:s24], [sflag:$0x3], $0x80, s19, s29, $0xb8;
	[tilespmem:$0x1D580] =	vst v63  }
0x8c: {  	_ =	swait.ge [sflag:s7], $0x4000  }
0x8d: {  	[sflag:s7] =	ssyncset.done $0x0  }
0x8e: {  	[sflag:s7] =	ssyncadd.s32 $0xFFFFC000  }
0x8f: {  	_ =	swait.ge [sflag:s11], $0x4000  }
0x90: {  	[sflag:s11] =	ssyncset.done $0x0  }
0x91: {  	[sflag:s11] =	ssyncadd.s32 $0xFFFFC000  }
0x92: {  	_ =	swait.ge [sflag:s12], $0x80  }
0x93: {  	[sflag:s12] =	ssyncset.done $0x0  }
0x94: {  	s20 =	rddreg [dreg:$0x6];
	[sflag:s12] =	ssyncadd.s32 $0xFFFFFF80  }
0x95: {  	[tilespmem:s24], [sflag:$0x1] =	stream.indirect.gather [hbm4b:s5+s29], $0x80, s20, s29, $0xb8;
	[tilespmem:$0x1D580] =	vst v63  }
0x96: {  	s22 =	simm.s32 $0x980  }
0x97: {  	[spmem:s2] =	stream.indirect.scatter.add.f32 [tilespmem:s6], [sflag:$0x6], $0x1, s22, s29, $0xb8;
	[tilespmem:$0x1D580] =	vst v63  }
0x98: {  	_ = 	snop  }
0x99: {  	[spmem:s1] =	stream.indirect.scatter.add.f32 [tilespmem:s3], [sflag:$0x4], $0x80, s22, s29, $0xb8;
	[tilespmem:$0x1D580] =	vst v63  }
0x9a: {  	_ =	swait.ge [sflag:s30], $0x4000  }
0x9b: {  	[sflag:s30] =	ssyncset.done $0x0  }
0x9c: {  	[sflag:s30] =	ssyncadd.s32 $0xFFFFC000  }
0x9d: {  	_ =	swait.ge [sflag:s15], $0x4000  }
0x9e: {  	[sflag:s15] =	ssyncset.done $0x0  }
0x9f: {  	[sflag:s15] =	ssyncadd.s32 $0xFFFFC000  }
0xa0: {  	_ =	swait.ge [sflag:s12], $0x80  }
0xa1: {  	[sflag:s12] =	ssyncset.done $0x0  }
0xa2: {  	s13 =	rddreg [dreg:$0x7];
	[sflag:s12] =	ssyncadd.s32 $0xFFFFFF80  }
0xa3: {  	[tilespmem:s3], [sflag:$0x2] =	stream.indirect.gather [hbm4b:s5+s29], $0x80, s13, s29, $0xb8;
	[tilespmem:$0x1D580] =	vst v63  }
0xa4: {  	s17 =	simm.s32 $0xA00  }
0xa5: {  	[spmem:s2] =	stream.indirect.scatter.add.f32 [tilespmem:s6], [sflag:$0x6], $0x1, s17, s29, $0xb8;
	[tilespmem:$0x1D580] =	vst v63  }
0xa6: {  	_ = 	snop  }
0xa7: {  	[spmem:s1] =	stream.indirect.scatter.add.f32 [tilespmem:s24], [sflag:$0x3], $0x80, s17, s29, $0xb8;
	[tilespmem:$0x1D580] =	vst v63  }
0xa8: {  	_ =	swait.ge [sflag:s7], $0x4000  }
0xa9: {  	[sflag:s7] =	ssyncset.done $0x0  }
0xaa: {  	[sflag:s7] =	ssyncadd.s32 $0xFFFFC000  }
0xab: {  	_ =	swait.ge [sflag:s11], $0x4000  }
0xac: {  	[sflag:s11] =	ssyncset.done $0x0  }
0xad: {  	[sflag:s11] =	ssyncadd.s32 $0xFFFFC000  }
0xae: {  	_ =	swait.ge [sflag:s12], $0x80  }
0xaf: {  	[sflag:s12] =	ssyncset.done $0x0  }
0xb0: {  	s18 =	rddreg [dreg:$0x8];
	[sflag:s12] =	ssyncadd.s32 $0xFFFFFF80  }
0xb1: {  	[tilespmem:s24], [sflag:$0x1] =	stream.indirect.gather [hbm4b:s5+s29], $0x80, s18, s29, $0xb8;
	[tilespmem:$0x1D580] =	vst v63  }
0xb2: {  	s19 =	simm.s32 $0xA80  }
0xb3: {  	[spmem:s2] =	stream.indirect.scatter.add.f32 [tilespmem:s6], [sflag:$0x6], $0x1, s19, s29, $0xb8;
	[tilespmem:$0x1D580] =	vst v63  }
0xb4: {  	_ = 	snop  }
0xb5: {  	[spmem:s1] =	stream.indirect.scatter.add.f32 [tilespmem:s3], [sflag:$0x4], $0x80, s19, s29, $0xb8;
	[tilespmem:$0x1D580] =	vst v63  }
0xb6: {  	_ =	swait.ge [sflag:s30], $0x4000  }
0xb7: {  	[sflag:s30] =	ssyncset.done $0x0  }
0xb8: {  	[sflag:s30] =	ssyncadd.s32 $0xFFFFC000  }
0xb9: {  	_ =	swait.ge [sflag:s15], $0x4000  }
0xba: {  	[sflag:s15] =	ssyncset.done $0x0  }
0xbb: {  	[sflag:s15] =	ssyncadd.s32 $0xFFFFC000  }
0xbc: {  	_ =	swait.ge [sflag:s12], $0x80  }
0xbd: {  	[sflag:s12] =	ssyncset.done $0x0  }
0xbe: {  	[sflag:s12] =	ssyncadd.s32 $0xFFFFFF80  }
0xbf: {  	_ =	swait.ge [sflag:s8], $0x400  }
0xc0: {  	[sflag:s8] =	ssyncset.done $0x0  }
0xc1: {  	[sflag:s8] =	ssyncadd.s32 $0xFFFFFC00  }
0xc2: {  	_ =	swait.ge [sflag:s8], $0x400  }
0xc3: {  	[sflag:s8] =	ssyncset.done $0x0  }
0xc4: {  	s20 =	rddreg [dreg:$0x9];
	[sflag:s8] =	ssyncadd.s32 $0xFFFFFC00  }
0xc5: {  	[tilespmem:s3], [sflag:$0x2] =	stream.indirect.gather [hbm4b:s5+s29], $0x80, s20, s29, $0xb8;
	[tilespmem:$0x1D580] =	vst v63  }
0xc6: {  	_ = 	snop  }
0xc7: {  	[spmem:s2] =	stream.indirect.scatter.add.f32 [tilespmem:s6], [sflag:$0x6], $0x1, s25, s29, $0xb8;
	[tilespmem:$0x1D580] =	vst v63  }
0xc8: {  	_ = 	snop  }
0xc9: {  	[spmem:s1] =	stream.indirect.scatter.add.f32 [tilespmem:s24], [sflag:$0x3], $0x80, s25, s29, $0xb8;
	[tilespmem:$0x1D580] =	vst v63  }
0xca: {  	_ =	swait.ge [sflag:s7], $0x4000  }
0xcb: {  	[sflag:s7] =	ssyncset.done $0x0  }
0xcc: {  	[sflag:s7] =	ssyncadd.s32 $0xFFFFC000  }
0xcd: {  	_ =	swait.ge [sflag:s11], $0x4000  }
0xce: {  	[sflag:s11] =	ssyncset.done $0x0  }
0xcf: {  	[sflag:s11] =	ssyncadd.s32 $0xFFFFC000  }
0xd0: {  	_ =	swait.ge [sflag:s12], $0x80  }
0xd1: {  	[sflag:s12] =	ssyncset.done $0x0  }
0xd2: {  	[sflag:s12] =	ssyncadd.s32 $0xFFFFFF80  }
0xd3: {  	[tilespmem:s24], [sflag:$0x1] =	stream.indirect.gather [hbm4b:s5+s29], $0x80, s9, s29, $0xb8;
	[tilespmem:$0x1D580] =	vst v63  }
0xd4: {  	s13 =	simm.s32 $0xB80  }
0xd5: {  	[spmem:s2] =	stream.indirect.scatter.add.f32 [tilespmem:s6], [sflag:$0x6], $0x1, s13, s29, $0xb8;
	[tilespmem:$0x1D580] =	vst v63  }
0xd6: {  	_ = 	snop  }
0xd7: {  	[spmem:s1] =	stream.indirect.scatter.add.f32 [tilespmem:s3], [sflag:$0x4], $0x80, s13, s29, $0xb8;
	[tilespmem:$0x1D580] =	vst v63  }
0xd8: {  	_ =	swait.ge [sflag:s30], $0x4000  }
0xd9: {  	[sflag:s30] =	ssyncset.done $0x0  }
0xda: {  	[sflag:s30] =	ssyncadd.s32 $0xFFFFC000  }
0xdb: {  	_ =	swait.ge [sflag:s15], $0x4000  }
0xdc: {  	[sflag:s15] =	ssyncset.done $0x0  }
0xdd: {  	[sflag:s15] =	ssyncadd.s32 $0xFFFFC000  }
0xde: {  	p0 =	por $0x0, $0x0;
	_ =	swait.ge [sflag:s12], $0x80  }
0xdf: {  	s28 =	sadd.s32 @!p0 $0x0, s23;
	[sflag:s12] =	ssyncset.done $0x0  }
0xe0: {  	s31 =	sadd.s32 @!p0 $0x100, s28;
	s18 =	simm.s32 @!p0 $0x0;
	[sflag:s12] =	ssyncadd.s32 $0xFFFFFF80  }
0xe1: {  	[tilespmem:s18], [sflag:$0x5] =	stream.linear.gather @!p0 [hbm4b:s31+s18], $0x400, $0x38;
	[tilespmem:$0x1D580] =	vst v63  }
0xe2: {  	s28 =	sadd.s32 @!p0 $0xA100, s28;
	s31 =	simm.s32 @!p0 $0x800  }
0xe3: {  	[tilespmem:s31], [sflag:$0x5] =	stream.linear.gather @!p0 [hbm4b:s28+s18], $0x400, $0x38;
	[tilespmem:$0x1D580] =	vst v63  }
0xe4: {  	s22 =	rddreg [dreg:$0xa]  }
0xe5: {  	[tilespmem:s3], [sflag:$0x2] =	stream.indirect.gather [hbm4b:s5+s29], $0x80, s22, s29, $0xb8;
	[tilespmem:$0x1D580] =	vst v63  }
0xe6: {  	_ = 	snop  }
0xe7: {  	[spmem:s2] =	stream.indirect.scatter.add.f32 [tilespmem:s6], [sflag:$0x6], $0x1, s0, s29, $0xb8;
	[tilespmem:$0x1D580] =	vst v63  }
0xe8: {  	_ = 	snop  }
0xe9: {  	[spmem:s1] =	stream.indirect.scatter.add.f32 [tilespmem:s24], [sflag:$0x3], $0x80, s0, s29, $0xb8;
	[tilespmem:$0x1D580] =	vst v63  }
0xea: {  	_ =	swait.ge [sflag:s7], $0x4000  }
0xeb: {  	[sflag:s7] =	ssyncset.done $0x0  }
0xec: {  	[sflag:s7] =	ssyncadd.s32 $0xFFFFC000  }
0xed: {  	_ =	swait.ge [sflag:s11], $0x4000  }
0xee: {  	[sflag:s11] =	ssyncset.done $0x0  }
0xef: {  	[sflag:s11] =	ssyncadd.s32 $0xFFFFC000  }
0xf0: {  	_ =	swait.ge [sflag:s12], $0x80  }
0xf1: {  	[sflag:s12] =	ssyncset.done $0x0  }
0xf2: {  	s4 =	rddreg [dreg:$0xb];
	[sflag:s12] =	ssyncadd.s32 $0xFFFFFF80  }
0xf3: {  	[tilespmem:s24], [sflag:$0x1] =	stream.indirect.gather [hbm4b:s5+s29], $0x80, s4, s29, $0xb8;
	[tilespmem:$0x1D580] =	vst v63  }
0xf4: {  	s4 =	simm.s32 $0xC80  }
0xf5: {  	[spmem:s2] =	stream.indirect.scatter.add.f32 [tilespmem:s6], [sflag:$0x6], $0x1, s4, s29, $0xb8;
	[tilespmem:$0x1D580] =	vst v63  }
0xf6: {  	_ = 	snop  }
0xf7: {  	[spmem:s1] =	stream.indirect.scatter.add.f32 [tilespmem:s3], [sflag:$0x4], $0x80, s4, s29, $0xb8;
	[tilespmem:$0x1D580] =	vst v63  }
0xf8: {  	_ =	swait.ge [sflag:s30], $0x4000  }
0xf9: {  	[sflag:s30] =	ssyncset.done $0x0  }
0xfa: {  	[sflag:s30] =	ssyncadd.s32 $0xFFFFC000  }
0xfb: {  	_ =	swait.ge [sflag:s15], $0x4000  }
0xfc: {  	[sflag:s15] =	ssyncset.done $0x0  }
0xfd: {  	[sflag:s15] =	ssyncadd.s32 $0xFFFFC000  }
0xfe: {  	_ =	swait.ge [sflag:s12], $0x80  }
0xff: {  	[sflag:s12] =	ssyncset.done $0x0  }
0x100: {  	s9 =	rddreg [dreg:$0xc];
	[sflag:s12] =	ssyncadd.s32 $0xFFFFFF80  }
0x101: {  	[tilespmem:s3], [sflag:$0x2] =	stream.indirect.gather [hbm4b:s5+s29], $0x80, s9, s29, $0xb8;
	[tilespmem:$0x1D580] =	vst v63  }
0x102: {  	s19 =	simm.s32 $0xD00  }
0x103: {  	[spmem:s2] =	stream.indirect.scatter.add.f32 [tilespmem:s6], [sflag:$0x6], $0x1, s19, s29, $0xb8;
	[tilespmem:$0x1D580] =	vst v63  }
0x104: {  	_ = 	snop  }
0x105: {  	[spmem:s1] =	stream.indirect.scatter.add.f32 [tilespmem:s24], [sflag:$0x3], $0x80, s19, s29, $0xb8;
	[tilespmem:$0x1D580] =	vst v63  }
0x106: {  	_ =	swait.ge [sflag:s7], $0x4000  }
0x107: {  	[sflag:s7] =	ssyncset.done $0x0  }
0x108: {  	[sflag:s7] =	ssyncadd.s32 $0xFFFFC000  }
0x109: {  	_ =	swait.ge [sflag:s11], $0x4000  }
0x10a: {  	[sflag:s11] =	ssyncset.done $0x0  }
0x10b: {  	[sflag:s11] =	ssyncadd.s32 $0xFFFFC000  }
0x10c: {  	_ =	swait.ge [sflag:s12], $0x80  }
0x10d: {  	[sflag:s12] =	ssyncset.done $0x0  }
0x10e: {  	s17 =	rddreg [dreg:$0xd];
	[sflag:s12] =	ssyncadd.s32 $0xFFFFFF80  }
0x10f: {  	[tilespmem:s24], [sflag:$0x1] =	stream.indirect.gather [hbm4b:s5+s29], $0x80, s17, s29, $0xb8;
	[tilespmem:$0x1D580] =	vst v63  }
0x110: {  	s9 =	simm.s32 $0xD80  }
0x111: {  	[spmem:s2] =	stream.indirect.scatter.add.f32 [tilespmem:s6], [sflag:$0x6], $0x1, s9, s29, $0xb8;
	[tilespmem:$0x1D580] =	vst v63  }
0x112: {  	_ = 	snop  }
0x113: {  	[spmem:s1] =	stream.indirect.scatter.add.f32 [tilespmem:s3], [sflag:$0x4], $0x80, s9, s29, $0xb8;
	[tilespmem:$0x1D580] =	vst v63  }
0x114: {  	_ =	swait.ge [sflag:s30], $0x4000  }
0x115: {  	[sflag:s30] =	ssyncset.done $0x0  }
0x116: {  	[sflag:s30] =	ssyncadd.s32 $0xFFFFC000  }
0x117: {  	_ =	swait.ge [sflag:s15], $0x4000  }
0x118: {  	[sflag:s15] =	ssyncset.done $0x0  }
0x119: {  	[sflag:s15] =	ssyncadd.s32 $0xFFFFC000  }
0x11a: {  	_ =	swait.ge [sflag:s12], $0x80  }
0x11b: {  	[sflag:s12] =	ssyncset.done $0x0  }
0x11c: {  	s20 =	rddreg [dreg:$0xe];
	[sflag:s12] =	ssyncadd.s32 $0xFFFFFF80  }
0x11d: {  	[tilespmem:s3], [sflag:$0x2] =	stream.indirect.gather [hbm4b:s5+s29], $0x80, s20, s29, $0xb8;
	[tilespmem:$0x1D580] =	vst v63  }
0x11e: {  	_ = 	snop  }
0x11f: {  	[spmem:s2] =	stream.indirect.scatter.add.f32 [tilespmem:s6], [sflag:$0x6], $0x1, s10, s29, $0xb8;
	[tilespmem:$0x1D580] =	vst v63  }
0x120: {  	_ = 	snop  }
0x121: {  	[spmem:s1] =	stream.indirect.scatter.add.f32 [tilespmem:s24], [sflag:$0x3], $0x80, s10, s29, $0xb8;
	[tilespmem:$0x1D580] =	vst v63  }
0x122: {  	_ =	swait.ge [sflag:s7], $0x4000  }
0x123: {  	[sflag:s7] =	ssyncset.done $0x0  }
0x124: {  	[sflag:s7] =	ssyncadd.s32 $0xFFFFC000  }
0x125: {  	_ =	swait.ge [sflag:s11], $0x4000  }
0x126: {  	[sflag:s11] =	ssyncset.done $0x0  }
0x127: {  	[sflag:s11] =	ssyncadd.s32 $0xFFFFC000  }
0x128: {  	_ =	swait.ge [sflag:s12], $0x80  }
0x129: {  	[sflag:s12] =	ssyncset.done $0x0  }
0x12a: {  	s22 =	rddreg [dreg:$0xf];
	[sflag:s12] =	ssyncadd.s32 $0xFFFFFF80  }
0x12b: {  	[tilespmem:s24], [sflag:$0x1] =	stream.indirect.gather [hbm4b:s5+s29], $0x80, s22, s29, $0xb8;
	[tilespmem:$0x1D580] =	vst v63  }
0x12c: {  	_ = 	snop  }
0x12d: {  	[spmem:s2] =	stream.indirect.scatter.add.f32 [tilespmem:s6], [sflag:$0x6], $0x1, s16, s29, $0xb8;
	[tilespmem:$0x1D580] =	vst v63  }
0x12e: {  	_ = 	snop  }
0x12f: {  	[spmem:s1] =	stream.indirect.scatter.add.f32 [tilespmem:s3], [sflag:$0x4], $0x80, s16, s29, $0xb8;
	[tilespmem:$0x1D580] =	vst v63  }
0x130: {  	_ =	swait.ge [sflag:s30], $0x4000  }
0x131: {  	[sflag:s30] =	ssyncset.done $0x0  }
0x132: {  	[sflag:s30] =	ssyncadd.s32 $0xFFFFC000  }
0x133: {  	_ =	swait.ge [sflag:s15], $0x4000  }
0x134: {  	[sflag:s15] =	ssyncset.done $0x0  }
0x135: {  	[sflag:s15] =	ssyncadd.s32 $0xFFFFC000  }
0x136: {  	_ =	swait.ge [sflag:s12], $0x80  }
0x137: {  	[sflag:s12] =	ssyncset.done $0x0  }
0x138: {  	s14 =	simm.s32 @!p0 $0x5;
	[sflag:s12] =	ssyncadd.s32 $0xFFFFFF80  }
0x139: {  	_ =	swait.ge @!p0 [sflag:s14], $0x400  }
0x13a: {  	[sflag:s14] =	ssyncset.done @!p0 $0x0  }
0x13b: {  	[sflag:s14] =	ssyncadd.s32 @!p0 $0xFFFFFC00  }
0x13c: {  	_ =	swait.ge @!p0 [sflag:s14], $0x400  }
0x13d: {  	[sflag:s14] =	ssyncset.done @!p0 $0x0  }
0x13e: {  	s28 =	rddreg [dreg:$0x10];
	[sflag:s14] =	ssyncadd.s32 @!p0 $0xFFFFFC00  }
0x13f: {  	[tilespmem:s3], [sflag:$0x2] =	stream.indirect.gather [hbm4b:s5+s29], $0x80, s28, s29, $0xb8;
	[tilespmem:$0x1D580] =	vst v63  }
0x140: {  	s17 =	simm.s32 $0xF00  }
0x141: {  	[spmem:s2] =	stream.indirect.scatter.add.f32 [tilespmem:s6], [sflag:$0x6], $0x1, s17, s29, $0xb8;
	[tilespmem:$0x1D580] =	vst v63  }
0x142: {  	_ = 	snop  }
0x143: {  	[spmem:s1] =	stream.indirect.scatter.add.f32 [tilespmem:s24], [sflag:$0x3], $0x80, s17, s29, $0xb8;
	[tilespmem:$0x1D580] =	vst v63  }
0x144: {  	_ =	swait.ge [sflag:s7], $0x4000  }
0x145: {  	[sflag:s7] =	ssyncset.done $0x0  }
0x146: {  	[sflag:s7] =	ssyncadd.s32 $0xFFFFC000  }
0x147: {  	_ =	swait.ge [sflag:s11], $0x4000  }
0x148: {  	[sflag:s11] =	ssyncset.done $0x0  }
0x149: {  	[sflag:s11] =	ssyncadd.s32 $0xFFFFC000  }
0x14a: {  	_ =	swait.ge [sflag:s12], $0x80  }
0x14b: {  	[sflag:s12] =	ssyncset.done $0x0  }
0x14c: {  	s14 =	simm.s32 @!p0 $0x1000;
	s28 =	simm.s32 @!p0 $0x80;
	[sflag:s12] =	ssyncadd.s32 $0xFFFFFF80  }
0x14d: {  	[tilespmem:s14], [sflag:$0x1] =	stream.indirect.gather @!p0 [hbm4b:s5+s28], $0x80, s18, s28, $0xb8;
	[tilespmem:$0x1D580] =	vst v63  }
0x14e: {  	s31 =	simm.s32 $0x1;
	s28 =	simm.s32 $0x100  }
0x14f: {  	[spmem:s2] =	stream.indirect.scatter.add.f32 [tilespmem:s6], [sflag:$0x6], $0x1, s21, s29, $0xb8;
	[tilespmem:$0x1D580] =	vst v63  }
.LBB2_2:
0x150: {  	s18 =	simm.s32 $0xF80  }
0x151: {  	[spmem:s1] =	stream.indirect.scatter.add.f32 [tilespmem:s3], [sflag:$0x4], $0x80, s18, s29, $0xb8;
	[tilespmem:$0x1D580] =	vst v63  }
0x152: {  	s14 =	smov.u32 s28;
	_ =	swait.ge [sflag:s30], $0x4000  }
0x153: {  	p1 =	seq.s32 s14, $0x0;
	[sflag:s30] =	ssyncset.done $0x0  }
0x154: {  	s20 =	simm.s32 @!p1 $0x4;
	[sflag:s30] =	ssyncadd.s32 $0xFFFFC000  }
0x155: {  	_ =	swait.ge @!p1 [sflag:s20], $0x4000  }
0x156: {  	[sflag:s20] =	ssyncset.done @!p1 $0x0  }
0x157: {  	[sflag:s20] =	ssyncadd.s32 @!p1 $0xFFFFC000;
	s20 =	simm.s32 @!p1 $0x6  }
0x158: {  	_ =	swait.ge @!p1 [sflag:s20], $0x80  }
0x159: {  	s21 =	sadd.s32 s14, s23;
	[sflag:s20] =	ssyncset.done @!p1 $0x0  }
0x15a: {  	s22 =	simm.s32 $0x0;
	[sflag:s20] =	ssyncadd.s32 @!p1 $0xFFFFFF80;
	s20 =	sadd.s32 $0x80, s21  }
0x15b: {  	[tilespmem:s26], [sflag:$0x5] =	stream.linear.gather [hbm4b:s20+s22], $0x400, $0x38;
	[tilespmem:$0x1D580] =	vst v63  }
0x15c: {  	s21 =	sadd.s32 $0xA080, s21  }
0x15d: {  	[tilespmem:s0], [sflag:$0x5] =	stream.linear.gather [hbm4b:s21+s22], $0x400, $0x38;
	[tilespmem:$0x1D580] =	vst v63  }
0x15e: {  	_ = 	snop  }
0x15f: {  	[tilespmem:s3], [sflag:$0x2] =	stream.indirect.gather [hbm4b:s5+s29], $0x80, s29, s29, $0xb8;
	[tilespmem:$0x1D580] =	vst v63  }
0x160: {  	s21 =	simm.s32 $0x800  }
0x161: {  	[spmem:s2] =	stream.indirect.scatter.add.f32 [tilespmem:s6], [sflag:$0x6], $0x1, s21, s29, $0xb8;
	[tilespmem:$0x1D580] =	vst v63  }
0x162: {  	_ = 	snop  }
0x163: {  	[spmem:s1] =	stream.indirect.scatter.add.f32 [tilespmem:s24], [sflag:$0x3], $0x80, s21, s29, $0xb8;
	[tilespmem:$0x1D580] =	vst v63  }
0x164: {  	_ =	swait.ge [sflag:s7], $0x4000  }
0x165: {  	[sflag:s7] =	ssyncset.done $0x0  }
0x166: {  	[sflag:s7] =	ssyncadd.s32 $0xFFFFC000  }
0x167: {  	_ =	swait.ge [sflag:s11], $0x4000  }
0x168: {  	[sflag:s11] =	ssyncset.done $0x0  }
0x169: {  	[sflag:s11] =	ssyncadd.s32 $0xFFFFC000  }
0x16a: {  	_ =	swait.ge [sflag:s12], $0x80  }
0x16b: {  	[sflag:s12] =	ssyncset.done $0x0  }
0x16c: {  	s22 =	simm.s32 $0x100;
	[sflag:s12] =	ssyncadd.s32 $0xFFFFFF80  }
0x16d: {  	[tilespmem:s24], [sflag:$0x1] =	stream.indirect.gather [hbm4b:s5+s29], $0x80, s22, s29, $0xb8;
	[tilespmem:$0x1D580] =	vst v63  }
0x16e: {  	s21 =	simm.s32 $0x880  }
0x16f: {  	[spmem:s2] =	stream.indirect.scatter.add.f32 [tilespmem:s6], [sflag:$0x6], $0x1, s21, s29, $0xb8;
	[tilespmem:$0x1D580] =	vst v63  }
0x170: {  	_ = 	snop  }
0x171: {  	[spmem:s1] =	stream.indirect.scatter.add.f32 [tilespmem:s3], [sflag:$0x4], $0x80, s21, s29, $0xb8;
	[tilespmem:$0x1D580] =	vst v63  }
0x172: {  	_ =	swait.ge [sflag:s30], $0x4000  }
0x173: {  	[sflag:s30] =	ssyncset.done $0x0  }
0x174: {  	[sflag:s30] =	ssyncadd.s32 $0xFFFFC000  }
0x175: {  	_ =	swait.ge [sflag:s15], $0x4000  }
0x176: {  	[sflag:s15] =	ssyncset.done $0x0  }
0x177: {  	[sflag:s15] =	ssyncadd.s32 $0xFFFFC000  }
0x178: {  	_ =	swait.ge [sflag:s12], $0x80  }
0x179: {  	[sflag:s12] =	ssyncset.done $0x0  }
0x17a: {  	s22 =	rddreg [dreg:$0x5];
	[sflag:s12] =	ssyncadd.s32 $0xFFFFFF80  }
0x17b: {  	[tilespmem:s3], [sflag:$0x2] =	stream.indirect.gather [hbm4b:s5+s29], $0x80, s22, s29, $0xb8;
	[tilespmem:$0x1D580] =	vst v63  }
0x17c: {  	s21 =	simm.s32 $0x900  }
0x17d: {  	[spmem:s2] =	stream.indirect.scatter.add.f32 [tilespmem:s6], [sflag:$0x6], $0x1, s21, s29, $0xb8;
	[tilespmem:$0x1D580] =	vst v63  }
0x17e: {  	_ = 	snop  }
0x17f: {  	[spmem:s1] =	stream.indirect.scatter.add.f32 [tilespmem:s24], [sflag:$0x3], $0x80, s21, s29, $0xb8;
	[tilespmem:$0x1D580] =	vst v63  }
0x180: {  	_ =	swait.ge [sflag:s7], $0x4000  }
0x181: {  	[sflag:s7] =	ssyncset.done $0x0  }
0x182: {  	[sflag:s7] =	ssyncadd.s32 $0xFFFFC000  }
0x183: {  	_ =	swait.ge [sflag:s11], $0x4000  }
0x184: {  	[sflag:s11] =	ssyncset.done $0x0  }
0x185: {  	[sflag:s11] =	ssyncadd.s32 $0xFFFFC000  }
0x186: {  	_ =	swait.ge [sflag:s12], $0x80  }
0x187: {  	[sflag:s12] =	ssyncset.done $0x0  }
0x188: {  	s22 =	rddreg [dreg:$0x6];
	[sflag:s12] =	ssyncadd.s32 $0xFFFFFF80  }
0x189: {  	[tilespmem:s24], [sflag:$0x1] =	stream.indirect.gather [hbm4b:s5+s29], $0x80, s22, s29, $0xb8;
	[tilespmem:$0x1D580] =	vst v63  }
0x18a: {  	s21 =	simm.s32 $0x980  }
0x18b: {  	[spmem:s2] =	stream.indirect.scatter.add.f32 [tilespmem:s6], [sflag:$0x6], $0x1, s21, s29, $0xb8;
	[tilespmem:$0x1D580] =	vst v63  }
0x18c: {  	_ = 	snop  }
0x18d: {  	[spmem:s1] =	stream.indirect.scatter.add.f32 [tilespmem:s3], [sflag:$0x4], $0x80, s21, s29, $0xb8;
	[tilespmem:$0x1D580] =	vst v63  }
0x18e: {  	_ =	swait.ge [sflag:s30], $0x4000  }
0x18f: {  	[sflag:s30] =	ssyncset.done $0x0  }
0x190: {  	[sflag:s30] =	ssyncadd.s32 $0xFFFFC000  }
0x191: {  	_ =	swait.ge [sflag:s15], $0x4000  }
0x192: {  	[sflag:s15] =	ssyncset.done $0x0  }
0x193: {  	[sflag:s15] =	ssyncadd.s32 $0xFFFFC000  }
0x194: {  	_ =	swait.ge [sflag:s12], $0x80  }
0x195: {  	[sflag:s12] =	ssyncset.done $0x0  }
0x196: {  	s22 =	rddreg [dreg:$0x7];
	[sflag:s12] =	ssyncadd.s32 $0xFFFFFF80  }
0x197: {  	[tilespmem:s3], [sflag:$0x2] =	stream.indirect.gather [hbm4b:s5+s29], $0x80, s22, s29, $0xb8;
	[tilespmem:$0x1D580] =	vst v63  }
0x198: {  	s21 =	simm.s32 $0xA00  }
0x199: {  	[spmem:s2] =	stream.indirect.scatter.add.f32 [tilespmem:s6], [sflag:$0x6], $0x1, s21, s29, $0xb8;
	[tilespmem:$0x1D580] =	vst v63  }
0x19a: {  	_ = 	snop  }
0x19b: {  	[spmem:s1] =	stream.indirect.scatter.add.f32 [tilespmem:s24], [sflag:$0x3], $0x80, s21, s29, $0xb8;
	[tilespmem:$0x1D580] =	vst v63  }
0x19c: {  	_ =	swait.ge [sflag:s7], $0x4000  }
0x19d: {  	[sflag:s7] =	ssyncset.done $0x0  }
0x19e: {  	[sflag:s7] =	ssyncadd.s32 $0xFFFFC000  }
0x19f: {  	_ =	swait.ge [sflag:s11], $0x4000  }
0x1a0: {  	[sflag:s11] =	ssyncset.done $0x0  }
0x1a1: {  	[sflag:s11] =	ssyncadd.s32 $0xFFFFC000  }
0x1a2: {  	_ =	swait.ge [sflag:s12], $0x80  }
0x1a3: {  	[sflag:s12] =	ssyncset.done $0x0  }
0x1a4: {  	s22 =	rddreg [dreg:$0x8];
	[sflag:s12] =	ssyncadd.s32 $0xFFFFFF80  }
0x1a5: {  	[tilespmem:s24], [sflag:$0x1] =	stream.indirect.gather [hbm4b:s5+s29], $0x80, s22, s29, $0xb8;
	[tilespmem:$0x1D580] =	vst v63  }
0x1a6: {  	s21 =	simm.s32 $0xA80  }
0x1a7: {  	[spmem:s2] =	stream.indirect.scatter.add.f32 [tilespmem:s6], [sflag:$0x6], $0x1, s21, s29, $0xb8;
	[tilespmem:$0x1D580] =	vst v63  }
0x1a8: {  	_ = 	snop  }
0x1a9: {  	[spmem:s1] =	stream.indirect.scatter.add.f32 [tilespmem:s3], [sflag:$0x4], $0x80, s21, s29, $0xb8;
	[tilespmem:$0x1D580] =	vst v63  }
0x1aa: {  	_ =	swait.ge [sflag:s30], $0x4000  }
0x1ab: {  	[sflag:s30] =	ssyncset.done $0x0  }
0x1ac: {  	[sflag:s30] =	ssyncadd.s32 $0xFFFFC000  }
0x1ad: {  	_ =	swait.ge [sflag:s15], $0x4000  }
0x1ae: {  	[sflag:s15] =	ssyncset.done $0x0  }
0x1af: {  	[sflag:s15] =	ssyncadd.s32 $0xFFFFC000  }
0x1b0: {  	_ =	swait.ge [sflag:s12], $0x80  }
0x1b1: {  	[sflag:s12] =	ssyncset.done $0x0  }
0x1b2: {  	[sflag:s12] =	ssyncadd.s32 $0xFFFFFF80  }
0x1b3: {  	_ =	swait.ge [sflag:s8], $0x400  }
0x1b4: {  	[sflag:s8] =	ssyncset.done $0x0  }
0x1b5: {  	[sflag:s8] =	ssyncadd.s32 $0xFFFFFC00  }
0x1b6: {  	_ =	swait.ge [sflag:s8], $0x400  }
0x1b7: {  	[sflag:s8] =	ssyncset.done $0x0  }
0x1b8: {  	s22 =	rddreg [dreg:$0x9];
	[sflag:s8] =	ssyncadd.s32 $0xFFFFFC00  }
0x1b9: {  	[tilespmem:s3], [sflag:$0x2] =	stream.indirect.gather [hbm4b:s5+s29], $0x80, s22, s29, $0xb8;
	[tilespmem:$0x1D580] =	vst v63  }
0x1ba: {  	_ = 	snop  }
0x1bb: {  	[spmem:s2] =	stream.indirect.scatter.add.f32 [tilespmem:s6], [sflag:$0x6], $0x1, s25, s29, $0xb8;
	[tilespmem:$0x1D580] =	vst v63  }
0x1bc: {  	_ = 	snop  }
0x1bd: {  	[spmem:s1] =	stream.indirect.scatter.add.f32 [tilespmem:s24], [sflag:$0x3], $0x80, s25, s29, $0xb8;
	[tilespmem:$0x1D580] =	vst v63  }
0x1be: {  	_ =	swait.ge [sflag:s7], $0x4000  }
0x1bf: {  	[sflag:s7] =	ssyncset.done $0x0  }
0x1c0: {  	[sflag:s7] =	ssyncadd.s32 $0xFFFFC000  }
0x1c1: {  	_ =	swait.ge [sflag:s11], $0x4000  }
0x1c2: {  	[sflag:s11] =	ssyncset.done $0x0  }
0x1c3: {  	[sflag:s11] =	ssyncadd.s32 $0xFFFFC000  }
0x1c4: {  	_ =	swait.ge [sflag:s12], $0x80  }
0x1c5: {  	[sflag:s12] =	ssyncset.done $0x0  }
0x1c6: {  	[sflag:s12] =	ssyncadd.s32 $0xFFFFFF80  }
0x1c7: {  	[tilespmem:s24], [sflag:$0x1] =	stream.indirect.gather [hbm4b:s5+s29], $0x80, s26, s29, $0xb8;
	[tilespmem:$0x1D580] =	vst v63  }
0x1c8: {  	_ = 	snop  }
0x1c9: {  	[spmem:s2] =	stream.indirect.scatter.add.f32 [tilespmem:s6], [sflag:$0x6], $0x1, s13, s29, $0xb8;
	[tilespmem:$0x1D580] =	vst v63  }
0x1ca: {  	_ = 	snop  }
0x1cb: {  	[spmem:s1] =	stream.indirect.scatter.add.f32 [tilespmem:s3], [sflag:$0x4], $0x80, s13, s29, $0xb8;
	[tilespmem:$0x1D580] =	vst v63  }
0x1cc: {  	_ =	swait.ge [sflag:s30], $0x4000  }
0x1cd: {  	[sflag:s30] =	ssyncset.done $0x0  }
0x1ce: {  	[sflag:s30] =	ssyncadd.s32 $0xFFFFC000  }
0x1cf: {  	_ =	swait.ge [sflag:s15], $0x4000  }
0x1d0: {  	[sflag:s15] =	ssyncset.done $0x0  }
0x1d1: {  	[sflag:s15] =	ssyncadd.s32 $0xFFFFC000  }
0x1d2: {  	p1 =	sgt.u32 s31, $0x3;
	_ =	swait.ge [sflag:s12], $0x80  }
0x1d3: {  	s20 =	sadd.s32 @!p1 s14, s23;
	[sflag:s12] =	ssyncset.done $0x0  }
0x1d4: {  	s14 =	simm.s32 @!p1 $0x0;
	s21 =	sadd.s32 @!p1 $0x100, s20;
	[sflag:s12] =	ssyncadd.s32 $0xFFFFFF80  }
0x1d5: {  	[tilespmem:s14], [sflag:$0x5] =	stream.linear.gather @!p1 [hbm4b:s21+s14], $0x400, $0x38;
	[tilespmem:$0x1D580] =	vst v63  }
0x1d6: {  	s20 =	sadd.s32 @!p1 $0xA100, s20;
	s21 =	simm.s32 @!p1 $0x800  }
0x1d7: {  	[tilespmem:s21], [sflag:$0x5] =	stream.linear.gather @!p1 [hbm4b:s20+s14], $0x400, $0x38;
	[tilespmem:$0x1D580] =	vst v63  }
0x1d8: {  	s22 =	rddreg [dreg:$0xa]  }
0x1d9: {  	[tilespmem:s3], [sflag:$0x2] =	stream.indirect.gather [hbm4b:s5+s29], $0x80, s22, s29, $0xb8;
	[tilespmem:$0x1D580] =	vst v63  }
0x1da: {  	_ = 	snop  }
0x1db: {  	[spmem:s2] =	stream.indirect.scatter.add.f32 [tilespmem:s6], [sflag:$0x6], $0x1, s0, s29, $0xb8;
	[tilespmem:$0x1D580] =	vst v63  }
0x1dc: {  	_ = 	snop  }
0x1dd: {  	[spmem:s1] =	stream.indirect.scatter.add.f32 [tilespmem:s24], [sflag:$0x3], $0x80, s0, s29, $0xb8;
	[tilespmem:$0x1D580] =	vst v63  }
0x1de: {  	_ =	swait.ge [sflag:s7], $0x4000  }
0x1df: {  	[sflag:s7] =	ssyncset.done $0x0  }
0x1e0: {  	[sflag:s7] =	ssyncadd.s32 $0xFFFFC000  }
0x1e1: {  	_ =	swait.ge [sflag:s11], $0x4000  }
0x1e2: {  	[sflag:s11] =	ssyncset.done $0x0  }
0x1e3: {  	[sflag:s11] =	ssyncadd.s32 $0xFFFFC000  }
0x1e4: {  	_ =	swait.ge [sflag:s12], $0x80  }
0x1e5: {  	[sflag:s12] =	ssyncset.done $0x0  }
0x1e6: {  	s21 =	rddreg [dreg:$0xb];
	[sflag:s12] =	ssyncadd.s32 $0xFFFFFF80  }
0x1e7: {  	[tilespmem:s24], [sflag:$0x1] =	stream.indirect.gather [hbm4b:s5+s29], $0x80, s21, s29, $0xb8;
	[tilespmem:$0x1D580] =	vst v63  }
0x1e8: {  	_ = 	snop  }
0x1e9: {  	[spmem:s2] =	stream.indirect.scatter.add.f32 [tilespmem:s6], [sflag:$0x6], $0x1, s4, s29, $0xb8;
	[tilespmem:$0x1D580] =	vst v63  }
0x1ea: {  	_ = 	snop  }
0x1eb: {  	[spmem:s1] =	stream.indirect.scatter.add.f32 [tilespmem:s3], [sflag:$0x4], $0x80, s4, s29, $0xb8;
	[tilespmem:$0x1D580] =	vst v63  }
0x1ec: {  	_ =	swait.ge [sflag:s30], $0x4000  }
0x1ed: {  	[sflag:s30] =	ssyncset.done $0x0  }
0x1ee: {  	[sflag:s30] =	ssyncadd.s32 $0xFFFFC000  }
0x1ef: {  	_ =	swait.ge [sflag:s15], $0x4000  }
0x1f0: {  	[sflag:s15] =	ssyncset.done $0x0  }
0x1f1: {  	[sflag:s15] =	ssyncadd.s32 $0xFFFFC000  }
0x1f2: {  	_ =	swait.ge [sflag:s12], $0x80  }
0x1f3: {  	[sflag:s12] =	ssyncset.done $0x0  }
0x1f4: {  	s22 =	rddreg [dreg:$0xc];
	[sflag:s12] =	ssyncadd.s32 $0xFFFFFF80  }
0x1f5: {  	[tilespmem:s3], [sflag:$0x2] =	stream.indirect.gather [hbm4b:s5+s29], $0x80, s22, s29, $0xb8;
	[tilespmem:$0x1D580] =	vst v63  }
0x1f6: {  	_ = 	snop  }
0x1f7: {  	[spmem:s2] =	stream.indirect.scatter.add.f32 [tilespmem:s6], [sflag:$0x6], $0x1, s19, s29, $0xb8;
	[tilespmem:$0x1D580] =	vst v63  }
0x1f8: {  	_ = 	snop  }
0x1f9: {  	[spmem:s1] =	stream.indirect.scatter.add.f32 [tilespmem:s24], [sflag:$0x3], $0x80, s19, s29, $0xb8;
	[tilespmem:$0x1D580] =	vst v63  }
0x1fa: {  	_ =	swait.ge [sflag:s7], $0x4000  }
0x1fb: {  	[sflag:s7] =	ssyncset.done $0x0  }
0x1fc: {  	[sflag:s7] =	ssyncadd.s32 $0xFFFFC000  }
0x1fd: {  	_ =	swait.ge [sflag:s11], $0x4000  }
0x1fe: {  	[sflag:s11] =	ssyncset.done $0x0  }
0x1ff: {  	[sflag:s11] =	ssyncadd.s32 $0xFFFFC000  }
0x200: {  	_ =	swait.ge [sflag:s12], $0x80  }
0x201: {  	[sflag:s12] =	ssyncset.done $0x0  }
0x202: {  	s21 =	rddreg [dreg:$0xd];
	[sflag:s12] =	ssyncadd.s32 $0xFFFFFF80  }
0x203: {  	[tilespmem:s24], [sflag:$0x1] =	stream.indirect.gather [hbm4b:s5+s29], $0x80, s21, s29, $0xb8;
	[tilespmem:$0x1D580] =	vst v63  }
0x204: {  	_ = 	snop  }
0x205: {  	[spmem:s2] =	stream.indirect.scatter.add.f32 [tilespmem:s6], [sflag:$0x6], $0x1, s9, s29, $0xb8;
	[tilespmem:$0x1D580] =	vst v63  }
0x206: {  	_ = 	snop  }
0x207: {  	[spmem:s1] =	stream.indirect.scatter.add.f32 [tilespmem:s3], [sflag:$0x4], $0x80, s9, s29, $0xb8;
	[tilespmem:$0x1D580] =	vst v63  }
0x208: {  	_ =	swait.ge [sflag:s30], $0x4000  }
0x209: {  	[sflag:s30] =	ssyncset.done $0x0  }
0x20a: {  	[sflag:s30] =	ssyncadd.s32 $0xFFFFC000  }
0x20b: {  	_ =	swait.ge [sflag:s15], $0x4000  }
0x20c: {  	[sflag:s15] =	ssyncset.done $0x0  }
0x20d: {  	[sflag:s15] =	ssyncadd.s32 $0xFFFFC000  }
0x20e: {  	_ =	swait.ge [sflag:s12], $0x80  }
0x20f: {  	[sflag:s12] =	ssyncset.done $0x0  }
0x210: {  	s22 =	rddreg [dreg:$0xe];
	[sflag:s12] =	ssyncadd.s32 $0xFFFFFF80  }
0x211: {  	[tilespmem:s3], [sflag:$0x2] =	stream.indirect.gather [hbm4b:s5+s29], $0x80, s22, s29, $0xb8;
	[tilespmem:$0x1D580] =	vst v63  }
0x212: {  	_ = 	snop  }
0x213: {  	[spmem:s2] =	stream.indirect.scatter.add.f32 [tilespmem:s6], [sflag:$0x6], $0x1, s10, s29, $0xb8;
	[tilespmem:$0x1D580] =	vst v63  }
0x214: {  	_ = 	snop  }
0x215: {  	[spmem:s1] =	stream.indirect.scatter.add.f32 [tilespmem:s24], [sflag:$0x3], $0x80, s10, s29, $0xb8;
	[tilespmem:$0x1D580] =	vst v63  }
0x216: {  	_ =	swait.ge [sflag:s7], $0x4000  }
0x217: {  	[sflag:s7] =	ssyncset.done $0x0  }
0x218: {  	[sflag:s7] =	ssyncadd.s32 $0xFFFFC000  }
0x219: {  	_ =	swait.ge [sflag:s11], $0x4000  }
0x21a: {  	[sflag:s11] =	ssyncset.done $0x0  }
0x21b: {  	[sflag:s11] =	ssyncadd.s32 $0xFFFFC000  }
0x21c: {  	_ =	swait.ge [sflag:s12], $0x80  }
0x21d: {  	[sflag:s12] =	ssyncset.done $0x0  }
0x21e: {  	s21 =	rddreg [dreg:$0xf];
	[sflag:s12] =	ssyncadd.s32 $0xFFFFFF80  }
0x21f: {  	[tilespmem:s24], [sflag:$0x1] =	stream.indirect.gather [hbm4b:s5+s29], $0x80, s21, s29, $0xb8;
	[tilespmem:$0x1D580] =	vst v63  }
0x220: {  	_ = 	snop  }
0x221: {  	[spmem:s2] =	stream.indirect.scatter.add.f32 [tilespmem:s6], [sflag:$0x6], $0x1, s16, s29, $0xb8;
	[tilespmem:$0x1D580] =	vst v63  }
0x222: {  	_ = 	snop  }
0x223: {  	[spmem:s1] =	stream.indirect.scatter.add.f32 [tilespmem:s3], [sflag:$0x4], $0x80, s16, s29, $0xb8;
	[tilespmem:$0x1D580] =	vst v63  }
0x224: {  	_ =	swait.ge [sflag:s30], $0x4000  }
0x225: {  	[sflag:s30] =	ssyncset.done $0x0  }
0x226: {  	[sflag:s30] =	ssyncadd.s32 $0xFFFFC000  }
0x227: {  	_ =	swait.ge [sflag:s15], $0x4000  }
0x228: {  	[sflag:s15] =	ssyncset.done $0x0  }
0x229: {  	[sflag:s15] =	ssyncadd.s32 $0xFFFFC000  }
0x22a: {  	_ =	swait.ge [sflag:s12], $0x80  }
0x22b: {  	[sflag:s12] =	ssyncset.done $0x0  }
0x22c: {  	s20 =	simm.s32 @!p1 $0x5;
	[sflag:s12] =	ssyncadd.s32 $0xFFFFFF80  }
0x22d: {  	_ =	swait.ge @!p1 [sflag:s20], $0x400  }
0x22e: {  	[sflag:s20] =	ssyncset.done @!p1 $0x0  }
0x22f: {  	[sflag:s20] =	ssyncadd.s32 @!p1 $0xFFFFFC00  }
0x230: {  	_ =	swait.ge @!p1 [sflag:s20], $0x400  }
0x231: {  	[sflag:s20] =	ssyncset.done @!p1 $0x0  }
0x232: {  	s22 =	rddreg [dreg:$0x10];
	[sflag:s20] =	ssyncadd.s32 @!p1 $0xFFFFFC00  }
0x233: {  	[tilespmem:s3], [sflag:$0x2] =	stream.indirect.gather [hbm4b:s5+s29], $0x80, s22, s29, $0xb8;
	[tilespmem:$0x1D580] =	vst v63  }
0x234: {  	_ = 	snop  }
0x235: {  	[spmem:s2] =	stream.indirect.scatter.add.f32 [tilespmem:s6], [sflag:$0x6], $0x1, s17, s29, $0xb8;
	[tilespmem:$0x1D580] =	vst v63  }
0x236: {  	_ = 	snop  }
0x237: {  	[spmem:s1] =	stream.indirect.scatter.add.f32 [tilespmem:s24], [sflag:$0x3], $0x80, s17, s29, $0xb8;
	[tilespmem:$0x1D580] =	vst v63  }
0x238: {  	_ =	swait.ge [sflag:s7], $0x4000  }
0x239: {  	[sflag:s7] =	ssyncset.done $0x0  }
0x23a: {  	[sflag:s7] =	ssyncadd.s32 $0xFFFFC000  }
0x23b: {  	_ =	swait.ge [sflag:s11], $0x4000  }
0x23c: {  	[sflag:s11] =	ssyncset.done $0x0  }
0x23d: {  	s28 =	sadd.s32 $0x100, s28;
	[sflag:s11] =	ssyncadd.s32 $0xFFFFC000  }
0x23e: {  	p0 =	sne.s32 s28, $0x500;
	_ =	swait.ge [sflag:s12], $0x80  }
.Ltmp0:
0x23f: {  	[sflag:s12] =	ssyncset.done $0x0;
	(pc) =	sbr.rel @p0 .LBB2_2-.Ltmp0, $4  }
0x240: {  	s21 =	simm.s32 @!p1 $0x80;
	s20 =	simm.s32 @!p1 $0x1000;
	[sflag:s12] =	ssyncadd.s32 $0xFFFFFF80  }
0x241: {  	[tilespmem:s20], [sflag:$0x1] =	stream.indirect.gather @!p1 [hbm4b:s5+s21], $0x80, s14, s21, $0xb8;
	[tilespmem:$0x1D580] =	vst v63  }
0x242: {  	s31 =	sadd.s32 $0x1, s31;
	s21 =	simm.s32 $0xF80  }
0x243: {  	[spmem:s2] =	stream.indirect.scatter.add.f32 [tilespmem:s6], [sflag:$0x6], $0x1, s18, s29, $0xb8;
	[tilespmem:$0x1D580] =	vst v63  }
0x244: {  	[spmem:s1] =	stream.indirect.scatter.add.f32 [tilespmem:s3], [sflag:$0x4], $0x80, s21, s29, $0xb8;
	[tilespmem:$0x1D580] =	vst v63  }
0x245: {  	_ =	swait.ge [sflag:s15], $0x4000  }
0x246: {  	[sflag:s15] =	ssyncset.done $0x0  }
0x247: {  	[sflag:s15] =	ssyncadd.s32 $0xFFFFC000  }
0x248: {  	_ =	swait.ge [sflag:s12], $0x80  }
0x249: {  	[sflag:s12] =	ssyncset.done $0x0  }
0x24a: {  	[sflag:s12] =	ssyncadd.s32 $0xFFFFFF80  }
0x24b: {  	[bflag:$0x0] =	sbarrier.arrive $0xFFFF  }
0x24c: {  	s22 =	simm.s32 $0x7;
	s17 =	rddreg [dreg:$0x13]  }
0x24d: {  	[tilespmem:s24], [sflag:$0x7] =	stream.linear.gather [spmem:s17], $0x4000, $0x38;
	[tilespmem:$0x1D580] =	vst v63  }
0x24e: {  	_ =	swait.ge [sflag:s22], $0x4000  }
0x24f: {  	[sflag:s22] =	ssyncset.done $0x0  }
0x250: {  	s18 =	rddreg [dreg:$0x14];
	[sflag:s22] =	ssyncadd.s32 $0xFFFFC000  }
0x251: {  	[tilespmem:s3], [sflag:$0x2] =	stream.linear.gather [spmem:s18], $0x4000, $0x38;
	[tilespmem:$0x1D580] =	vst v63  }
0x252: {  	s14 =	simm.s32 $0x0;
	s20 =	rddreg [dreg:$0x16]  }
0x253: {  	[hbm4b:s20+s14] =	stream.linear.scatter [tilespmem:s24], [sflag:$0x7], $0x4000, $0x38;
	[tilespmem:$0x1D580] =	vst v63  }
0x254: {  	_ =	swait.ge [sflag:s22], $0x4000  }
0x255: {  	[sflag:s22] =	ssyncset.done $0x0  }
0x256: {  	[sflag:s22] =	ssyncadd.s32 $0xFFFFC000  }
0x257: {  	_ =	swait.ge [sflag:s7], $0x4000  }
0x258: {  	[sflag:s7] =	ssyncset.done $0x0  }
0x259: {  	s19 =	rddreg [dreg:$0x15];
	[sflag:s7] =	ssyncadd.s32 $0xFFFFC000  }
0x25a: {  	[tilespmem:s24], [sflag:$0x1] =	stream.linear.gather [spmem:s19], $0x4000, $0x38;
	[tilespmem:$0x1D580] =	vst v63  }
0x25b: {  	s28 =	rddreg [dreg:$0x17]  }
0x25c: {  	[hbm4b:s28+s14] =	stream.linear.scatter [tilespmem:s3], [sflag:$0x7], $0x4000, $0x38;
	[tilespmem:$0x1D580] =	vst v63  }
0x25d: {  	_ =	swait.ge [sflag:s22], $0x4000  }
0x25e: {  	[sflag:s22] =	ssyncset.done $0x0  }
0x25f: {  	[sflag:s22] =	ssyncadd.s32 $0xFFFFC000  }
0x260: {  	_ =	swait.ge [sflag:s30], $0x4000  }
0x261: {  	[sflag:s30] =	ssyncset.done $0x0  }
0x262: {  	s31 =	rddreg [dreg:$0x1b];
	[sflag:s30] =	ssyncadd.s32 $0xFFFFC000  }
0x263: {  	[tilespmem:s3], [sflag:$0x2] =	stream.linear.gather [spmem:s31], $0x4000, $0x38;
	[tilespmem:$0x1D580] =	vst v63  }
0x264: {  	s4 =	rddreg [dreg:$0x18]  }
0x265: {  	[hbm4b:s4+s14] =	stream.linear.scatter [tilespmem:s24], [sflag:$0x7], $0x4000, $0x38;
	[tilespmem:$0x1D580] =	vst v63  }
0x266: {  	_ =	swait.ge [sflag:s22], $0x4000  }
0x267: {  	[sflag:s22] =	ssyncset.done $0x0  }
0x268: {  	[sflag:s22] =	ssyncadd.s32 $0xFFFFC000  }
0x269: {  	_ =	swait.ge [sflag:s7], $0x4000  }
0x26a: {  	[sflag:s7] =	ssyncset.done $0x0  }
0x26b: {  	s13 =	rddreg [dreg:$0x1c];
	[sflag:s7] =	ssyncadd.s32 $0xFFFFC000  }
0x26c: {  	[tilespmem:s24], [sflag:$0x1] =	stream.linear.gather [spmem:s13], $0x4000, $0x38;
	[tilespmem:$0x1D580] =	vst v63  }
0x26d: {  	s9 =	rddreg [dreg:$0x19]  }
0x26e: {  	[hbm4b:s9+s14] =	stream.linear.scatter [tilespmem:s3], [sflag:$0x7], $0x4000, $0x38;
	[tilespmem:$0x1D580] =	vst v63  }
0x26f: {  	_ =	swait.ge [sflag:s22], $0x4000  }
0x270: {  	[sflag:s22] =	ssyncset.done $0x0  }
0x271: {  	[sflag:s22] =	ssyncadd.s32 $0xFFFFC000  }
0x272: {  	_ =	swait.ge [sflag:s30], $0x4000  }
0x273: {  	[sflag:s30] =	ssyncset.done $0x0  }
0x274: {  	s28 =	rddreg [dreg:$0x1a];
	[sflag:s30] =	ssyncadd.s32 $0xFFFFC000  }
0x275: {  	[hbm4b:s28+s14] =	stream.linear.scatter [tilespmem:s24], [sflag:$0x7], $0x4000, $0x38;
	[tilespmem:$0x1D580] =	vst v63  }
0x276: {  	_ =	swait.ge [sflag:s22], $0x4000  }
0x277: {  	[sflag:s22] =	ssyncset.done $0x0  }
0x278: {  	s28 =	simm.s32 $0x9080;
	s14 =	rddreg [dreg:$0x1d];
	[sflag:s22] =	ssyncadd.s32 $0xFFFFC000  }
0x279: {  	[tilespmem:s28], [sflag:$0x7] =	stream.linear.gather [spmem:s14], $0x280, $0x38;
	[tilespmem:$0x1D580] =	vst v63  }
0x27a: {  	_ =	swait.ge [sflag:s22], $0x280  }
0x27b: {  	s4 =	sld [smem:$0x7FC]  }
0x27c: {  	[sflag:s22] =	ssyncset.done $0x0  }
0x27d: {  	s9 =	simm.s32 $0x100;
	[sflag:s22] =	ssyncadd.s32 $0xFFFFFD80  }
0x27e: {  	[hbm4b:s4+s29] =	stream.strided.scatter [tilespmem:s28], [sflag:$0x7], $0x280, s9, s29, $0x38;
	[tilespmem:$0x1D580] =	vst v63  }
0x27f: {  	_ =	swait.ge [sflag:s22], $0x280  }
0x280: {  	s4 =	sld [smem:$0x7FB]  }
0x281: {  	s28 =	sld [smem:$0x7FD];
	_ =	sdelay $0x1  }
0x282: {  	s4 =	sadd.s32 $0x1, s4  }
0x283: {  	p0 =	sne.s32 s4, s28  }
.Ltmp1:
0x284: {  	_ = 	snop;
	(pc) =	sbr.rel @p0 .LBB2_1-.Ltmp1, $3  }
0x285: {  	_ =	sdelay $0x1  }
0x286: {  	[sflag:s22] =	ssyncset.done $0x0  }
0x287: {  	[sflag:s22] =	ssyncadd.s32 $0xFFFFFD80  }
0x288: {  	_ =	sfence.sel $0x180000  }
0x289: {  	[bflag:$0x0] =	sbarrier.arrive $0xFFFF  }
0x28a: {  	_ =	strace $0x9000004A  }
0x28b: {  	s0 =	stileid.u32;
	[bflag:$0x2] =	sbarrier.arrive $0xFFFF  }
0x28c: {  	p0 =	sne.s32 s0, $0x0;
	s0 =	rddreg [dreg:$0x4]  }
0x28d: {  	s0 =	sadd.s32 @!p0 $0x100000, s0  }
0x28e: {  	[sflag:s0] =	ssyncadd.tile.s32 @!p0 $0x1;
	_ =	shalt  }
.Lfunc_end2:
_tile_overlayer_lowered:
.L_overlay_start_2:
0x28f: {  	(tag) =	ssettag $0x2  }
0x290: {  	s0 =	rddreg [dreg:$0x0];
	s2 =	stileid.u32  }
0x291: {  	s1 =	rddreg [dreg:$0x1];
	p0 =	sne.s32 s2, $0x0  }
0x292: {  	s3 =	rddreg [dreg:$0x2];
	[bflag:$0x3] =	sbarrier.arrive $0xFFFF;
	s2 =	simm.s32 @!p0 $0x1C07  }
0x293: {  	[timem:s3], [sflag:s2] =	dma.local @!p0 [hbm:s0], s1  }
0x294: {  	s0 =	simm.s32 @!p0 $0x7  }
0x295: {  	_ =	swait.ge @!p0 [sflag:s0], s1  }
0x296: {  	s1 =	ssub.s32 @!p0 $0x0, s1;
	[sflag:s0] =	ssyncset.done @!p0 $0x0  }
0x297: {  	[sflag:s0] =	ssyncadd.s32 @!p0 s1  }
0x298: {  	[bflag:$0x3] =	sbarrier.arrive $0xFFFF  }
0x299: {  	_ =	shalt  }

</sc_bundles>
